<compile_context>
chip_gen: v7x
topology: tpu7x:2x2x1
jax: 0.10.2.dev20260603
libtpu: 0.0.44.dev20260713+nightly
codegen_flags: <defaults>
</compile_context>

<pallas_src>
import math

import jax
import jax.numpy as jnp
from jax import lax
from jax.experimental import pallas as pl
from jax.experimental.pallas import tpu as pltpu
from jax.experimental.pallas import tpu_sc as plsc

T = 2048
D = 1024
E = 8
HS = 2 * D
HR = 3 * D
TAU = 1.5
BLK = 128
NB = 40
S = NB * BLK
BH = 1024
NBH = HR // BH

_F32 = jnp.float32
_PREC = lax.Precision.DEFAULT


def _gelu(v):
    return 0.5 * v * (1.0 + lax.erf(v * (1.0 / math.sqrt(2.0))))



def _router_body(lg_ref, idx_ref, w_ref):
    logits = lg_ref[...]
    col = lax.broadcasted_iota(jnp.int32, (T, E), 1)
    v1 = jnp.max(logits, axis=-1, keepdims=True)
    i1 = jnp.min(jnp.where(logits == v1, col, E), axis=-1, keepdims=True)
    masked = jnp.where(col == i1, -jnp.inf, logits)
    v2 = jnp.max(masked, axis=-1, keepdims=True)
    i2 = jnp.min(jnp.where(masked == v2, col, E), axis=-1, keepdims=True)
    w1 = 1.0 / (1.0 + jnp.exp(v2 - v1))
    idx_ref[:, 0:1] = i1
    idx_ref[:, 1:2] = i2
    w_ref[:, 0:1] = w1
    w_ref[:, 1:2] = 1.0 - w1


def _router(xm, r_w, r_b):
    logits = (xm @ r_w + r_b) / max(TAU, 1e-6)
    return pl.pallas_call(
        _router_body,
        out_shape=(jax.ShapeDtypeStruct((T, 2), jnp.int32),
                   jax.ShapeDtypeStruct((T, 2), _F32)),
    )(logits)



BT_S = 256
NT_S = T // BT_S


def _shared_body(x_ref, w1a_ref, w1g_ref, b1a_ref, b1g_ref, w2_ref, b2_ref,
                 out_ref):
    x = x_ref[...]
    a = jnp.dot(x, w1a_ref[...], precision=_PREC,
                preferred_element_type=_F32) + b1a_ref[...]
    g = jnp.dot(x, w1g_ref[...], precision=_PREC,
                preferred_element_type=_F32) + b1g_ref[...]
    out_ref[...] = jnp.dot(a * _gelu(g), w2_ref[...], precision=_PREC,
                           preferred_element_type=_F32) + b2_ref[...]


def _shared_mlp(xm, sh_w1, sh_b1, sh_w2, sh_b2):
    b1 = sh_b1.reshape(1, 2 * HS)
    return pl.pallas_call(
        _shared_body,
        grid=(NT_S,),
        in_specs=[
            pl.BlockSpec((BT_S, D), lambda t: (t, 0)),
            pl.BlockSpec((D, HS), lambda t: (0, 0)),
            pl.BlockSpec((D, HS), lambda t: (0, 1)),
            pl.BlockSpec((1, HS), lambda t: (0, 0)),
            pl.BlockSpec((1, HS), lambda t: (0, 1)),
            pl.BlockSpec((HS, D), lambda t: (0, 0)),
            pl.BlockSpec((1, D), lambda t: (0, 0)),
        ],
        out_specs=pl.BlockSpec((BT_S, D), lambda t: (t, 0)),
        out_shape=jax.ShapeDtypeStruct((T, D), _F32),
    )(xm, sh_w1, sh_w1, b1, b1, sh_w2, sh_b2.reshape(1, D))



def _gmm_body(be_ref, xg_ref, w1a_ref, w1g_ref, b1a_ref, b1g_ref, w2_ref,
              b2_ref, sw_ref, out_ref):
    bh = pl.program_id(0)
    b = pl.program_id(1)
    x = xg_ref[...]
    a = jnp.dot(x, w1a_ref[0], precision=_PREC,
                preferred_element_type=_F32) + b1a_ref[0]
    g = jnp.dot(x, w1g_ref[0], precision=_PREC,
                preferred_element_type=_F32) + b1g_ref[0]
    contrib = jnp.dot(a * _gelu(g), w2_ref[0], precision=_PREC,
                      preferred_element_type=_F32)
    rows = pl.ds(b * BLK, BLK)

    @pl.when(bh == 0)
    def _():
        out_ref[rows, :] = contrib

    @pl.when(bh == 1)
    def _():
        out_ref[rows, :] += contrib

    @pl.when(bh == NBH - 1)
    def _():
        out_ref[rows, :] = ((out_ref[rows, :] + contrib + b2_ref[0]) *
                            sw_ref[0, 0][:, None])


def _gmm(xg, e_w1, e_b1, e_w2, e_b2, slot_w, blk_expert):
    grid_spec = pltpu.PrefetchScalarGridSpec(
        num_scalar_prefetch=1,
        grid=(NBH, NB),
        in_specs=[
            pl.BlockSpec((BLK, D), lambda bh, b, be: (b, 0)),
            pl.BlockSpec((1, D, BH), lambda bh, b, be: (be[b], 0, bh)),
            pl.BlockSpec((1, D, BH), lambda bh, b, be: (be[b], 0, bh + NBH)),
            pl.BlockSpec((1, 1, BH), lambda bh, b, be: (be[b], 0, bh)),
            pl.BlockSpec((1, 1, BH), lambda bh, b, be: (be[b], 0, bh + NBH)),
            pl.BlockSpec((1, BH, D), lambda bh, b, be: (be[b], bh, 0)),
            pl.BlockSpec((1, 1, D), lambda bh, b, be: (be[b], 0, 0)),
            pl.BlockSpec((1, 1, BLK), lambda bh, b, be: (b, 0, 0)),
        ],
        out_specs=pl.BlockSpec((S, D), lambda bh, b, be: (0, 0)),
    )
    return pl.pallas_call(
        _gmm_body,
        grid_spec=grid_spec,
        out_shape=jax.ShapeDtypeStruct((S, D), _F32),
    )(blk_expert, xg, e_w1, e_w1, e_b1.reshape(E, 1, 2 * HR),
      e_b1.reshape(E, 1, 2 * HR), e_w2, e_b2.reshape(E, 1, D),
      slot_w.reshape(NB, 1, BLK))



_NC, _NS, _L = 2, 16, 16
_NW = _NC * _NS
_NSTEP = (2 * T) // _L
_SINIT = S // _L
_NBPAD = 48

_SC_MESH = plsc.VectorSubcoreMesh(core_axis_name="c", subcore_axis_name="s")


def _wid():
    return lax.axis_index("s") * _NC + lax.axis_index("c")


def _vgather(vec, idx):
    return vec.at[idx].get(mode="promise_in_bounds")


def _dispatch_body(ti_hbm, tw_hbm, st_hbm, sw_hbm, be_hbm, sl_hbm,
                   ids_v, w_v, st_v, sw_v, be_v, sl_v):
    @pl.when(_wid() == 0)
    def _():
        pltpu.sync_copy(ti_hbm, ids_v)
        pltpu.sync_copy(tw_hbm, w_v)
        lanes = lax.iota(jnp.int32, _L)

        def count_step(i, counts):
            idv = ids_v[pl.ds(i * _L, _L)]
            for e in range(E):
                c = jnp.sum(jnp.where(idv == e, 1, 0))
                counts = counts + jnp.where(lanes == e, c, 0)
            return counts

        counts = lax.fori_loop(0, _NSTEP, count_step,
                               jnp.zeros((_L,), jnp.int32))
        blocks = (counts + (BLK - 1)) >> 7
        cumb = plsc.cumsum(blocks)
        row_off = (cumb - blocks) * BLK

        for ch in range(_NBPAD // _L):
            jb = lanes + ch * _L
            be = jnp.zeros((_L,), jnp.int32)
            for e in range(E - 1):
                ce = jnp.sum(jnp.where(lanes == e, cumb, 0))
                be = be + jnp.where(jb >= ce, 1, 0)
            be_v[pl.ds(ch * _L, _L)] = be

        def zero_step(i, carry):
            st_v[pl.ds(i * _L, _L)] = jnp.zeros((_L,), jnp.int32)
            sw_v[pl.ds(i * _L, _L)] = jnp.zeros((_L,), _F32)
            return carry

        lax.fori_loop(0, _SINIT, zero_step, 0)

        def scat_step(i, fill):
            idv = ids_v[pl.ds(i * _L, _L)]
            rank = jnp.zeros((_L,), jnp.int32)
            newfill = fill
            for e in range(E):
                m = idv == e
                mi = jnp.where(m, 1, 0)
                cs = plsc.cumsum(mi)
                rank = jnp.where(m, cs - mi, rank)
                c = jnp.sum(jnp.where(lanes == _L - 1, cs, 0))
                newfill = newfill + jnp.where(lanes == e, c, 0)
            slot = _vgather(row_off + fill, idv) + rank
            tok = (lanes + i * _L) >> 1
            plsc.store_scatter(st_v, [slot], tok)
            plsc.store_scatter(sw_v, [slot], w_v[pl.ds(i * _L, _L)])
            sl_v[pl.ds(i * _L, _L)] = slot
            return newfill

        lax.fori_loop(0, _NSTEP, scat_step, jnp.zeros((_L,), jnp.int32))
        pltpu.sync_copy(st_v, st_hbm)
        pltpu.sync_copy(sw_v, sw_hbm)
        pltpu.sync_copy(be_v, be_hbm)
        pltpu.sync_copy(sl_v, sl_hbm)


def _sc_dispatch(ti_flat, tw_flat):
    return pl.kernel(
        _dispatch_body,
        out_type=(jax.ShapeDtypeStruct((S,), jnp.int32),
                  jax.ShapeDtypeStruct((S,), _F32),
                  jax.ShapeDtypeStruct((_NBPAD,), jnp.int32),
                  jax.ShapeDtypeStruct((2 * T,), jnp.int32)),
        mesh=_SC_MESH,
        compiler_params=pltpu.CompilerParams(needs_layout_passes=False),
        scratch_types=[pltpu.VMEM((2 * T,), jnp.int32),
                       pltpu.VMEM((2 * T,), _F32),
                       pltpu.VMEM((S,), jnp.int32),
                       pltpu.VMEM((S,), _F32),
                       pltpu.VMEM((_NBPAD,), jnp.int32),
                       pltpu.VMEM((2 * T,), jnp.int32)],
    )(ti_flat, tw_flat)


_RPW = S // _NW
_GCH = 40
_NGCH = _RPW // _GCH


def _gather_body(x_hbm, idx_hbm, out_hbm, i0, i1, i2, i3, r0, r1,
                 gsem, ssem):
    base = _wid() * _RPW
    idx = [i0, i1, i2, i3]
    rows = [r0, r1]
    ic = [pltpu.async_copy(idx_hbm.at[pl.ds(base + ch * _GCH, _GCH)],
                           idx[ch], ssem) for ch in range(_NGCH)]
    for c in ic:
        c.wait()

    def _fire(ch):
        return pltpu.async_copy(x_hbm.at[idx[ch]], rows[ch % 2], gsem)

    def _store(ch):
        return pltpu.async_copy(rows[ch % 2],
                                out_hbm.at[pl.ds(base + ch * _GCH, _GCH)],
                                ssem)

    g = {0: _fire(0)}
    st = {}
    for ch in range(_NGCH):
        if ch + 1 < _NGCH:
            if ch - 1 >= 0:
                st[ch - 1].wait()
            g[ch + 1] = _fire(ch + 1)
        g[ch].wait()
        st[ch] = _store(ch)
    st[_NGCH - 2].wait()
    st[_NGCH - 1].wait()


def _sc_gather(xm, src_token):
    return pl.kernel(
        _gather_body,
        out_type=jax.ShapeDtypeStruct((S, D), _F32),
        mesh=_SC_MESH,
        compiler_params=pltpu.CompilerParams(needs_layout_passes=False),
        scratch_types=[pltpu.VMEM((_GCH,), jnp.int32),
                       pltpu.VMEM((_GCH,), jnp.int32),
                       pltpu.VMEM((_GCH,), jnp.int32),
                       pltpu.VMEM((_GCH,), jnp.int32),
                       pltpu.VMEM((_GCH, D), _F32),
                       pltpu.VMEM((_GCH, D), _F32),
                       pltpu.SemaphoreType.DMA,
                       pltpu.SemaphoreType.DMA],
    )(xm, src_token)


_TPW = T // _NW
_CT = 16
_NCT = _TPW // _CT


def _combine_body(ysh_hbm, routed_hbm, sl_hbm, out_hbm,
                  i0, i1, i2, i3, y0, y1, r0, r1, gsem, ssem):
    tb = _wid() * _TPW
    idx = [i0, i1, i2, i3]
    yb = [y0, y1]
    rb = [r0, r1]
    ic = [pltpu.async_copy(sl_hbm.at[pl.ds(2 * (tb + ch * _CT), 2 * _CT)],
                           idx[ch], ssem) for ch in range(_NCT)]
    for c in ic:
        c.wait()

    def _fire(ch):
        b = ch % 2
        return (pltpu.async_copy(ysh_hbm.at[pl.ds(tb + ch * _CT, _CT)],
                                 yb[b], gsem),
                pltpu.async_copy(routed_hbm.at[idx[ch]], rb[b], gsem))

    def _store(ch):
        return pltpu.async_copy(yb[ch % 2],
                                out_hbm.at[pl.ds(tb + ch * _CT, _CT)], ssem)

    g = {0: _fire(0)}
    st = {}
    for ch in range(_NCT):
        b = ch % 2
        if ch + 1 < _NCT:
            if ch - 1 >= 0:
                st[ch - 1].wait()
            g[ch + 1] = _fire(ch + 1)
        g[ch][0].wait()
        g[ch][1].wait()

        def tok_step(tt, carry):
            def col_step(cc, carry2):
                c0 = cc * _L
                yb[b][tt, pl.ds(c0, _L)] = (yb[b][tt, pl.ds(c0, _L)]
                                            + rb[b][2 * tt, pl.ds(c0, _L)]
                                            + rb[b][2 * tt + 1, pl.ds(c0, _L)])
                return carry2

            lax.fori_loop(0, D // _L, col_step, 0)
            return carry

        lax.fori_loop(0, _CT, tok_step, 0)
        st[ch] = _store(ch)
    st[_NCT - 2].wait()
    st[_NCT - 1].wait()


def _sc_combine(ysh, routed, sl_flat):
    return pl.kernel(
        _combine_body,
        out_type=jax.ShapeDtypeStruct((T, D), _F32),
        mesh=_SC_MESH,
        compiler_params=pltpu.CompilerParams(needs_layout_passes=False),
        scratch_types=[pltpu.VMEM((2 * _CT,), jnp.int32),
                       pltpu.VMEM((2 * _CT,), jnp.int32),
                       pltpu.VMEM((2 * _CT,), jnp.int32),
                       pltpu.VMEM((2 * _CT,), jnp.int32),
                       pltpu.VMEM((_CT, D), _F32),
                       pltpu.VMEM((_CT, D), _F32),
                       pltpu.VMEM((2 * _CT, D), _F32),
                       pltpu.VMEM((2 * _CT, D), _F32),
                       pltpu.SemaphoreType.DMA,
                       pltpu.SemaphoreType.DMA],
    )(ysh, routed, sl_flat)


def kernel(x, sh_w1, sh_b1, sh_w2, sh_b2, e_w1, e_b1, e_w2, e_b2, r_w, r_b):
    xm = x.reshape(T, D)
    top_idx, top_w = _router(xm, r_w, r_b)
    src_token, slot_w, be_pad, sl_flat = _sc_dispatch(
        top_idx.reshape(-1), top_w.reshape(-1))
    ysh = _shared_mlp(xm, sh_w1, sh_b1, sh_w2, sh_b2)
    xg = _sc_gather(xm, src_token)
    routed = _gmm(xg, e_w1, e_b1, e_w2, e_b2, slot_w, be_pad[:NB])
    out = _sc_combine(ysh, routed, sl_flat)
    return out.reshape(1, T, D)

# --- scband reference (transcript-rebuilt; emitter-appended) ---
"""Pipeline reference for scband-shared-routed-mo-e-52441550684579 (READ-ONLY COPY).

The authoritative reference and input builder live on the scoring server;
editing this copy changes nothing except your own understanding.
"""

import jax, jax.numpy as jnp
import numpy as np

D = 1024
E = 8
NS = 1
HS = 2 * D
HR = 3 * D
TAU = 1.5


def _xavier(k, shape):
    fan_in, fan_out = shape[-2], shape[-1]
    lim = (6.0 / (fan_in + fan_out)) ** 0.5
    return jax.random.uniform(k, shape, jnp.float32, -lim, lim)


def setup_inputs(seed: int = 0):
    key = jax.random.key(seed)
    ks = jax.random.split(key, 8)
    x = jax.random.normal(ks[0], (1, 2048, D), dtype=jnp.float32)
    sh_w1 = _xavier(ks[1], (D, 2 * HS))
    sh_b1 = jnp.zeros((2 * HS,), jnp.float32)
    sh_w2 = _xavier(ks[2], (HS, D))
    sh_b2 = jnp.zeros((D,), jnp.float32)
    e_w1 = _xavier(ks[3], (E, D, 2 * HR))
    e_b1 = jnp.zeros((E, 2 * HR), jnp.float32)
    e_w2 = _xavier(ks[4], (E, HR, D))
    e_b2 = jnp.zeros((E, D), jnp.float32)
    r_w = _xavier(ks[5], (D, E))
    r_b = jnp.zeros((E,), jnp.float32)
    return dict(x=x, sh_w1=sh_w1, sh_b1=sh_b1, sh_w2=sh_w2, sh_b2=sh_b2,
                e_w1=e_w1, e_b1=e_b1, e_w2=e_w2, e_b2=e_b2, r_w=r_w, r_b=r_b)


def _geglu(h):
    a, g = jnp.split(h, 2, axis=-1)
    return a * jax.nn.gelu(g, approximate=False)


def reference(x, sh_w1, sh_b1, sh_w2, sh_b2, e_w1, e_b1, e_w2, e_b2, r_w, r_b):
    # shared experts (n_shared=1)
    y_shared = (_geglu(x @ sh_w1 + sh_b1) @ sh_w2 + sh_b2) / NS
    # top-2 router (noisy_std=0, eval-equivalent)
    logits = (x @ r_w + r_b) / max(TAU, 1e-6)
    top_val, top_idx = jax.lax.top_k(logits, 2)
    top_w = jax.nn.softmax(top_val, axis=-1)
    # combine weights per expert: [B,T,E]
    cw = jnp.sum(jax.nn.one_hot(top_idx, E, dtype=jnp.float32) * top_w[..., None], axis=-2)
    # dropless routed experts: dense-masked equivalent of per-expert gather/scatter-add
    y_routed = jnp.zeros_like(x)
    for e in range(E):
        h = x @ e_w1[e] + e_b1[e]
        mid = _geglu(h)
        out = mid @ e_w2[e] + e_b2[e]
        y_routed = y_routed + out * cw[..., e:e + 1]
    return y_shared + y_routed

if __name__ == "__main__":
    import jax
    _d = setup_inputs()
    print(jax.jit(kernel)(*tuple(_d.values())))

</pallas_src>

<mosaic_0001>
#map = affine_map<(d0, d1) -> (0, 0)>
#map1 = affine_map<(d0, d1) -> (0)>
module attributes {stable_mosaic.version = 14 : i64} {
  func.func @_combine_body(%arg0: i32, %arg1: i32, %arg2: memref<2048x1024xf32, #tpu.memory_space<hbm>>, %arg3: memref<5120x1024xf32, #tpu.memory_space<hbm>>, %arg4: memref<4096xi32, #tpu.memory_space<hbm>>, %arg5: memref<2048x1024xf32, #tpu.memory_space<hbm>>, %arg6: memref<32xi32, #tpu.memory_space<vmem>>, %arg7: memref<32xi32, #tpu.memory_space<vmem>>, %arg8: memref<32xi32, #tpu.memory_space<vmem>>, %arg9: memref<32xi32, #tpu.memory_space<vmem>>, %arg10: memref<16x1024xf32, #tpu.memory_space<vmem>>, %arg11: memref<16x1024xf32, #tpu.memory_space<vmem>>, %arg12: memref<32x1024xf32, #tpu.memory_space<vmem>>, %arg13: memref<32x1024xf32, #tpu.memory_space<vmem>>, %arg14: memref<!tpu.dma_semaphore, #tpu.memory_space<semaphore_mem>>, %arg15: memref<!tpu.dma_semaphore, #tpu.memory_space<semaphore_mem>>) attributes {dimension_semantics = [#tpu.dimension_semantics<core_parallel>, #tpu.dimension_semantics<subcore_parallel>], iteration_bounds = array<i64: 2, 16>, scalar_prefetch = 0 : i64, scratch_operands = 10 : i64, tpu.core_type = #tpu.core_type<sc_vector_subcore>, window_params = [{transform_indices = #map}, {transform_indices = #map}, {transform_indices = #map1}, {transform_indices = #map}]} {
    %mul3A = arith.constant 2 : i32
    %mul3A_0 = arith.muli %arg1, %mul3A : i32
    %add3A = arith.addi %mul3A_0, %arg0 : i32
    %mul3A_1 = arith.constant 64 : i32
    %mul3A_2 = arith.muli %add3A, %mul3A_1 : i32
    %add3A_3 = arith.constant 0 : i32
    %add3A_4 = arith.addi %mul3A_2, %add3A_3 : i32
    %mul3A_5 = arith.constant 2 : i32
    %mul3A_6 = arith.muli %mul3A_5, %add3A_4 : i32
    %dma_start3A = tpu.memref_slice %arg4[%mul3A_6] : memref<4096xi32, #tpu.memory_space<hbm>> -> memref<32xi32, #tpu.memory_space<hbm>>
    %dma_start3A_7 = tpu.memref_slice %arg4[%mul3A_6] : memref<4096xi32, #tpu.memory_space<hbm>> -> memref<32xi32, #tpu.memory_space<hbm>>
    tpu.enqueue_dma source(%dma_start3A_7 : memref<32xi32, #tpu.memory_space<hbm>>) target(%arg6 : memref<32xi32, #tpu.memory_space<vmem>>) target_semaphore(%arg15 : memref<!tpu.dma_semaphore, #tpu.memory_space<semaphore_mem>>)
    %add3A_8 = arith.constant 16 : i32
    %add3A_9 = arith.addi %mul3A_2, %add3A_8 : i32
    %mul3A_10 = arith.constant 2 : i32
    %mul3A_11 = arith.muli %mul3A_10, %add3A_9 : i32
    %dma_start3A_12 = tpu.memref_slice %arg4[%mul3A_11] : memref<4096xi32, #tpu.memory_space<hbm>> -> memref<32xi32, #tpu.memory_space<hbm>>
    %dma_start3A_13 = tpu.memref_slice %arg4[%mul3A_11] : memref<4096xi32, #tpu.memory_space<hbm>> -> memref<32xi32, #tpu.memory_space<hbm>>
    tpu.enqueue_dma source(%dma_start3A_13 : memref<32xi32, #tpu.memory_space<hbm>>) target(%arg7 : memref<32xi32, #tpu.memory_space<vmem>>) target_semaphore(%arg15 : memref<!tpu.dma_semaphore, #tpu.memory_space<semaphore_mem>>)
    %add3A_14 = arith.constant 32 : i32
    %add3A_15 = arith.addi %mul3A_2, %add3A_14 : i32
    %mul3A_16 = arith.constant 2 : i32
    %mul3A_17 = arith.muli %mul3A_16, %add3A_15 : i32
    %dma_start3A_18 = tpu.memref_slice %arg4[%mul3A_17] : memref<4096xi32, #tpu.memory_space<hbm>> -> memref<32xi32, #tpu.memory_space<hbm>>
    %dma_start3A_19 = tpu.memref_slice %arg4[%mul3A_17] : memref<4096xi32, #tpu.memory_space<hbm>> -> memref<32xi32, #tpu.memory_space<hbm>>
    tpu.enqueue_dma source(%dma_start3A_19 : memref<32xi32, #tpu.memory_space<hbm>>) target(%arg8 : memref<32xi32, #tpu.memory_space<vmem>>) target_semaphore(%arg15 : memref<!tpu.dma_semaphore, #tpu.memory_space<semaphore_mem>>)
    %add3A_20 = arith.constant 48 : i32
    %add3A_21 = arith.addi %mul3A_2, %add3A_20 : i32
    %mul3A_22 = arith.constant 2 : i32
    %mul3A_23 = arith.muli %mul3A_22, %add3A_21 : i32
    %dma_start3A_24 = tpu.memref_slice %arg4[%mul3A_23] : memref<4096xi32, #tpu.memory_space<hbm>> -> memref<32xi32, #tpu.memory_space<hbm>>
    %dma_start3A_25 = tpu.memref_slice %arg4[%mul3A_23] : memref<4096xi32, #tpu.memory_space<hbm>> -> memref<32xi32, #tpu.memory_space<hbm>>
    tpu.enqueue_dma source(%dma_start3A_25 : memref<32xi32, #tpu.memory_space<hbm>>) target(%arg9 : memref<32xi32, #tpu.memory_space<vmem>>) target_semaphore(%arg15 : memref<!tpu.dma_semaphore, #tpu.memory_space<semaphore_mem>>)
    %dma_wait3A = tpu.memref_slice %arg4[%mul3A_6] : memref<4096xi32, #tpu.memory_space<hbm>> -> memref<32xi32, #tpu.memory_space<hbm>>
    %dma_wait3A_26 = tpu.memref_slice %arg4[%mul3A_6] : memref<4096xi32, #tpu.memory_space<hbm>> -> memref<32xi32, #tpu.memory_space<hbm>>
    tpu.wait_dma2 semaphore(%arg15 : memref<!tpu.dma_semaphore, #tpu.memory_space<semaphore_mem>>) src(%dma_wait3A_26 : memref<32xi32, #tpu.memory_space<hbm>>) dst(%arg6 : memref<32xi32, #tpu.memory_space<vmem>>)
    %dma_wait3A_27 = tpu.memref_slice %arg4[%mul3A_11] : memref<4096xi32, #tpu.memory_space<hbm>> -> memref<32xi32, #tpu.memory_space<hbm>>
    %dma_wait3A_28 = tpu.memref_slice %arg4[%mul3A_11] : memref<4096xi32, #tpu.memory_space<hbm>> -> memref<32xi32, #tpu.memory_space<hbm>>
    tpu.wait_dma2 semaphore(%arg15 : memref<!tpu.dma_semaphore, #tpu.memory_space<semaphore_mem>>) src(%dma_wait3A_28 : memref<32xi32, #tpu.memory_space<hbm>>) dst(%arg7 : memref<32xi32, #tpu.memory_space<vmem>>)
    %dma_wait3A_29 = tpu.memref_slice %arg4[%mul3A_17] : memref<4096xi32, #tpu.memory_space<hbm>> -> memref<32xi32, #tpu.memory_space<hbm>>
    %dma_wait3A_30 = tpu.memref_slice %arg4[%mul3A_17] : memref<4096xi32, #tpu.memory_space<hbm>> -> memref<32xi32, #tpu.memory_space<hbm>>
    tpu.wait_dma2 semaphore(%arg15 : memref<!tpu.dma_semaphore, #tpu.memory_space<semaphore_mem>>) src(%dma_wait3A_30 : memref<32xi32, #tpu.memory_space<hbm>>) dst(%arg8 : memref<32xi32, #tpu.memory_space<vmem>>)
    %dma_wait3A_31 = tpu.memref_slice %arg4[%mul3A_23] : memref<4096xi32, #tpu.memory_space<hbm>> -> memref<32xi32, #tpu.memory_space<hbm>>
    %dma_wait3A_32 = tpu.memref_slice %arg4[%mul3A_23] : memref<4096xi32, #tpu.memory_space<hbm>> -> memref<32xi32, #tpu.memory_space<hbm>>
    tpu.wait_dma2 semaphore(%arg15 : memref<!tpu.dma_semaphore, #tpu.memory_space<semaphore_mem>>) src(%dma_wait3A_32 : memref<32xi32, #tpu.memory_space<hbm>>) dst(%arg9 : memref<32xi32, #tpu.memory_space<vmem>>)
    %add3A_33 = arith.constant 0 : i32
    %add3A_34 = arith.addi %mul3A_2, %add3A_33 : i32
    %dma_start3A_35 = arith.constant 0 : i32
    %dma_start3A_36 = tpu.memref_slice %arg2[%add3A_34, %dma_start3A_35] : memref<2048x1024xf32, #tpu.memory_space<hbm>> -> memref<16x1024xf32, #tpu.memory_space<hbm>>
    %dma_start3A_37 = arith.constant 0 : i32
    %dma_start3A_38 = tpu.memref_slice %arg2[%add3A_34, %dma_start3A_37] : memref<2048x1024xf32, #tpu.memory_space<hbm>> -> memref<16x1024xf32, #tpu.memory_space<hbm>>
    tpu.enqueue_dma source(%dma_start3A_38 : memref<16x1024xf32, #tpu.memory_space<hbm>>) target(%arg10 : memref<16x1024xf32, #tpu.memory_space<vmem>>) target_semaphore(%arg14 : memref<!tpu.dma_semaphore, #tpu.memory_space<semaphore_mem>>)
    %dma_start3A_39 = arith.constant 0 : i32
    %dma_start3A_40 = arith.constant 0 : i32
    %dma_start3A_41 = tpu.memref_slice %arg3[%dma_start3A_39, %dma_start3A_40] : memref<5120x1024xf32, #tpu.memory_space<hbm>> -> memref<5120x1024xf32, #tpu.memory_space<hbm>>
    tpu.enqueue_indirect_dma source(%dma_start3A_41 : memref<5120x1024xf32, #tpu.memory_space<hbm>>) target(%arg12 : memref<32x1024xf32, #tpu.memory_space<vmem>>) offsets(%arg6 : memref<32xi32, #tpu.memory_space<vmem>>) semaphore(%arg14 : memref<!tpu.dma_semaphore, #tpu.memory_space<semaphore_mem>>)
    %add3A_42 = arith.constant 16 : i32
    %add3A_43 = arith.addi %mul3A_2, %add3A_42 : i32
    %dma_start3A_44 = arith.constant 0 : i32
    %dma_start3A_45 = tpu.memref_slice %arg2[%add3A_43, %dma_start3A_44] : memref<2048x1024xf32, #tpu.memory_space<hbm>> -> memref<16x1024xf32, #tpu.memory_space<hbm>>
    %dma_start3A_46 = arith.constant 0 : i32
    %dma_start3A_47 = tpu.memref_slice %arg2[%add3A_43, %dma_start3A_46] : memref<2048x1024xf32, #tpu.memory_space<hbm>> -> memref<16x1024xf32, #tpu.memory_space<hbm>>
    tpu.enqueue_dma source(%dma_start3A_47 : memref<16x1024xf32, #tpu.memory_space<hbm>>) target(%arg11 : memref<16x1024xf32, #tpu.memory_space<vmem>>) target_semaphore(%arg14 : memref<!tpu.dma_semaphore, #tpu.memory_space<semaphore_mem>>)
    %dma_start3A_48 = arith.constant 0 : i32
    %dma_start3A_49 = arith.constant 0 : i32
    %dma_start3A_50 = tpu.memref_slice %arg3[%dma_start3A_48, %dma_start3A_49] : memref<5120x1024xf32, #tpu.memory_space<hbm>> -> memref<5120x1024xf32, #tpu.memory_space<hbm>>
    tpu.enqueue_indirect_dma source(%dma_start3A_50 : memref<5120x1024xf32, #tpu.memory_space<hbm>>) target(%arg13 : memref<32x1024xf32, #tpu.memory_space<vmem>>) offsets(%arg7 : memref<32xi32, #tpu.memory_space<vmem>>) semaphore(%arg14 : memref<!tpu.dma_semaphore, #tpu.memory_space<semaphore_mem>>)
    %dma_wait3A_51 = arith.constant 0 : i32
    %dma_wait3A_52 = tpu.memref_slice %arg2[%add3A_34, %dma_wait3A_51] : memref<2048x1024xf32, #tpu.memory_space<hbm>> -> memref<16x1024xf32, #tpu.memory_space<hbm>>
    %dma_wait3A_53 = arith.constant 0 : i32
    %dma_wait3A_54 = tpu.memref_slice %arg2[%add3A_34, %dma_wait3A_53] : memref<2048x1024xf32, #tpu.memory_space<hbm>> -> memref<16x1024xf32, #tpu.memory_space<hbm>>
    tpu.wait_dma2 semaphore(%arg14 : memref<!tpu.dma_semaphore, #tpu.memory_space<semaphore_mem>>) src(%dma_wait3A_54 : memref<16x1024xf32, #tpu.memory_space<hbm>>) dst(%arg10 : memref<16x1024xf32, #tpu.memory_space<vmem>>)
    %dma_wait3A_55 = arith.constant 0 : i32
    %dma_wait3A_56 = arith.constant 0 : i32
    %dma_wait3A_57 = tpu.memref_slice %arg3[%dma_wait3A_55, %dma_wait3A_56] : memref<5120x1024xf32, #tpu.memory_space<hbm>> -> memref<5120x1024xf32, #tpu.memory_space<hbm>>
    tpu.wait_indirect_dma semaphore(%arg14 : memref<!tpu.dma_semaphore, #tpu.memory_space<semaphore_mem>>) src(%dma_wait3A_57 : memref<5120x1024xf32, #tpu.memory_space<hbm>>) dst(%arg12 : memref<32x1024xf32, #tpu.memory_space<vmem>>)
    %scan3A = arith.constant 0 : i32
    %scan3A_58 = arith.constant 0 : i32
    %scan3A_59 = arith.constant 16 : i32
    %scan3A_60 = arith.addi %scan3A_58, %scan3A_59 : i32
    %scan3A_61 = arith.constant 1 : i32
    scf.for %scan3A_160 = %scan3A_58 to %scan3A_60 step %scan3A_61  : i32 {
      %scan3A_161 = arith.constant 0 : i32
      %scan3A_162 = arith.constant 0 : i32
      %scan3A_163 = arith.constant 64 : i32
      %scan3A_164 = arith.addi %scan3A_162, %scan3A_163 : i32
      %scan3A_165 = arith.constant 1 : i32
      scf.for %scan3A_167 = %scan3A_162 to %scan3A_164 step %scan3A_165  : i32 {
        %mul3A_168 = arith.constant 16 : i32
        %mul3A_169 = arith.muli %scan3A_167, %mul3A_168 : i32
        %get3A = arith.index_cast %scan3A_160 : i32 to index
        %get3A_170 = arith.index_cast %mul3A_169 : i32 to index
        %get3A_171 = tpu.vector_load %arg10[%get3A, %get3A_170] {strides = array<i32>} : memref<16x1024xf32, #tpu.memory_space<vmem>>, vector<16xf32>,
        %mul3A_172 = arith.constant 2 : i32
        %mul3A_173 = arith.muli %mul3A_172, %scan3A_160 : i32
        %get3A_174 = arith.index_cast %mul3A_173 : i32 to index
        %get3A_175 = arith.index_cast %mul3A_169 : i32 to index
        %get3A_176 = tpu.vector_load %arg12[%get3A_174, %get3A_175] {strides = array<i32>} : memref<32x1024xf32, #tpu.memory_space<vmem>>, vector<16xf32>,
        %add3A_177 = arith.addf %get3A_171, %get3A_176 : vector<16xf32>
        %mul3A_178 = arith.constant 2 : i32
        %mul3A_179 = arith.muli %mul3A_178, %scan3A_160 : i32
        %add3A_180 = arith.constant 1 : i32
        %add3A_181 = arith.addi %mul3A_179, %add3A_180 : i32
        %get3A_182 = arith.index_cast %add3A_181 : i32 to index
        %get3A_183 = arith.index_cast %mul3A_169 : i32 to index
        %get3A_184 = tpu.vector_load %arg12[%get3A_182, %get3A_183] {strides = array<i32>} : memref<32x1024xf32, #tpu.memory_space<vmem>>, vector<16xf32>,
        %add3A_185 = arith.addf %add3A_177, %get3A_184 : vector<16xf32>
        %swap3A = arith.index_cast %scan3A_160 : i32 to index
        %swap3A_186 = arith.index_cast %mul3A_169 : i32 to index
        %swap3A_187 = tpu.vector_load %arg10[%swap3A, %swap3A_186] {strides = array<i32>} : memref<16x1024xf32, #tpu.memory_space<vmem>>, vector<16xf32>,
        tpu.vector_store %arg10[%swap3A, %swap3A_186], %add3A_185 {strides = array<i32>} : memref<16x1024xf32, #tpu.memory_space<vmem>>, vector<16xf32>,
      }
      %scan3A_166 = arith.constant 64 : i32
    }
    %scan3A_62 = arith.constant 16 : i32
    %add3A_63 = arith.constant 0 : i32
    %add3A_64 = arith.addi %mul3A_2, %add3A_63 : i32
    %dma_start3A_65 = arith.constant 0 : i32
    %dma_start3A_66 = tpu.memref_slice %arg5[%add3A_64, %dma_start3A_65] : memref<2048x1024xf32, #tpu.memory_space<hbm>> -> memref<16x1024xf32, #tpu.memory_space<hbm>>
    %dma_start3A_67 = arith.constant 0 : i32
    %dma_start3A_68 = tpu.memref_slice %arg5[%add3A_64, %dma_start3A_67] : memref<2048x1024xf32, #tpu.memory_space<hbm>> -> memref<16x1024xf32, #tpu.memory_space<hbm>>
    tpu.enqueue_dma source(%arg10 : memref<16x1024xf32, #tpu.memory_space<vmem>>) target(%dma_start3A_68 : memref<16x1024xf32, #tpu.memory_space<hbm>>) target_semaphore(%arg15 : memref<!tpu.dma_semaphore, #tpu.memory_space<semaphore_mem>>)
    %dma_wait3A_69 = arith.constant 0 : i32
    %dma_wait3A_70 = tpu.memref_slice %arg5[%add3A_64, %dma_wait3A_69] : memref<2048x1024xf32, #tpu.memory_space<hbm>> -> memref<16x1024xf32, #tpu.memory_space<hbm>>
    %dma_wait3A_71 = arith.constant 0 : i32
    %dma_wait3A_72 = tpu.memref_slice %arg5[%add3A_64, %dma_wait3A_71] : memref<2048x1024xf32, #tpu.memory_space<hbm>> -> memref<16x1024xf32, #tpu.memory_space<hbm>>
    tpu.wait_dma2 semaphore(%arg15 : memref<!tpu.dma_semaphore, #tpu.memory_space<semaphore_mem>>) src(%arg10 : memref<16x1024xf32, #tpu.memory_space<vmem>>) dst(%dma_wait3A_72 : memref<16x1024xf32, #tpu.memory_space<hbm>>)
    %add3A_73 = arith.constant 32 : i32
    %add3A_74 = arith.addi %mul3A_2, %add3A_73 : i32
    %dma_start3A_75 = arith.constant 0 : i32
    %dma_start3A_76 = tpu.memref_slice %arg2[%add3A_74, %dma_start3A_75] : memref<2048x1024xf32, #tpu.memory_space<hbm>> -> memref<16x1024xf32, #tpu.memory_space<hbm>>
    %dma_start3A_77 = arith.constant 0 : i32
    %dma_start3A_78 = tpu.memref_slice %arg2[%add3A_74, %dma_start3A_77] : memref<2048x1024xf32, #tpu.memory_space<hbm>> -> memref<16x1024xf32, #tpu.memory_space<hbm>>
    tpu.enqueue_dma source(%dma_start3A_78 : memref<16x1024xf32, #tpu.memory_space<hbm>>) target(%arg10 : memref<16x1024xf32, #tpu.memory_space<vmem>>) target_semaphore(%arg14 : memref<!tpu.dma_semaphore, #tpu.memory_space<semaphore_mem>>)
    %dma_start3A_79 = arith.constant 0 : i32
    %dma_start3A_80 = arith.constant 0 : i32
    %dma_start3A_81 = tpu.memref_slice %arg3[%dma_start3A_79, %dma_start3A_80] : memref<5120x1024xf32, #tpu.memory_space<hbm>> -> memref<5120x1024xf32, #tpu.memory_space<hbm>>
    tpu.enqueue_indirect_dma source(%dma_start3A_81 : memref<5120x1024xf32, #tpu.memory_space<hbm>>) target(%arg12 : memref<32x1024xf32, #tpu.memory_space<vmem>>) offsets(%arg8 : memref<32xi32, #tpu.memory_space<vmem>>) semaphore(%arg14 : memref<!tpu.dma_semaphore, #tpu.memory_space<semaphore_mem>>)
    %dma_wait3A_82 = arith.constant 0 : i32
    %dma_wait3A_83 = tpu.memref_slice %arg2[%add3A_43, %dma_wait3A_82] : memref<2048x1024xf32, #tpu.memory_space<hbm>> -> memref<16x1024xf32, #tpu.memory_space<hbm>>
    %dma_wait3A_84 = arith.constant 0 : i32
    %dma_wait3A_85 = tpu.memref_slice %arg2[%add3A_43, %dma_wait3A_84] : memref<2048x1024xf32, #tpu.memory_space<hbm>> -> memref<16x1024xf32, #tpu.memory_space<hbm>>
    tpu.wait_dma2 semaphore(%arg14 : memref<!tpu.dma_semaphore, #tpu.memory_space<semaphore_mem>>) src(%dma_wait3A_85 : memref<16x1024xf32, #tpu.memory_space<hbm>>) dst(%arg11 : memref<16x1024xf32, #tpu.memory_space<vmem>>)
    %dma_wait3A_86 = arith.constant 0 : i32
    %dma_wait3A_87 = arith.constant 0 : i32
    %dma_wait3A_88 = tpu.memref_slice %arg3[%dma_wait3A_86, %dma_wait3A_87] : memref<5120x1024xf32, #tpu.memory_space<hbm>> -> memref<5120x1024xf32, #tpu.memory_space<hbm>>
    tpu.wait_indirect_dma semaphore(%arg14 : memref<!tpu.dma_semaphore, #tpu.memory_space<semaphore_mem>>) src(%dma_wait3A_88 : memref<5120x1024xf32, #tpu.memory_space<hbm>>) dst(%arg13 : memref<32x1024xf32, #tpu.memory_space<vmem>>)
    %scan3A_89 = arith.constant 0 : i32
    %scan3A_90 = arith.constant 0 : i32
    %scan3A_91 = arith.constant 16 : i32
    %scan3A_92 = arith.addi %scan3A_90, %scan3A_91 : i32
    %scan3A_93 = arith.constant 1 : i32
    scf.for %scan3A_160 = %scan3A_90 to %scan3A_92 step %scan3A_93  : i32 {
      %scan3A_161 = arith.constant 0 : i32
      %scan3A_162 = arith.constant 0 : i32
      %scan3A_163 = arith.constant 64 : i32
      %scan3A_164 = arith.addi %scan3A_162, %scan3A_163 : i32
      %scan3A_165 = arith.constant 1 : i32
      scf.for %scan3A_167 = %scan3A_162 to %scan3A_164 step %scan3A_165  : i32 {
        %mul3A_168 = arith.constant 16 : i32
        %mul3A_169 = arith.muli %scan3A_167, %mul3A_168 : i32
        %get3A = arith.index_cast %scan3A_160 : i32 to index
        %get3A_170 = arith.index_cast %mul3A_169 : i32 to index
        %get3A_171 = tpu.vector_load %arg11[%get3A, %get3A_170] {strides = array<i32>} : memref<16x1024xf32, #tpu.memory_space<vmem>>, vector<16xf32>,
        %mul3A_172 = arith.constant 2 : i32
        %mul3A_173 = arith.muli %mul3A_172, %scan3A_160 : i32
        %get3A_174 = arith.index_cast %mul3A_173 : i32 to index
        %get3A_175 = arith.index_cast %mul3A_169 : i32 to index
        %get3A_176 = tpu.vector_load %arg13[%get3A_174, %get3A_175] {strides = array<i32>} : memref<32x1024xf32, #tpu.memory_space<vmem>>, vector<16xf32>,
        %add3A_177 = arith.addf %get3A_171, %get3A_176 : vector<16xf32>
        %mul3A_178 = arith.constant 2 : i32
        %mul3A_179 = arith.muli %mul3A_178, %scan3A_160 : i32
        %add3A_180 = arith.constant 1 : i32
        %add3A_181 = arith.addi %mul3A_179, %add3A_180 : i32
        %get3A_182 = arith.index_cast %add3A_181 : i32 to index
        %get3A_183 = arith.index_cast %mul3A_169 : i32 to index
        %get3A_184 = tpu.vector_load %arg13[%get3A_182, %get3A_183] {strides = array<i32>} : memref<32x1024xf32, #tpu.memory_space<vmem>>, vector<16xf32>,
        %add3A_185 = arith.addf %add3A_177, %get3A_184 : vector<16xf32>
        %swap3A = arith.index_cast %scan3A_160 : i32 to index
        %swap3A_186 = arith.index_cast %mul3A_169 : i32 to index
        %swap3A_187 = tpu.vector_load %arg11[%swap3A, %swap3A_186] {strides = array<i32>} : memref<16x1024xf32, #tpu.memory_space<vmem>>, vector<16xf32>,
        tpu.vector_store %arg11[%swap3A, %swap3A_186], %add3A_185 {strides = array<i32>} : memref<16x1024xf32, #tpu.memory_space<vmem>>, vector<16xf32>,
      }
      %scan3A_166 = arith.constant 64 : i32
    }
    %scan3A_94 = arith.constant 16 : i32
    %add3A_95 = arith.constant 16 : i32
    %add3A_96 = arith.addi %mul3A_2, %add3A_95 : i32
    %dma_start3A_97 = arith.constant 0 : i32
    %dma_start3A_98 = tpu.memref_slice %arg5[%add3A_96, %dma_start3A_97] : memref<2048x1024xf32, #tpu.memory_space<hbm>> -> memref<16x1024xf32, #tpu.memory_space<hbm>>
    %dma_start3A_99 = arith.constant 0 : i32
    %dma_start3A_100 = tpu.memref_slice %arg5[%add3A_96, %dma_start3A_99] : memref<2048x1024xf32, #tpu.memory_space<hbm>> -> memref<16x1024xf32, #tpu.memory_space<hbm>>
    tpu.enqueue_dma source(%arg11 : memref<16x1024xf32, #tpu.memory_space<vmem>>) target(%dma_start3A_100 : memref<16x1024xf32, #tpu.memory_space<hbm>>) target_semaphore(%arg15 : memref<!tpu.dma_semaphore, #tpu.memory_space<semaphore_mem>>)
    %dma_wait3A_101 = arith.constant 0 : i32
    %dma_wait3A_102 = tpu.memref_slice %arg5[%add3A_96, %dma_wait3A_101] : memref<2048x1024xf32, #tpu.memory_space<hbm>> -> memref<16x1024xf32, #tpu.memory_space<hbm>>
    %dma_wait3A_103 = arith.constant 0 : i32
    %dma_wait3A_104 = tpu.memref_slice %arg5[%add3A_96, %dma_wait3A_103] : memref<2048x1024xf32, #tpu.memory_space<hbm>> -> memref<16x1024xf32, #tpu.memory_space<hbm>>
    tpu.wait_dma2 semaphore(%arg15 : memref<!tpu.dma_semaphore, #tpu.memory_space<semaphore_mem>>) src(%arg11 : memref<16x1024xf32, #tpu.memory_space<vmem>>) dst(%dma_wait3A_104 : memref<16x1024xf32, #tpu.memory_space<hbm>>)
    %add3A_105 = arith.constant 48 : i32
    %add3A_106 = arith.addi %mul3A_2, %add3A_105 : i32
    %dma_start3A_107 = arith.constant 0 : i32
    %dma_start3A_108 = tpu.memref_slice %arg2[%add3A_106, %dma_start3A_107] : memref<2048x1024xf32, #tpu.memory_space<hbm>> -> memref<16x1024xf32, #tpu.memory_space<hbm>>
    %dma_start3A_109 = arith.constant 0 : i32
    %dma_start3A_110 = tpu.memref_slice %arg2[%add3A_106, %dma_start3A_109] : memref<2048x1024xf32, #tpu.memory_space<hbm>> -> memref<16x1024xf32, #tpu.memory_space<hbm>>
    tpu.enqueue_dma source(%dma_start3A_110 : memref<16x1024xf32, #tpu.memory_space<hbm>>) target(%arg11 : memref<16x1024xf32, #tpu.memory_space<vmem>>) target_semaphore(%arg14 : memref<!tpu.dma_semaphore, #tpu.memory_space<semaphore_mem>>)
    %dma_start3A_111 = arith.constant 0 : i32
    %dma_start3A_112 = arith.constant 0 : i32
    %dma_start3A_113 = tpu.memref_slice %arg3[%dma_start3A_111, %dma_start3A_112] : memref<5120x1024xf32, #tpu.memory_space<hbm>> -> memref<5120x1024xf32, #tpu.memory_space<hbm>>
    tpu.enqueue_indirect_dma source(%dma_start3A_113 : memref<5120x1024xf32, #tpu.memory_space<hbm>>) target(%arg13 : memref<32x1024xf32, #tpu.memory_space<vmem>>) offsets(%arg9 : memref<32xi32, #tpu.memory_space<vmem>>) semaphore(%arg14 : memref<!tpu.dma_semaphore, #tpu.memory_space<semaphore_mem>>)
    %dma_wait3A_114 = arith.constant 0 : i32
    %dma_wait3A_115 = tpu.memref_slice %arg2[%add3A_74, %dma_wait3A_114] : memref<2048x1024xf32, #tpu.memory_space<hbm>> -> memref<16x1024xf32, #tpu.memory_space<hbm>>
    %dma_wait3A_116 = arith.constant 0 : i32
    %dma_wait3A_117 = tpu.memref_slice %arg2[%add3A_74, %dma_wait3A_116] : memref<2048x1024xf32, #tpu.memory_space<hbm>> -> memref<16x1024xf32, #tpu.memory_space<hbm>>
    tpu.wait_dma2 semaphore(%arg14 : memref<!tpu.dma_semaphore, #tpu.memory_space<semaphore_mem>>) src(%dma_wait3A_117 : memref<16x1024xf32, #tpu.memory_space<hbm>>) dst(%arg10 : memref<16x1024xf32, #tpu.memory_space<vmem>>)
    %dma_wait3A_118 = arith.constant 0 : i32
    %dma_wait3A_119 = arith.constant 0 : i32
    %dma_wait3A_120 = tpu.memref_slice %arg3[%dma_wait3A_118, %dma_wait3A_119] : memref<5120x1024xf32, #tpu.memory_space<hbm>> -> memref<5120x1024xf32, #tpu.memory_space<hbm>>
    tpu.wait_indirect_dma semaphore(%arg14 : memref<!tpu.dma_semaphore, #tpu.memory_space<semaphore_mem>>) src(%dma_wait3A_120 : memref<5120x1024xf32, #tpu.memory_space<hbm>>) dst(%arg12 : memref<32x1024xf32, #tpu.memory_space<vmem>>)
    %scan3A_121 = arith.constant 0 : i32
    %scan3A_122 = arith.constant 0 : i32
    %scan3A_123 = arith.constant 16 : i32
    %scan3A_124 = arith.addi %scan3A_122, %scan3A_123 : i32
    %scan3A_125 = arith.constant 1 : i32
    scf.for %scan3A_160 = %scan3A_122 to %scan3A_124 step %scan3A_125  : i32 {
      %scan3A_161 = arith.constant 0 : i32
      %scan3A_162 = arith.constant 0 : i32
      %scan3A_163 = arith.constant 64 : i32
      %scan3A_164 = arith.addi %scan3A_162, %scan3A_163 : i32
      %scan3A_165 = arith.constant 1 : i32
      scf.for %scan3A_167 = %scan3A_162 to %scan3A_164 step %scan3A_165  : i32 {
        %mul3A_168 = arith.constant 16 : i32
        %mul3A_169 = arith.muli %scan3A_167, %mul3A_168 : i32
        %get3A = arith.index_cast %scan3A_160 : i32 to index
        %get3A_170 = arith.index_cast %mul3A_169 : i32 to index
        %get3A_171 = tpu.vector_load %arg10[%get3A, %get3A_170] {strides = array<i32>} : memref<16x1024xf32, #tpu.memory_space<vmem>>, vector<16xf32>,
        %mul3A_172 = arith.constant 2 : i32
        %mul3A_173 = arith.muli %mul3A_172, %scan3A_160 : i32
        %get3A_174 = arith.index_cast %mul3A_173 : i32 to index
        %get3A_175 = arith.index_cast %mul3A_169 : i32 to index
        %get3A_176 = tpu.vector_load %arg12[%get3A_174, %get3A_175] {strides = array<i32>} : memref<32x1024xf32, #tpu.memory_space<vmem>>, vector<16xf32>,
        %add3A_177 = arith.addf %get3A_171, %get3A_176 : vector<16xf32>
        %mul3A_178 = arith.constant 2 : i32
        %mul3A_179 = arith.muli %mul3A_178, %scan3A_160 : i32
        %add3A_180 = arith.constant 1 : i32
        %add3A_181 = arith.addi %mul3A_179, %add3A_180 : i32
        %get3A_182 = arith.index_cast %add3A_181 : i32 to index
        %get3A_183 = arith.index_cast %mul3A_169 : i32 to index
        %get3A_184 = tpu.vector_load %arg12[%get3A_182, %get3A_183] {strides = array<i32>} : memref<32x1024xf32, #tpu.memory_space<vmem>>, vector<16xf32>,
        %add3A_185 = arith.addf %add3A_177, %get3A_184 : vector<16xf32>
        %swap3A = arith.index_cast %scan3A_160 : i32 to index
        %swap3A_186 = arith.index_cast %mul3A_169 : i32 to index
        %swap3A_187 = tpu.vector_load %arg10[%swap3A, %swap3A_186] {strides = array<i32>} : memref<16x1024xf32, #tpu.memory_space<vmem>>, vector<16xf32>,
        tpu.vector_store %arg10[%swap3A, %swap3A_186], %add3A_185 {strides = array<i32>} : memref<16x1024xf32, #tpu.memory_space<vmem>>, vector<16xf32>,
      }
      %scan3A_166 = arith.constant 64 : i32
    }
    %scan3A_126 = arith.constant 16 : i32
    %add3A_127 = arith.constant 32 : i32
    %add3A_128 = arith.addi %mul3A_2, %add3A_127 : i32
    %dma_start3A_129 = arith.constant 0 : i32
    %dma_start3A_130 = tpu.memref_slice %arg5[%add3A_128, %dma_start3A_129] : memref<2048x1024xf32, #tpu.memory_space<hbm>> -> memref<16x1024xf32, #tpu.memory_space<hbm>>
    %dma_start3A_131 = arith.constant 0 : i32
    %dma_start3A_132 = tpu.memref_slice %arg5[%add3A_128, %dma_start3A_131] : memref<2048x1024xf32, #tpu.memory_space<hbm>> -> memref<16x1024xf32, #tpu.memory_space<hbm>>
    tpu.enqueue_dma source(%arg10 : memref<16x1024xf32, #tpu.memory_space<vmem>>) target(%dma_start3A_132 : memref<16x1024xf32, #tpu.memory_space<hbm>>) target_semaphore(%arg15 : memref<!tpu.dma_semaphore, #tpu.memory_space<semaphore_mem>>)
    %dma_wait3A_133 = arith.constant 0 : i32
    %dma_wait3A_134 = tpu.memref_slice %arg2[%add3A_106, %dma_wait3A_133] : memref<2048x1024xf32, #tpu.memory_space<hbm>> -> memref<16x1024xf32, #tpu.memory_space<hbm>>
    %dma_wait3A_135 = arith.constant 0 : i32
    %dma_wait3A_136 = tpu.memref_slice %arg2[%add3A_106, %dma_wait3A_135] : memref<2048x1024xf32, #tpu.memory_space<hbm>> -> memref<16x1024xf32, #tpu.memory_space<hbm>>
    tpu.wait_dma2 semaphore(%arg14 : memref<!tpu.dma_semaphore, #tpu.memory_space<semaphore_mem>>) src(%dma_wait3A_136 : memref<16x1024xf32, #tpu.memory_space<hbm>>) dst(%arg11 : memref<16x1024xf32, #tpu.memory_space<vmem>>)
    %dma_wait3A_137 = arith.constant 0 : i32
    %dma_wait3A_138 = arith.constant 0 : i32
    %dma_wait3A_139 = tpu.memref_slice %arg3[%dma_wait3A_137, %dma_wait3A_138] : memref<5120x1024xf32, #tpu.memory_space<hbm>> -> memref<5120x1024xf32, #tpu.memory_space<hbm>>
    tpu.wait_indirect_dma semaphore(%arg14 : memref<!tpu.dma_semaphore, #tpu.memory_space<semaphore_mem>>) src(%dma_wait3A_139 : memref<5120x1024xf32, #tpu.memory_space<hbm>>) dst(%arg13 : memref<32x1024xf32, #tpu.memory_space<vmem>>)
    %scan3A_140 = arith.constant 0 : i32
    %scan3A_141 = arith.constant 0 : i32
    %scan3A_142 = arith.constant 16 : i32
    %scan3A_143 = arith.addi %scan3A_141, %scan3A_142 : i32
    %scan3A_144 = arith.constant 1 : i32
    scf.for %scan3A_160 = %scan3A_141 to %scan3A_143 step %scan3A_144  : i32 {
      %scan3A_161 = arith.constant 0 : i32
      %scan3A_162 = arith.constant 0 : i32
      %scan3A_163 = arith.constant 64 : i32
      %scan3A_164 = arith.addi %scan3A_162, %scan3A_163 : i32
      %scan3A_165 = arith.constant 1 : i32
      scf.for %scan3A_167 = %scan3A_162 to %scan3A_164 step %scan3A_165  : i32 {
        %mul3A_168 = arith.constant 16 : i32
        %mul3A_169 = arith.muli %scan3A_167, %mul3A_168 : i32
        %get3A = arith.index_cast %scan3A_160 : i32 to index
        %get3A_170 = arith.index_cast %mul3A_169 : i32 to index
        %get3A_171 = tpu.vector_load %arg11[%get3A, %get3A_170] {strides = array<i32>} : memref<16x1024xf32, #tpu.memory_space<vmem>>, vector<16xf32>,
        %mul3A_172 = arith.constant 2 : i32
        %mul3A_173 = arith.muli %mul3A_172, %scan3A_160 : i32
        %get3A_174 = arith.index_cast %mul3A_173 : i32 to index
        %get3A_175 = arith.index_cast %mul3A_169 : i32 to index
        %get3A_176 = tpu.vector_load %arg13[%get3A_174, %get3A_175] {strides = array<i32>} : memref<32x1024xf32, #tpu.memory_space<vmem>>, vector<16xf32>,
        %add3A_177 = arith.addf %get3A_171, %get3A_176 : vector<16xf32>
        %mul3A_178 = arith.constant 2 : i32
        %mul3A_179 = arith.muli %mul3A_178, %scan3A_160 : i32
        %add3A_180 = arith.constant 1 : i32
        %add3A_181 = arith.addi %mul3A_179, %add3A_180 : i32
        %get3A_182 = arith.index_cast %add3A_181 : i32 to index
        %get3A_183 = arith.index_cast %mul3A_169 : i32 to index
        %get3A_184 = tpu.vector_load %arg13[%get3A_182, %get3A_183] {strides = array<i32>} : memref<32x1024xf32, #tpu.memory_space<vmem>>, vector<16xf32>,
        %add3A_185 = arith.addf %add3A_177, %get3A_184 : vector<16xf32>
        %swap3A = arith.index_cast %scan3A_160 : i32 to index
        %swap3A_186 = arith.index_cast %mul3A_169 : i32 to index
        %swap3A_187 = tpu.vector_load %arg11[%swap3A, %swap3A_186] {strides = array<i32>} : memref<16x1024xf32, #tpu.memory_space<vmem>>, vector<16xf32>,
        tpu.vector_store %arg11[%swap3A, %swap3A_186], %add3A_185 {strides = array<i32>} : memref<16x1024xf32, #tpu.memory_space<vmem>>, vector<16xf32>,
      }
      %scan3A_166 = arith.constant 64 : i32
    }
    %scan3A_145 = arith.constant 16 : i32
    %add3A_146 = arith.constant 48 : i32
    %add3A_147 = arith.addi %mul3A_2, %add3A_146 : i32
    %dma_start3A_148 = arith.constant 0 : i32
    %dma_start3A_149 = tpu.memref_slice %arg5[%add3A_147, %dma_start3A_148] : memref<2048x1024xf32, #tpu.memory_space<hbm>> -> memref<16x1024xf32, #tpu.memory_space<hbm>>
    %dma_start3A_150 = arith.constant 0 : i32
    %dma_start3A_151 = tpu.memref_slice %arg5[%add3A_147, %dma_start3A_150] : memref<2048x1024xf32, #tpu.memory_space<hbm>> -> memref<16x1024xf32, #tpu.memory_space<hbm>>
    tpu.enqueue_dma source(%arg11 : memref<16x1024xf32, #tpu.memory_space<vmem>>) target(%dma_start3A_151 : memref<16x1024xf32, #tpu.memory_space<hbm>>) target_semaphore(%arg15 : memref<!tpu.dma_semaphore, #tpu.memory_space<semaphore_mem>>)
    %dma_wait3A_152 = arith.constant 0 : i32
    %dma_wait3A_153 = tpu.memref_slice %arg5[%add3A_128, %dma_wait3A_152] : memref<2048x1024xf32, #tpu.memory_space<hbm>> -> memref<16x1024xf32, #tpu.memory_space<hbm>>
    %dma_wait3A_154 = arith.constant 0 : i32
    %dma_wait3A_155 = tpu.memref_slice %arg5[%add3A_128, %dma_wait3A_154] : memref<2048x1024xf32, #tpu.memory_space<hbm>> -> memref<16x1024xf32, #tpu.memory_space<hbm>>
    tpu.wait_dma2 semaphore(%arg15 : memref<!tpu.dma_semaphore, #tpu.memory_space<semaphore_mem>>) src(%arg10 : memref<16x1024xf32, #tpu.memory_space<vmem>>) dst(%dma_wait3A_155 : memref<16x1024xf32, #tpu.memory_space<hbm>>)
    %dma_wait3A_156 = arith.constant 0 : i32
    %dma_wait3A_157 = tpu.memref_slice %arg5[%add3A_147, %dma_wait3A_156] : memref<2048x1024xf32, #tpu.memory_space<hbm>> -> memref<16x1024xf32, #tpu.memory_space<hbm>>
    %dma_wait3A_158 = arith.constant 0 : i32
    %dma_wait3A_159 = tpu.memref_slice %arg5[%add3A_147, %dma_wait3A_158] : memref<2048x1024xf32, #tpu.memory_space<hbm>> -> memref<16x1024xf32, #tpu.memory_space<hbm>>
    tpu.wait_dma2 semaphore(%arg15 : memref<!tpu.dma_semaphore, #tpu.memory_space<semaphore_mem>>) src(%arg11 : memref<16x1024xf32, #tpu.memory_space<vmem>>) dst(%dma_wait3A_159 : memref<16x1024xf32, #tpu.memory_space<hbm>>)
    return
  }
}

#map = affine_map<(d0, d1) -> (0, 0)>
#map1 = affine_map<(d0, d1) -> (0)>
module attributes {stable_mosaic.version = 14 : i64} {
  func.func @_gather_body(%arg0: i32, %arg1: i32, %arg2: memref<2048x1024xf32, #tpu.memory_space<hbm>>, %arg3: memref<5120xi32, #tpu.memory_space<hbm>>, %arg4: memref<5120x1024xf32, #tpu.memory_space<hbm>>, %arg5: memref<40xi32, #tpu.memory_space<vmem>>, %arg6: memref<40xi32, #tpu.memory_space<vmem>>, %arg7: memref<40xi32, #tpu.memory_space<vmem>>, %arg8: memref<40xi32, #tpu.memory_space<vmem>>, %arg9: memref<40x1024xf32, #tpu.memory_space<vmem>>, %arg10: memref<40x1024xf32, #tpu.memory_space<vmem>>, %arg11: memref<!tpu.dma_semaphore, #tpu.memory_space<semaphore_mem>>, %arg12: memref<!tpu.dma_semaphore, #tpu.memory_space<semaphore_mem>>) attributes {dimension_semantics = [#tpu.dimension_semantics<core_parallel>, #tpu.dimension_semantics<subcore_parallel>], iteration_bounds = array<i64: 2, 16>, scalar_prefetch = 0 : i64, scratch_operands = 8 : i64, tpu.core_type = #tpu.core_type<sc_vector_subcore>, window_params = [{transform_indices = #map}, {transform_indices = #map1}, {transform_indices = #map}]} {
    %mul3A = arith.constant 2 : i32
    %mul3A_0 = arith.muli %arg1, %mul3A : i32
    %add3A = arith.addi %mul3A_0, %arg0 : i32
    %mul3A_1 = arith.constant 160 : i32
    %mul3A_2 = arith.muli %add3A, %mul3A_1 : i32
    %add3A_3 = arith.constant 0 : i32
    %add3A_4 = arith.addi %mul3A_2, %add3A_3 : i32
    %dma_start3A = tpu.memref_slice %arg3[%add3A_4] : memref<5120xi32, #tpu.memory_space<hbm>> -> memref<40xi32, #tpu.memory_space<hbm>>
    %dma_start3A_5 = tpu.memref_slice %arg3[%add3A_4] : memref<5120xi32, #tpu.memory_space<hbm>> -> memref<40xi32, #tpu.memory_space<hbm>>
    tpu.enqueue_dma source(%dma_start3A_5 : memref<40xi32, #tpu.memory_space<hbm>>) target(%arg5 : memref<40xi32, #tpu.memory_space<vmem>>) target_semaphore(%arg12 : memref<!tpu.dma_semaphore, #tpu.memory_space<semaphore_mem>>)
    %add3A_6 = arith.constant 40 : i32
    %add3A_7 = arith.addi %mul3A_2, %add3A_6 : i32
    %dma_start3A_8 = tpu.memref_slice %arg3[%add3A_7] : memref<5120xi32, #tpu.memory_space<hbm>> -> memref<40xi32, #tpu.memory_space<hbm>>
    %dma_start3A_9 = tpu.memref_slice %arg3[%add3A_7] : memref<5120xi32, #tpu.memory_space<hbm>> -> memref<40xi32, #tpu.memory_space<hbm>>
    tpu.enqueue_dma source(%dma_start3A_9 : memref<40xi32, #tpu.memory_space<hbm>>) target(%arg6 : memref<40xi32, #tpu.memory_space<vmem>>) target_semaphore(%arg12 : memref<!tpu.dma_semaphore, #tpu.memory_space<semaphore_mem>>)
    %add3A_10 = arith.constant 80 : i32
    %add3A_11 = arith.addi %mul3A_2, %add3A_10 : i32
    %dma_start3A_12 = tpu.memref_slice %arg3[%add3A_11] : memref<5120xi32, #tpu.memory_space<hbm>> -> memref<40xi32, #tpu.memory_space<hbm>>
    %dma_start3A_13 = tpu.memref_slice %arg3[%add3A_11] : memref<5120xi32, #tpu.memory_space<hbm>> -> memref<40xi32, #tpu.memory_space<hbm>>
    tpu.enqueue_dma source(%dma_start3A_13 : memref<40xi32, #tpu.memory_space<hbm>>) target(%arg7 : memref<40xi32, #tpu.memory_space<vmem>>) target_semaphore(%arg12 : memref<!tpu.dma_semaphore, #tpu.memory_space<semaphore_mem>>)
    %add3A_14 = arith.constant 120 : i32
    %add3A_15 = arith.addi %mul3A_2, %add3A_14 : i32
    %dma_start3A_16 = tpu.memref_slice %arg3[%add3A_15] : memref<5120xi32, #tpu.memory_space<hbm>> -> memref<40xi32, #tpu.memory_space<hbm>>
    %dma_start3A_17 = tpu.memref_slice %arg3[%add3A_15] : memref<5120xi32, #tpu.memory_space<hbm>> -> memref<40xi32, #tpu.memory_space<hbm>>
    tpu.enqueue_dma source(%dma_start3A_17 : memref<40xi32, #tpu.memory_space<hbm>>) target(%arg8 : memref<40xi32, #tpu.memory_space<vmem>>) target_semaphore(%arg12 : memref<!tpu.dma_semaphore, #tpu.memory_space<semaphore_mem>>)
    %dma_wait3A = tpu.memref_slice %arg3[%add3A_4] : memref<5120xi32, #tpu.memory_space<hbm>> -> memref<40xi32, #tpu.memory_space<hbm>>
    %dma_wait3A_18 = tpu.memref_slice %arg3[%add3A_4] : memref<5120xi32, #tpu.memory_space<hbm>> -> memref<40xi32, #tpu.memory_space<hbm>>
    tpu.wait_dma2 semaphore(%arg12 : memref<!tpu.dma_semaphore, #tpu.memory_space<semaphore_mem>>) src(%dma_wait3A_18 : memref<40xi32, #tpu.memory_space<hbm>>) dst(%arg5 : memref<40xi32, #tpu.memory_space<vmem>>)
    %dma_wait3A_19 = tpu.memref_slice %arg3[%add3A_7] : memref<5120xi32, #tpu.memory_space<hbm>> -> memref<40xi32, #tpu.memory_space<hbm>>
    %dma_wait3A_20 = tpu.memref_slice %arg3[%add3A_7] : memref<5120xi32, #tpu.memory_space<hbm>> -> memref<40xi32, #tpu.memory_space<hbm>>
    tpu.wait_dma2 semaphore(%arg12 : memref<!tpu.dma_semaphore, #tpu.memory_space<semaphore_mem>>) src(%dma_wait3A_20 : memref<40xi32, #tpu.memory_space<hbm>>) dst(%arg6 : memref<40xi32, #tpu.memory_space<vmem>>)
    %dma_wait3A_21 = tpu.memref_slice %arg3[%add3A_11] : memref<5120xi32, #tpu.memory_space<hbm>> -> memref<40xi32, #tpu.memory_space<hbm>>
    %dma_wait3A_22 = tpu.memref_slice %arg3[%add3A_11] : memref<5120xi32, #tpu.memory_space<hbm>> -> memref<40xi32, #tpu.memory_space<hbm>>
    tpu.wait_dma2 semaphore(%arg12 : memref<!tpu.dma_semaphore, #tpu.memory_space<semaphore_mem>>) src(%dma_wait3A_22 : memref<40xi32, #tpu.memory_space<hbm>>) dst(%arg7 : memref<40xi32, #tpu.memory_space<vmem>>)
    %dma_wait3A_23 = tpu.memref_slice %arg3[%add3A_15] : memref<5120xi32, #tpu.memory_space<hbm>> -> memref<40xi32, #tpu.memory_space<hbm>>
    %dma_wait3A_24 = tpu.memref_slice %arg3[%add3A_15] : memref<5120xi32, #tpu.memory_space<hbm>> -> memref<40xi32, #tpu.memory_space<hbm>>
    tpu.wait_dma2 semaphore(%arg12 : memref<!tpu.dma_semaphore, #tpu.memory_space<semaphore_mem>>) src(%dma_wait3A_24 : memref<40xi32, #tpu.memory_space<hbm>>) dst(%arg8 : memref<40xi32, #tpu.memory_space<vmem>>)
    %dma_start3A_25 = arith.constant 0 : i32
    %dma_start3A_26 = arith.constant 0 : i32
    %dma_start3A_27 = tpu.memref_slice %arg2[%dma_start3A_25, %dma_start3A_26] : memref<2048x1024xf32, #tpu.memory_space<hbm>> -> memref<2048x1024xf32, #tpu.memory_space<hbm>>
    tpu.enqueue_indirect_dma source(%dma_start3A_27 : memref<2048x1024xf32, #tpu.memory_space<hbm>>) target(%arg9 : memref<40x1024xf32, #tpu.memory_space<vmem>>) offsets(%arg5 : memref<40xi32, #tpu.memory_space<vmem>>) semaphore(%arg11 : memref<!tpu.dma_semaphore, #tpu.memory_space<semaphore_mem>>)
    %dma_start3A_28 = arith.constant 0 : i32
    %dma_start3A_29 = arith.constant 0 : i32
    %dma_start3A_30 = tpu.memref_slice %arg2[%dma_start3A_28, %dma_start3A_29] : memref<2048x1024xf32, #tpu.memory_space<hbm>> -> memref<2048x1024xf32, #tpu.memory_space<hbm>>
    tpu.enqueue_indirect_dma source(%dma_start3A_30 : memref<2048x1024xf32, #tpu.memory_space<hbm>>) target(%arg10 : memref<40x1024xf32, #tpu.memory_space<vmem>>) offsets(%arg6 : memref<40xi32, #tpu.memory_space<vmem>>) semaphore(%arg11 : memref<!tpu.dma_semaphore, #tpu.memory_space<semaphore_mem>>)
    %dma_wait3A_31 = arith.constant 0 : i32
    %dma_wait3A_32 = arith.constant 0 : i32
    %dma_wait3A_33 = tpu.memref_slice %arg2[%dma_wait3A_31, %dma_wait3A_32] : memref<2048x1024xf32, #tpu.memory_space<hbm>> -> memref<2048x1024xf32, #tpu.memory_space<hbm>>
    tpu.wait_indirect_dma semaphore(%arg11 : memref<!tpu.dma_semaphore, #tpu.memory_space<semaphore_mem>>) src(%dma_wait3A_33 : memref<2048x1024xf32, #tpu.memory_space<hbm>>) dst(%arg9 : memref<40x1024xf32, #tpu.memory_space<vmem>>)
    %add3A_34 = arith.constant 0 : i32
    %add3A_35 = arith.addi %mul3A_2, %add3A_34 : i32
    %dma_start3A_36 = arith.constant 0 : i32
    %dma_start3A_37 = tpu.memref_slice %arg4[%add3A_35, %dma_start3A_36] : memref<5120x1024xf32, #tpu.memory_space<hbm>> -> memref<40x1024xf32, #tpu.memory_space<hbm>>
    %dma_start3A_38 = arith.constant 0 : i32
    %dma_start3A_39 = tpu.memref_slice %arg4[%add3A_35, %dma_start3A_38] : memref<5120x1024xf32, #tpu.memory_space<hbm>> -> memref<40x1024xf32, #tpu.memory_space<hbm>>
    tpu.enqueue_dma source(%arg9 : memref<40x1024xf32, #tpu.memory_space<vmem>>) target(%dma_start3A_39 : memref<40x1024xf32, #tpu.memory_space<hbm>>) target_semaphore(%arg12 : memref<!tpu.dma_semaphore, #tpu.memory_space<semaphore_mem>>)
    %dma_wait3A_40 = arith.constant 0 : i32
    %dma_wait3A_41 = tpu.memref_slice %arg4[%add3A_35, %dma_wait3A_40] : memref<5120x1024xf32, #tpu.memory_space<hbm>> -> memref<40x1024xf32, #tpu.memory_space<hbm>>
    %dma_wait3A_42 = arith.constant 0 : i32
    %dma_wait3A_43 = tpu.memref_slice %arg4[%add3A_35, %dma_wait3A_42] : memref<5120x1024xf32, #tpu.memory_space<hbm>> -> memref<40x1024xf32, #tpu.memory_space<hbm>>
    tpu.wait_dma2 semaphore(%arg12 : memref<!tpu.dma_semaphore, #tpu.memory_space<semaphore_mem>>) src(%arg9 : memref<40x1024xf32, #tpu.memory_space<vmem>>) dst(%dma_wait3A_43 : memref<40x1024xf32, #tpu.memory_space<hbm>>)
    %dma_start3A_44 = arith.constant 0 : i32
    %dma_start3A_45 = arith.constant 0 : i32
    %dma_start3A_46 = tpu.memref_slice %arg2[%dma_start3A_44, %dma_start3A_45] : memref<2048x1024xf32, #tpu.memory_space<hbm>> -> memref<2048x1024xf32, #tpu.memory_space<hbm>>
    tpu.enqueue_indirect_dma source(%dma_start3A_46 : memref<2048x1024xf32, #tpu.memory_space<hbm>>) target(%arg9 : memref<40x1024xf32, #tpu.memory_space<vmem>>) offsets(%arg7 : memref<40xi32, #tpu.memory_space<vmem>>) semaphore(%arg11 : memref<!tpu.dma_semaphore, #tpu.memory_space<semaphore_mem>>)
    %dma_wait3A_47 = arith.constant 0 : i32
    %dma_wait3A_48 = arith.constant 0 : i32
    %dma_wait3A_49 = tpu.memref_slice %arg2[%dma_wait3A_47, %dma_wait3A_48] : memref<2048x1024xf32, #tpu.memory_space<hbm>> -> memref<2048x1024xf32, #tpu.memory_space<hbm>>
    tpu.wait_indirect_dma semaphore(%arg11 : memref<!tpu.dma_semaphore, #tpu.memory_space<semaphore_mem>>) src(%dma_wait3A_49 : memref<2048x1024xf32, #tpu.memory_space<hbm>>) dst(%arg10 : memref<40x1024xf32, #tpu.memory_space<vmem>>)
    %add3A_50 = arith.constant 40 : i32
    %add3A_51 = arith.addi %mul3A_2, %add3A_50 : i32
    %dma_start3A_52 = arith.constant 0 : i32
    %dma_start3A_53 = tpu.memref_slice %arg4[%add3A_51, %dma_start3A_52] : memref<5120x1024xf32, #tpu.memory_space<hbm>> -> memref<40x1024xf32, #tpu.memory_space<hbm>>
    %dma_start3A_54 = arith.constant 0 : i32
    %dma_start3A_55 = tpu.memref_slice %arg4[%add3A_51, %dma_start3A_54] : memref<5120x1024xf32, #tpu.memory_space<hbm>> -> memref<40x1024xf32, #tpu.memory_space<hbm>>
    tpu.enqueue_dma source(%arg10 : memref<40x1024xf32, #tpu.memory_space<vmem>>) target(%dma_start3A_55 : memref<40x1024xf32, #tpu.memory_space<hbm>>) target_semaphore(%arg12 : memref<!tpu.dma_semaphore, #tpu.memory_space<semaphore_mem>>)
    %dma_wait3A_56 = arith.constant 0 : i32
    %dma_wait3A_57 = tpu.memref_slice %arg4[%add3A_51, %dma_wait3A_56] : memref<5120x1024xf32, #tpu.memory_space<hbm>> -> memref<40x1024xf32, #tpu.memory_space<hbm>>
    %dma_wait3A_58 = arith.constant 0 : i32
    %dma_wait3A_59 = tpu.memref_slice %arg4[%add3A_51, %dma_wait3A_58] : memref<5120x1024xf32, #tpu.memory_space<hbm>> -> memref<40x1024xf32, #tpu.memory_space<hbm>>
    tpu.wait_dma2 semaphore(%arg12 : memref<!tpu.dma_semaphore, #tpu.memory_space<semaphore_mem>>) src(%arg10 : memref<40x1024xf32, #tpu.memory_space<vmem>>) dst(%dma_wait3A_59 : memref<40x1024xf32, #tpu.memory_space<hbm>>)
    %dma_start3A_60 = arith.constant 0 : i32
    %dma_start3A_61 = arith.constant 0 : i32
    %dma_start3A_62 = tpu.memref_slice %arg2[%dma_start3A_60, %dma_start3A_61] : memref<2048x1024xf32, #tpu.memory_space<hbm>> -> memref<2048x1024xf32, #tpu.memory_space<hbm>>
    tpu.enqueue_indirect_dma source(%dma_start3A_62 : memref<2048x1024xf32, #tpu.memory_space<hbm>>) target(%arg10 : memref<40x1024xf32, #tpu.memory_space<vmem>>) offsets(%arg8 : memref<40xi32, #tpu.memory_space<vmem>>) semaphore(%arg11 : memref<!tpu.dma_semaphore, #tpu.memory_space<semaphore_mem>>)
    %dma_wait3A_63 = arith.constant 0 : i32
    %dma_wait3A_64 = arith.constant 0 : i32
    %dma_wait3A_65 = tpu.memref_slice %arg2[%dma_wait3A_63, %dma_wait3A_64] : memref<2048x1024xf32, #tpu.memory_space<hbm>> -> memref<2048x1024xf32, #tpu.memory_space<hbm>>
    tpu.wait_indirect_dma semaphore(%arg11 : memref<!tpu.dma_semaphore, #tpu.memory_space<semaphore_mem>>) src(%dma_wait3A_65 : memref<2048x1024xf32, #tpu.memory_space<hbm>>) dst(%arg9 : memref<40x1024xf32, #tpu.memory_space<vmem>>)
    %add3A_66 = arith.constant 80 : i32
    %add3A_67 = arith.addi %mul3A_2, %add3A_66 : i32
    %dma_start3A_68 = arith.constant 0 : i32
    %dma_start3A_69 = tpu.memref_slice %arg4[%add3A_67, %dma_start3A_68] : memref<5120x1024xf32, #tpu.memory_space<hbm>> -> memref<40x1024xf32, #tpu.memory_space<hbm>>
    %dma_start3A_70 = arith.constant 0 : i32
    %dma_start3A_71 = tpu.memref_slice %arg4[%add3A_67, %dma_start3A_70] : memref<5120x1024xf32, #tpu.memory_space<hbm>> -> memref<40x1024xf32, #tpu.memory_space<hbm>>
    tpu.enqueue_dma source(%arg9 : memref<40x1024xf32, #tpu.memory_space<vmem>>) target(%dma_start3A_71 : memref<40x1024xf32, #tpu.memory_space<hbm>>) target_semaphore(%arg12 : memref<!tpu.dma_semaphore, #tpu.memory_space<semaphore_mem>>)
    %dma_wait3A_72 = arith.constant 0 : i32
    %dma_wait3A_73 = arith.constant 0 : i32
    %dma_wait3A_74 = tpu.memref_slice %arg2[%dma_wait3A_72, %dma_wait3A_73] : memref<2048x1024xf32, #tpu.memory_space<hbm>> -> memref<2048x1024xf32, #tpu.memory_space<hbm>>
    tpu.wait_indirect_dma semaphore(%arg11 : memref<!tpu.dma_semaphore, #tpu.memory_space<semaphore_mem>>) src(%dma_wait3A_74 : memref<2048x1024xf32, #tpu.memory_space<hbm>>) dst(%arg10 : memref<40x1024xf32, #tpu.memory_space<vmem>>)
    %add3A_75 = arith.constant 120 : i32
    %add3A_76 = arith.addi %mul3A_2, %add3A_75 : i32
    %dma_start3A_77 = arith.constant 0 : i32
    %dma_start3A_78 = tpu.memref_slice %arg4[%add3A_76, %dma_start3A_77] : memref<5120x1024xf32, #tpu.memory_space<hbm>> -> memref<40x1024xf32, #tpu.memory_space<hbm>>
    %dma_start3A_79 = arith.constant 0 : i32
    %dma_start3A_80 = tpu.memref_slice %arg4[%add3A_76, %dma_start3A_79] : memref<5120x1024xf32, #tpu.memory_space<hbm>> -> memref<40x1024xf32, #tpu.memory_space<hbm>>
    tpu.enqueue_dma source(%arg10 : memref<40x1024xf32, #tpu.memory_space<vmem>>) target(%dma_start3A_80 : memref<40x1024xf32, #tpu.memory_space<hbm>>) target_semaphore(%arg12 : memref<!tpu.dma_semaphore, #tpu.memory_space<semaphore_mem>>)
    %dma_wait3A_81 = arith.constant 0 : i32
    %dma_wait3A_82 = tpu.memref_slice %arg4[%add3A_67, %dma_wait3A_81] : memref<5120x1024xf32, #tpu.memory_space<hbm>> -> memref<40x1024xf32, #tpu.memory_space<hbm>>
    %dma_wait3A_83 = arith.constant 0 : i32
    %dma_wait3A_84 = tpu.memref_slice %arg4[%add3A_67, %dma_wait3A_83] : memref<5120x1024xf32, #tpu.memory_space<hbm>> -> memref<40x1024xf32, #tpu.memory_space<hbm>>
    tpu.wait_dma2 semaphore(%arg12 : memref<!tpu.dma_semaphore, #tpu.memory_space<semaphore_mem>>) src(%arg9 : memref<40x1024xf32, #tpu.memory_space<vmem>>) dst(%dma_wait3A_84 : memref<40x1024xf32, #tpu.memory_space<hbm>>)
    %dma_wait3A_85 = arith.constant 0 : i32
    %dma_wait3A_86 = tpu.memref_slice %arg4[%add3A_76, %dma_wait3A_85] : memref<5120x1024xf32, #tpu.memory_space<hbm>> -> memref<40x1024xf32, #tpu.memory_space<hbm>>
    %dma_wait3A_87 = arith.constant 0 : i32
    %dma_wait3A_88 = tpu.memref_slice %arg4[%add3A_76, %dma_wait3A_87] : memref<5120x1024xf32, #tpu.memory_space<hbm>> -> memref<40x1024xf32, #tpu.memory_space<hbm>>
    tpu.wait_dma2 semaphore(%arg12 : memref<!tpu.dma_semaphore, #tpu.memory_space<semaphore_mem>>) src(%arg10 : memref<40x1024xf32, #tpu.memory_space<vmem>>) dst(%dma_wait3A_88 : memref<40x1024xf32, #tpu.memory_space<hbm>>)
    return
  }
}

#map = affine_map<(d0, d1) -> (0)>
module attributes {stable_mosaic.version = 14 : i64} {
  func.func @_dispatch_body(%arg0: i32, %arg1: i32, %arg2: memref<4096xi32, #tpu.memory_space<hbm>>, %arg3: memref<4096xf32, #tpu.memory_space<hbm>>, %arg4: memref<5120xi32, #tpu.memory_space<hbm>>, %arg5: memref<5120xf32, #tpu.memory_space<hbm>>, %arg6: memref<48xi32, #tpu.memory_space<hbm>>, %arg7: memref<4096xi32, #tpu.memory_space<hbm>>, %arg8: memref<4096xi32, #tpu.memory_space<vmem>>, %arg9: memref<4096xf32, #tpu.memory_space<vmem>>, %arg10: memref<5120xi32, #tpu.memory_space<vmem>>, %arg11: memref<5120xf32, #tpu.memory_space<vmem>>, %arg12: memref<48xi32, #tpu.memory_space<vmem>>, %arg13: memref<4096xi32, #tpu.memory_space<vmem>>) attributes {dimension_semantics = [#tpu.dimension_semantics<core_parallel>, #tpu.dimension_semantics<subcore_parallel>], iteration_bounds = array<i64: 2, 16>, scalar_prefetch = 0 : i64, scratch_operands = 6 : i64, tpu.core_type = #tpu.core_type<sc_vector_subcore>, window_params = [{transform_indices = #map}, {transform_indices = #map}, {transform_indices = #map}, {transform_indices = #map}, {transform_indices = #map}, {transform_indices = #map}]} {
    %mul3A = arith.constant 2 : i32
    %mul3A_0 = arith.muli %arg1, %mul3A : i32
    %add3A = arith.addi %mul3A_0, %arg0 : i32
    %eq3A = arith.constant 0 : i32
    %eq3A_1 = arith.cmpi eq, %add3A, %eq3A : i32
    %convert_element_type3A = arith.extui %eq3A_1 : i1 to i32
    %cond3A = arith.constant 0 : i32
    %cond3A_2 = arith.cmpi ne, %convert_element_type3A, %cond3A : i32
    scf.if %cond3A_2 {
      "tpu.region"() ({
        %run_scoped3A = tpu.sem_alloc : memref<!tpu.dma_semaphore, #tpu.memory_space<semaphore_mem>>
        tpu.enqueue_dma source(%arg2 : memref<4096xi32, #tpu.memory_space<hbm>>) target(%arg8 : memref<4096xi32, #tpu.memory_space<vmem>>) target_semaphore(%run_scoped3A : memref<!tpu.dma_semaphore, #tpu.memory_space<semaphore_mem>>)
        tpu.wait_dma2 semaphore(%run_scoped3A : memref<!tpu.dma_semaphore, #tpu.memory_space<semaphore_mem>>) src(%arg2 : memref<4096xi32, #tpu.memory_space<hbm>>) dst(%arg8 : memref<4096xi32, #tpu.memory_space<vmem>>)
        tpu.yield
      }) : () -> ()
      "tpu.region"() ({
        %run_scoped3A = tpu.sem_alloc : memref<!tpu.dma_semaphore, #tpu.memory_space<semaphore_mem>>
        tpu.enqueue_dma source(%arg3 : memref<4096xf32, #tpu.memory_space<hbm>>) target(%arg9 : memref<4096xf32, #tpu.memory_space<vmem>>) target_semaphore(%run_scoped3A : memref<!tpu.dma_semaphore, #tpu.memory_space<semaphore_mem>>)
        tpu.wait_dma2 semaphore(%run_scoped3A : memref<!tpu.dma_semaphore, #tpu.memory_space<semaphore_mem>>) src(%arg3 : memref<4096xf32, #tpu.memory_space<hbm>>) dst(%arg9 : memref<4096xf32, #tpu.memory_space<vmem>>)
        tpu.yield
      }) : () -> ()
      %iota3A = tpu.iota {dimensions = array<i32: 0>} : vector<16xi32>
      %broadcast_in_dim3A = arith.constant 0 : i32
      %broadcast_in_dim3A_3 = vector.broadcast %broadcast_in_dim3A : i32 to vector<16xi32>
      %scan3A = arith.constant 0 : i32
      %scan3A_4 = arith.constant 256 : i32
      %scan3A_5 = arith.addi %scan3A, %scan3A_4 : i32
      %scan3A_6 = arith.constant 1 : i32
      %scan3A_7 = scf.for %scan3A_427 = %scan3A to %scan3A_5 step %scan3A_6 iter_args(%scan3A_428 = %broadcast_in_dim3A_3) -> (vector<16xi32>)  : i32 {
        %mul3A_429 = arith.constant 16 : i32
        %mul3A_430 = arith.muli %scan3A_427, %mul3A_429 : i32
        %get3A = arith.index_cast %mul3A_430 : i32 to index
        %get3A_431 = tpu.vector_load %arg8[%get3A] {strides = array<i32>} : memref<4096xi32, #tpu.memory_space<vmem>>, vector<16xi32>,
        %eq3A_432 = arith.constant 0 : i32
        %eq3A_433 = vector.broadcast %eq3A_432 : i32 to vector<16xi32>
        %eq3A_434 = arith.cmpi eq, %get3A_431, %eq3A_433 : vector<16xi32>
        %jit3A_435 = arith.constant 1 : i32
        %jit3A_436 = arith.constant 0 : i32
        %broadcast_in_dim3A_437 = vector.broadcast %jit3A_435 : i32 to vector<16xi32>
        %broadcast_in_dim3A_438 = vector.broadcast %jit3A_436 : i32 to vector<16xi32>
        %select_n3A_439 = arith.select %eq3A_434, %broadcast_in_dim3A_437, %broadcast_in_dim3A_438 : vector<16xi1>, vector<16xi32>
        %reduce_sum3A_440 = arith.constant true
        %reduce_sum3A_441 = vector.broadcast %reduce_sum3A_440 : i1 to vector<16xi1>
        %reduce_sum3A_442 = tpu.scan <sum>, %select_n3A_439 masked %reduce_sum3A_441 : vector<16xi32>, vector<16xi1> -> vector<16xi32>
        %reduce_sum3A_443 = vector.extract %reduce_sum3A_442[15] : i32 from vector<16xi32>
        %eq3A_444 = arith.constant 0 : i32
        %eq3A_445 = vector.broadcast %eq3A_444 : i32 to vector<16xi32>
        %eq3A_446 = arith.cmpi eq, %iota3A, %eq3A_445 : vector<16xi32>
        %jit3A_447 = arith.constant 0 : i32
        %broadcast_in_dim3A_448 = vector.broadcast %reduce_sum3A_443 : i32 to vector<16xi32>
        %broadcast_in_dim3A_449 = vector.broadcast %jit3A_447 : i32 to vector<16xi32>
        %select_n3A_450 = arith.select %eq3A_446, %broadcast_in_dim3A_448, %broadcast_in_dim3A_449 : vector<16xi1>, vector<16xi32>
        %add3A_451 = arith.addi %scan3A_428, %select_n3A_450 : vector<16xi32>
        %eq3A_452 = arith.constant 1 : i32
        %eq3A_453 = vector.broadcast %eq3A_452 : i32 to vector<16xi32>
        %eq3A_454 = arith.cmpi eq, %get3A_431, %eq3A_453 : vector<16xi32>
        %jit3A_455 = arith.constant 1 : i32
        %jit3A_456 = arith.constant 0 : i32
        %broadcast_in_dim3A_457 = vector.broadcast %jit3A_455 : i32 to vector<16xi32>
        %broadcast_in_dim3A_458 = vector.broadcast %jit3A_456 : i32 to vector<16xi32>
        %select_n3A_459 = arith.select %eq3A_454, %broadcast_in_dim3A_457, %broadcast_in_dim3A_458 : vector<16xi1>, vector<16xi32>
        %reduce_sum3A_460 = arith.constant true
        %reduce_sum3A_461 = vector.broadcast %reduce_sum3A_460 : i1 to vector<16xi1>
        %reduce_sum3A_462 = tpu.scan <sum>, %select_n3A_459 masked %reduce_sum3A_461 : vector<16xi32>, vector<16xi1> -> vector<16xi32>
        %reduce_sum3A_463 = vector.extract %reduce_sum3A_462[15] : i32 from vector<16xi32>
        %eq3A_464 = arith.constant 1 : i32
        %eq3A_465 = vector.broadcast %eq3A_464 : i32 to vector<16xi32>
        %eq3A_466 = arith.cmpi eq, %iota3A, %eq3A_465 : vector<16xi32>
        %jit3A_467 = arith.constant 0 : i32
        %broadcast_in_dim3A_468 = vector.broadcast %reduce_sum3A_463 : i32 to vector<16xi32>
        %broadcast_in_dim3A_469 = vector.broadcast %jit3A_467 : i32 to vector<16xi32>
        %select_n3A_470 = arith.select %eq3A_466, %broadcast_in_dim3A_468, %broadcast_in_dim3A_469 : vector<16xi1>, vector<16xi32>
        %add3A_471 = arith.addi %add3A_451, %select_n3A_470 : vector<16xi32>
        %eq3A_472 = arith.constant 2 : i32
        %eq3A_473 = vector.broadcast %eq3A_472 : i32 to vector<16xi32>
        %eq3A_474 = arith.cmpi eq, %get3A_431, %eq3A_473 : vector<16xi32>
        %jit3A_475 = arith.constant 1 : i32
        %jit3A_476 = arith.constant 0 : i32
        %broadcast_in_dim3A_477 = vector.broadcast %jit3A_475 : i32 to vector<16xi32>
        %broadcast_in_dim3A_478 = vector.broadcast %jit3A_476 : i32 to vector<16xi32>
        %select_n3A_479 = arith.select %eq3A_474, %broadcast_in_dim3A_477, %broadcast_in_dim3A_478 : vector<16xi1>, vector<16xi32>
        %reduce_sum3A_480 = arith.constant true
        %reduce_sum3A_481 = vector.broadcast %reduce_sum3A_480 : i1 to vector<16xi1>
        %reduce_sum3A_482 = tpu.scan <sum>, %select_n3A_479 masked %reduce_sum3A_481 : vector<16xi32>, vector<16xi1> -> vector<16xi32>
        %reduce_sum3A_483 = vector.extract %reduce_sum3A_482[15] : i32 from vector<16xi32>
        %eq3A_484 = arith.constant 2 : i32
        %eq3A_485 = vector.broadcast %eq3A_484 : i32 to vector<16xi32>
        %eq3A_486 = arith.cmpi eq, %iota3A, %eq3A_485 : vector<16xi32>
        %jit3A_487 = arith.constant 0 : i32
        %broadcast_in_dim3A_488 = vector.broadcast %reduce_sum3A_483 : i32 to vector<16xi32>
        %broadcast_in_dim3A_489 = vector.broadcast %jit3A_487 : i32 to vector<16xi32>
        %select_n3A_490 = arith.select %eq3A_486, %broadcast_in_dim3A_488, %broadcast_in_dim3A_489 : vector<16xi1>, vector<16xi32>
        %add3A_491 = arith.addi %add3A_471, %select_n3A_490 : vector<16xi32>
        %eq3A_492 = arith.constant 3 : i32
        %eq3A_493 = vector.broadcast %eq3A_492 : i32 to vector<16xi32>
        %eq3A_494 = arith.cmpi eq, %get3A_431, %eq3A_493 : vector<16xi32>
        %jit3A_495 = arith.constant 1 : i32
        %jit3A_496 = arith.constant 0 : i32
        %broadcast_in_dim3A_497 = vector.broadcast %jit3A_495 : i32 to vector<16xi32>
        %broadcast_in_dim3A_498 = vector.broadcast %jit3A_496 : i32 to vector<16xi32>
        %select_n3A_499 = arith.select %eq3A_494, %broadcast_in_dim3A_497, %broadcast_in_dim3A_498 : vector<16xi1>, vector<16xi32>
        %reduce_sum3A_500 = arith.constant true
        %reduce_sum3A_501 = vector.broadcast %reduce_sum3A_500 : i1 to vector<16xi1>
        %reduce_sum3A_502 = tpu.scan <sum>, %select_n3A_499 masked %reduce_sum3A_501 : vector<16xi32>, vector<16xi1> -> vector<16xi32>
        %reduce_sum3A_503 = vector.extract %reduce_sum3A_502[15] : i32 from vector<16xi32>
        %eq3A_504 = arith.constant 3 : i32
        %eq3A_505 = vector.broadcast %eq3A_504 : i32 to vector<16xi32>
        %eq3A_506 = arith.cmpi eq, %iota3A, %eq3A_505 : vector<16xi32>
        %jit3A_507 = arith.constant 0 : i32
        %broadcast_in_dim3A_508 = vector.broadcast %reduce_sum3A_503 : i32 to vector<16xi32>
        %broadcast_in_dim3A_509 = vector.broadcast %jit3A_507 : i32 to vector<16xi32>
        %select_n3A_510 = arith.select %eq3A_506, %broadcast_in_dim3A_508, %broadcast_in_dim3A_509 : vector<16xi1>, vector<16xi32>
        %add3A_511 = arith.addi %add3A_491, %select_n3A_510 : vector<16xi32>
        %eq3A_512 = arith.constant 4 : i32
        %eq3A_513 = vector.broadcast %eq3A_512 : i32 to vector<16xi32>
        %eq3A_514 = arith.cmpi eq, %get3A_431, %eq3A_513 : vector<16xi32>
        %jit3A_515 = arith.constant 1 : i32
        %jit3A_516 = arith.constant 0 : i32
        %broadcast_in_dim3A_517 = vector.broadcast %jit3A_515 : i32 to vector<16xi32>
        %broadcast_in_dim3A_518 = vector.broadcast %jit3A_516 : i32 to vector<16xi32>
        %select_n3A_519 = arith.select %eq3A_514, %broadcast_in_dim3A_517, %broadcast_in_dim3A_518 : vector<16xi1>, vector<16xi32>
        %reduce_sum3A_520 = arith.constant true
        %reduce_sum3A_521 = vector.broadcast %reduce_sum3A_520 : i1 to vector<16xi1>
        %reduce_sum3A_522 = tpu.scan <sum>, %select_n3A_519 masked %reduce_sum3A_521 : vector<16xi32>, vector<16xi1> -> vector<16xi32>
        %reduce_sum3A_523 = vector.extract %reduce_sum3A_522[15] : i32 from vector<16xi32>
        %eq3A_524 = arith.constant 4 : i32
        %eq3A_525 = vector.broadcast %eq3A_524 : i32 to vector<16xi32>
        %eq3A_526 = arith.cmpi eq, %iota3A, %eq3A_525 : vector<16xi32>
        %jit3A_527 = arith.constant 0 : i32
        %broadcast_in_dim3A_528 = vector.broadcast %reduce_sum3A_523 : i32 to vector<16xi32>
        %broadcast_in_dim3A_529 = vector.broadcast %jit3A_527 : i32 to vector<16xi32>
        %select_n3A_530 = arith.select %eq3A_526, %broadcast_in_dim3A_528, %broadcast_in_dim3A_529 : vector<16xi1>, vector<16xi32>
        %add3A_531 = arith.addi %add3A_511, %select_n3A_530 : vector<16xi32>
        %eq3A_532 = arith.constant 5 : i32
        %eq3A_533 = vector.broadcast %eq3A_532 : i32 to vector<16xi32>
        %eq3A_534 = arith.cmpi eq, %get3A_431, %eq3A_533 : vector<16xi32>
        %jit3A_535 = arith.constant 1 : i32
        %jit3A_536 = arith.constant 0 : i32
        %broadcast_in_dim3A_537 = vector.broadcast %jit3A_535 : i32 to vector<16xi32>
        %broadcast_in_dim3A_538 = vector.broadcast %jit3A_536 : i32 to vector<16xi32>
        %select_n3A_539 = arith.select %eq3A_534, %broadcast_in_dim3A_537, %broadcast_in_dim3A_538 : vector<16xi1>, vector<16xi32>
        %reduce_sum3A_540 = arith.constant true
        %reduce_sum3A_541 = vector.broadcast %reduce_sum3A_540 : i1 to vector<16xi1>
        %reduce_sum3A_542 = tpu.scan <sum>, %select_n3A_539 masked %reduce_sum3A_541 : vector<16xi32>, vector<16xi1> -> vector<16xi32>
        %reduce_sum3A_543 = vector.extract %reduce_sum3A_542[15] : i32 from vector<16xi32>
        %eq3A_544 = arith.constant 5 : i32
        %eq3A_545 = vector.broadcast %eq3A_544 : i32 to vector<16xi32>
        %eq3A_546 = arith.cmpi eq, %iota3A, %eq3A_545 : vector<16xi32>
        %jit3A_547 = arith.constant 0 : i32
        %broadcast_in_dim3A_548 = vector.broadcast %reduce_sum3A_543 : i32 to vector<16xi32>
        %broadcast_in_dim3A_549 = vector.broadcast %jit3A_547 : i32 to vector<16xi32>
        %select_n3A_550 = arith.select %eq3A_546, %broadcast_in_dim3A_548, %broadcast_in_dim3A_549 : vector<16xi1>, vector<16xi32>
        %add3A_551 = arith.addi %add3A_531, %select_n3A_550 : vector<16xi32>
        %eq3A_552 = arith.constant 6 : i32
        %eq3A_553 = vector.broadcast %eq3A_552 : i32 to vector<16xi32>
        %eq3A_554 = arith.cmpi eq, %get3A_431, %eq3A_553 : vector<16xi32>
        %jit3A_555 = arith.constant 1 : i32
        %jit3A_556 = arith.constant 0 : i32
        %broadcast_in_dim3A_557 = vector.broadcast %jit3A_555 : i32 to vector<16xi32>
        %broadcast_in_dim3A_558 = vector.broadcast %jit3A_556 : i32 to vector<16xi32>
        %select_n3A_559 = arith.select %eq3A_554, %broadcast_in_dim3A_557, %broadcast_in_dim3A_558 : vector<16xi1>, vector<16xi32>
        %reduce_sum3A_560 = arith.constant true
        %reduce_sum3A_561 = vector.broadcast %reduce_sum3A_560 : i1 to vector<16xi1>
        %reduce_sum3A_562 = tpu.scan <sum>, %select_n3A_559 masked %reduce_sum3A_561 : vector<16xi32>, vector<16xi1> -> vector<16xi32>
        %reduce_sum3A_563 = vector.extract %reduce_sum3A_562[15] : i32 from vector<16xi32>
        %eq3A_564 = arith.constant 6 : i32
        %eq3A_565 = vector.broadcast %eq3A_564 : i32 to vector<16xi32>
        %eq3A_566 = arith.cmpi eq, %iota3A, %eq3A_565 : vector<16xi32>
        %jit3A_567 = arith.constant 0 : i32
        %broadcast_in_dim3A_568 = vector.broadcast %reduce_sum3A_563 : i32 to vector<16xi32>
        %broadcast_in_dim3A_569 = vector.broadcast %jit3A_567 : i32 to vector<16xi32>
        %select_n3A_570 = arith.select %eq3A_566, %broadcast_in_dim3A_568, %broadcast_in_dim3A_569 : vector<16xi1>, vector<16xi32>
        %add3A_571 = arith.addi %add3A_551, %select_n3A_570 : vector<16xi32>
        %eq3A_572 = arith.constant 7 : i32
        %eq3A_573 = vector.broadcast %eq3A_572 : i32 to vector<16xi32>
        %eq3A_574 = arith.cmpi eq, %get3A_431, %eq3A_573 : vector<16xi32>
        %jit3A_575 = arith.constant 1 : i32
        %jit3A_576 = arith.constant 0 : i32
        %broadcast_in_dim3A_577 = vector.broadcast %jit3A_575 : i32 to vector<16xi32>
        %broadcast_in_dim3A_578 = vector.broadcast %jit3A_576 : i32 to vector<16xi32>
        %select_n3A_579 = arith.select %eq3A_574, %broadcast_in_dim3A_577, %broadcast_in_dim3A_578 : vector<16xi1>, vector<16xi32>
        %reduce_sum3A_580 = arith.constant true
        %reduce_sum3A_581 = vector.broadcast %reduce_sum3A_580 : i1 to vector<16xi1>
        %reduce_sum3A_582 = tpu.scan <sum>, %select_n3A_579 masked %reduce_sum3A_581 : vector<16xi32>, vector<16xi1> -> vector<16xi32>
        %reduce_sum3A_583 = vector.extract %reduce_sum3A_582[15] : i32 from vector<16xi32>
        %eq3A_584 = arith.constant 7 : i32
        %eq3A_585 = vector.broadcast %eq3A_584 : i32 to vector<16xi32>
        %eq3A_586 = arith.cmpi eq, %iota3A, %eq3A_585 : vector<16xi32>
        %jit3A_587 = arith.constant 0 : i32
        %broadcast_in_dim3A_588 = vector.broadcast %reduce_sum3A_583 : i32 to vector<16xi32>
        %broadcast_in_dim3A_589 = vector.broadcast %jit3A_587 : i32 to vector<16xi32>
        %select_n3A_590 = arith.select %eq3A_586, %broadcast_in_dim3A_588, %broadcast_in_dim3A_589 : vector<16xi1>, vector<16xi32>
        %add3A_591 = arith.addi %add3A_571, %select_n3A_590 : vector<16xi32>
        scf.yield %add3A_591 : vector<16xi32>
      }
      %scan3A_8 = arith.constant 256 : i32
      %add3A_9 = arith.constant 127 : i32
      %add3A_10 = vector.broadcast %add3A_9 : i32 to vector<16xi32>
      %add3A_11 = arith.addi %scan3A_7, %add3A_10 : vector<16xi32>
      %shift_right_arithmetic3A = arith.constant 7 : i32
      %shift_right_arithmetic3A_12 = vector.broadcast %shift_right_arithmetic3A : i32 to vector<16xi32>
      %shift_right_arithmetic3A_13 = arith.shrsi %add3A_11, %shift_right_arithmetic3A_12 : vector<16xi32>
      %broadcast_in_dim3A_14 = arith.constant true
      %broadcast_in_dim3A_15 = vector.broadcast %broadcast_in_dim3A_14 : i1 to vector<16xi1>
      %masked_cumsum3A = tpu.scan <sum>, %shift_right_arithmetic3A_13 masked %broadcast_in_dim3A_15 : vector<16xi32>, vector<16xi1> -> vector<16xi32>
      %sub3A = arith.subi %masked_cumsum3A, %shift_right_arithmetic3A_13 : vector<16xi32>
      %mul3A_16 = arith.constant 128 : i32
      %mul3A_17 = vector.broadcast %mul3A_16 : i32 to vector<16xi32>
      %mul3A_18 = arith.muli %sub3A, %mul3A_17 : vector<16xi32>
      %add3A_19 = arith.constant 0 : i32
      %add3A_20 = vector.broadcast %add3A_19 : i32 to vector<16xi32>
      %add3A_21 = arith.addi %iota3A, %add3A_20 : vector<16xi32>
      %broadcast_in_dim3A_22 = arith.constant 0 : i32
      %broadcast_in_dim3A_23 = vector.broadcast %broadcast_in_dim3A_22 : i32 to vector<16xi32>
      %eq3A_24 = arith.constant 0 : i32
      %eq3A_25 = vector.broadcast %eq3A_24 : i32 to vector<16xi32>
      %eq3A_26 = arith.cmpi eq, %iota3A, %eq3A_25 : vector<16xi32>
      %jit3A = arith.constant 0 : i32
      %broadcast_in_dim3A_27 = vector.broadcast %jit3A : i32 to vector<16xi32>
      %select_n3A = arith.select %eq3A_26, %masked_cumsum3A, %broadcast_in_dim3A_27 : vector<16xi1>, vector<16xi32>
      %reduce_sum3A = arith.constant true
      %reduce_sum3A_28 = vector.broadcast %reduce_sum3A : i1 to vector<16xi1>
      %reduce_sum3A_29 = tpu.scan <sum>, %select_n3A masked %reduce_sum3A_28 : vector<16xi32>, vector<16xi1> -> vector<16xi32>
      %reduce_sum3A_30 = vector.extract %reduce_sum3A_29[15] : i32 from vector<16xi32>
      %ge3A = vector.broadcast %reduce_sum3A_30 : i32 to vector<16xi32>
      %ge3A_31 = arith.cmpi sge, %add3A_21, %ge3A : vector<16xi32>
      %jit3A_32 = arith.constant 1 : i32
      %jit3A_33 = arith.constant 0 : i32
      %broadcast_in_dim3A_34 = vector.broadcast %jit3A_32 : i32 to vector<16xi32>
      %broadcast_in_dim3A_35 = vector.broadcast %jit3A_33 : i32 to vector<16xi32>
      %select_n3A_36 = arith.select %ge3A_31, %broadcast_in_dim3A_34, %broadcast_in_dim3A_35 : vector<16xi1>, vector<16xi32>
      %add3A_37 = arith.addi %broadcast_in_dim3A_23, %select_n3A_36 : vector<16xi32>
      %eq3A_38 = arith.constant 1 : i32
      %eq3A_39 = vector.broadcast %eq3A_38 : i32 to vector<16xi32>
      %eq3A_40 = arith.cmpi eq, %iota3A, %eq3A_39 : vector<16xi32>
      %jit3A_41 = arith.constant 0 : i32
      %broadcast_in_dim3A_42 = vector.broadcast %jit3A_41 : i32 to vector<16xi32>
      %select_n3A_43 = arith.select %eq3A_40, %masked_cumsum3A, %broadcast_in_dim3A_42 : vector<16xi1>, vector<16xi32>
      %reduce_sum3A_44 = arith.constant true
      %reduce_sum3A_45 = vector.broadcast %reduce_sum3A_44 : i1 to vector<16xi1>
      %reduce_sum3A_46 = tpu.scan <sum>, %select_n3A_43 masked %reduce_sum3A_45 : vector<16xi32>, vector<16xi1> -> vector<16xi32>
      %reduce_sum3A_47 = vector.extract %reduce_sum3A_46[15] : i32 from vector<16xi32>
      %ge3A_48 = vector.broadcast %reduce_sum3A_47 : i32 to vector<16xi32>
      %ge3A_49 = arith.cmpi sge, %add3A_21, %ge3A_48 : vector<16xi32>
      %jit3A_50 = arith.constant 1 : i32
      %jit3A_51 = arith.constant 0 : i32
      %broadcast_in_dim3A_52 = vector.broadcast %jit3A_50 : i32 to vector<16xi32>
      %broadcast_in_dim3A_53 = vector.broadcast %jit3A_51 : i32 to vector<16xi32>
      %select_n3A_54 = arith.select %ge3A_49, %broadcast_in_dim3A_52, %broadcast_in_dim3A_53 : vector<16xi1>, vector<16xi32>
      %add3A_55 = arith.addi %add3A_37, %select_n3A_54 : vector<16xi32>
      %eq3A_56 = arith.constant 2 : i32
      %eq3A_57 = vector.broadcast %eq3A_56 : i32 to vector<16xi32>
      %eq3A_58 = arith.cmpi eq, %iota3A, %eq3A_57 : vector<16xi32>
      %jit3A_59 = arith.constant 0 : i32
      %broadcast_in_dim3A_60 = vector.broadcast %jit3A_59 : i32 to vector<16xi32>
      %select_n3A_61 = arith.select %eq3A_58, %masked_cumsum3A, %broadcast_in_dim3A_60 : vector<16xi1>, vector<16xi32>
      %reduce_sum3A_62 = arith.constant true
      %reduce_sum3A_63 = vector.broadcast %reduce_sum3A_62 : i1 to vector<16xi1>
      %reduce_sum3A_64 = tpu.scan <sum>, %select_n3A_61 masked %reduce_sum3A_63 : vector<16xi32>, vector<16xi1> -> vector<16xi32>
      %reduce_sum3A_65 = vector.extract %reduce_sum3A_64[15] : i32 from vector<16xi32>
      %ge3A_66 = vector.broadcast %reduce_sum3A_65 : i32 to vector<16xi32>
      %ge3A_67 = arith.cmpi sge, %add3A_21, %ge3A_66 : vector<16xi32>
      %jit3A_68 = arith.constant 1 : i32
      %jit3A_69 = arith.constant 0 : i32
      %broadcast_in_dim3A_70 = vector.broadcast %jit3A_68 : i32 to vector<16xi32>
      %broadcast_in_dim3A_71 = vector.broadcast %jit3A_69 : i32 to vector<16xi32>
      %select_n3A_72 = arith.select %ge3A_67, %broadcast_in_dim3A_70, %broadcast_in_dim3A_71 : vector<16xi1>, vector<16xi32>
      %add3A_73 = arith.addi %add3A_55, %select_n3A_72 : vector<16xi32>
      %eq3A_74 = arith.constant 3 : i32
      %eq3A_75 = vector.broadcast %eq3A_74 : i32 to vector<16xi32>
      %eq3A_76 = arith.cmpi eq, %iota3A, %eq3A_75 : vector<16xi32>
      %jit3A_77 = arith.constant 0 : i32
      %broadcast_in_dim3A_78 = vector.broadcast %jit3A_77 : i32 to vector<16xi32>
      %select_n3A_79 = arith.select %eq3A_76, %masked_cumsum3A, %broadcast_in_dim3A_78 : vector<16xi1>, vector<16xi32>
      %reduce_sum3A_80 = arith.constant true
      %reduce_sum3A_81 = vector.broadcast %reduce_sum3A_80 : i1 to vector<16xi1>
      %reduce_sum3A_82 = tpu.scan <sum>, %select_n3A_79 masked %reduce_sum3A_81 : vector<16xi32>, vector<16xi1> -> vector<16xi32>
      %reduce_sum3A_83 = vector.extract %reduce_sum3A_82[15] : i32 from vector<16xi32>
      %ge3A_84 = vector.broadcast %reduce_sum3A_83 : i32 to vector<16xi32>
      %ge3A_85 = arith.cmpi sge, %add3A_21, %ge3A_84 : vector<16xi32>
      %jit3A_86 = arith.constant 1 : i32
      %jit3A_87 = arith.constant 0 : i32
      %broadcast_in_dim3A_88 = vector.broadcast %jit3A_86 : i32 to vector<16xi32>
      %broadcast_in_dim3A_89 = vector.broadcast %jit3A_87 : i32 to vector<16xi32>
      %select_n3A_90 = arith.select %ge3A_85, %broadcast_in_dim3A_88, %broadcast_in_dim3A_89 : vector<16xi1>, vector<16xi32>
      %add3A_91 = arith.addi %add3A_73, %select_n3A_90 : vector<16xi32>
      %eq3A_92 = arith.constant 4 : i32
      %eq3A_93 = vector.broadcast %eq3A_92 : i32 to vector<16xi32>
      %eq3A_94 = arith.cmpi eq, %iota3A, %eq3A_93 : vector<16xi32>
      %jit3A_95 = arith.constant 0 : i32
      %broadcast_in_dim3A_96 = vector.broadcast %jit3A_95 : i32 to vector<16xi32>
      %select_n3A_97 = arith.select %eq3A_94, %masked_cumsum3A, %broadcast_in_dim3A_96 : vector<16xi1>, vector<16xi32>
      %reduce_sum3A_98 = arith.constant true
      %reduce_sum3A_99 = vector.broadcast %reduce_sum3A_98 : i1 to vector<16xi1>
      %reduce_sum3A_100 = tpu.scan <sum>, %select_n3A_97 masked %reduce_sum3A_99 : vector<16xi32>, vector<16xi1> -> vector<16xi32>
      %reduce_sum3A_101 = vector.extract %reduce_sum3A_100[15] : i32 from vector<16xi32>
      %ge3A_102 = vector.broadcast %reduce_sum3A_101 : i32 to vector<16xi32>
      %ge3A_103 = arith.cmpi sge, %add3A_21, %ge3A_102 : vector<16xi32>
      %jit3A_104 = arith.constant 1 : i32
      %jit3A_105 = arith.constant 0 : i32
      %broadcast_in_dim3A_106 = vector.broadcast %jit3A_104 : i32 to vector<16xi32>
      %broadcast_in_dim3A_107 = vector.broadcast %jit3A_105 : i32 to vector<16xi32>
      %select_n3A_108 = arith.select %ge3A_103, %broadcast_in_dim3A_106, %broadcast_in_dim3A_107 : vector<16xi1>, vector<16xi32>
      %add3A_109 = arith.addi %add3A_91, %select_n3A_108 : vector<16xi32>
      %eq3A_110 = arith.constant 5 : i32
      %eq3A_111 = vector.broadcast %eq3A_110 : i32 to vector<16xi32>
      %eq3A_112 = arith.cmpi eq, %iota3A, %eq3A_111 : vector<16xi32>
      %jit3A_113 = arith.constant 0 : i32
      %broadcast_in_dim3A_114 = vector.broadcast %jit3A_113 : i32 to vector<16xi32>
      %select_n3A_115 = arith.select %eq3A_112, %masked_cumsum3A, %broadcast_in_dim3A_114 : vector<16xi1>, vector<16xi32>
      %reduce_sum3A_116 = arith.constant true
      %reduce_sum3A_117 = vector.broadcast %reduce_sum3A_116 : i1 to vector<16xi1>
      %reduce_sum3A_118 = tpu.scan <sum>, %select_n3A_115 masked %reduce_sum3A_117 : vector<16xi32>, vector<16xi1> -> vector<16xi32>
      %reduce_sum3A_119 = vector.extract %reduce_sum3A_118[15] : i32 from vector<16xi32>
      %ge3A_120 = vector.broadcast %reduce_sum3A_119 : i32 to vector<16xi32>
      %ge3A_121 = arith.cmpi sge, %add3A_21, %ge3A_120 : vector<16xi32>
      %jit3A_122 = arith.constant 1 : i32
      %jit3A_123 = arith.constant 0 : i32
      %broadcast_in_dim3A_124 = vector.broadcast %jit3A_122 : i32 to vector<16xi32>
      %broadcast_in_dim3A_125 = vector.broadcast %jit3A_123 : i32 to vector<16xi32>
      %select_n3A_126 = arith.select %ge3A_121, %broadcast_in_dim3A_124, %broadcast_in_dim3A_125 : vector<16xi1>, vector<16xi32>
      %add3A_127 = arith.addi %add3A_109, %select_n3A_126 : vector<16xi32>
      %eq3A_128 = arith.constant 6 : i32
      %eq3A_129 = vector.broadcast %eq3A_128 : i32 to vector<16xi32>
      %eq3A_130 = arith.cmpi eq, %iota3A, %eq3A_129 : vector<16xi32>
      %jit3A_131 = arith.constant 0 : i32
      %broadcast_in_dim3A_132 = vector.broadcast %jit3A_131 : i32 to vector<16xi32>
      %select_n3A_133 = arith.select %eq3A_130, %masked_cumsum3A, %broadcast_in_dim3A_132 : vector<16xi1>, vector<16xi32>
      %reduce_sum3A_134 = arith.constant true
      %reduce_sum3A_135 = vector.broadcast %reduce_sum3A_134 : i1 to vector<16xi1>
      %reduce_sum3A_136 = tpu.scan <sum>, %select_n3A_133 masked %reduce_sum3A_135 : vector<16xi32>, vector<16xi1> -> vector<16xi32>
      %reduce_sum3A_137 = vector.extract %reduce_sum3A_136[15] : i32 from vector<16xi32>
      %ge3A_138 = vector.broadcast %reduce_sum3A_137 : i32 to vector<16xi32>
      %ge3A_139 = arith.cmpi sge, %add3A_21, %ge3A_138 : vector<16xi32>
      %jit3A_140 = arith.constant 1 : i32
      %jit3A_141 = arith.constant 0 : i32
      %broadcast_in_dim3A_142 = vector.broadcast %jit3A_140 : i32 to vector<16xi32>
      %broadcast_in_dim3A_143 = vector.broadcast %jit3A_141 : i32 to vector<16xi32>
      %select_n3A_144 = arith.select %ge3A_139, %broadcast_in_dim3A_142, %broadcast_in_dim3A_143 : vector<16xi1>, vector<16xi32>
      %add3A_145 = arith.addi %add3A_127, %select_n3A_144 : vector<16xi32>
      %swap3A = arith.constant 0 : index
      %swap3A_146 = tpu.vector_load %arg12[%swap3A] {strides = array<i32>} : memref<48xi32, #tpu.memory_space<vmem>>, vector<16xi32>,
      tpu.vector_store %arg12[%swap3A], %add3A_145 {strides = array<i32>} : memref<48xi32, #tpu.memory_space<vmem>>, vector<16xi32>,
      %add3A_147 = arith.constant 16 : i32
      %add3A_148 = vector.broadcast %add3A_147 : i32 to vector<16xi32>
      %add3A_149 = arith.addi %iota3A, %add3A_148 : vector<16xi32>
      %broadcast_in_dim3A_150 = arith.constant 0 : i32
      %broadcast_in_dim3A_151 = vector.broadcast %broadcast_in_dim3A_150 : i32 to vector<16xi32>
      %eq3A_152 = arith.constant 0 : i32
      %eq3A_153 = vector.broadcast %eq3A_152 : i32 to vector<16xi32>
      %eq3A_154 = arith.cmpi eq, %iota3A, %eq3A_153 : vector<16xi32>
      %jit3A_155 = arith.constant 0 : i32
      %broadcast_in_dim3A_156 = vector.broadcast %jit3A_155 : i32 to vector<16xi32>
      %select_n3A_157 = arith.select %eq3A_154, %masked_cumsum3A, %broadcast_in_dim3A_156 : vector<16xi1>, vector<16xi32>
      %reduce_sum3A_158 = arith.constant true
      %reduce_sum3A_159 = vector.broadcast %reduce_sum3A_158 : i1 to vector<16xi1>
      %reduce_sum3A_160 = tpu.scan <sum>, %select_n3A_157 masked %reduce_sum3A_159 : vector<16xi32>, vector<16xi1> -> vector<16xi32>
      %reduce_sum3A_161 = vector.extract %reduce_sum3A_160[15] : i32 from vector<16xi32>
      %ge3A_162 = vector.broadcast %reduce_sum3A_161 : i32 to vector<16xi32>
      %ge3A_163 = arith.cmpi sge, %add3A_149, %ge3A_162 : vector<16xi32>
      %jit3A_164 = arith.constant 1 : i32
      %jit3A_165 = arith.constant 0 : i32
      %broadcast_in_dim3A_166 = vector.broadcast %jit3A_164 : i32 to vector<16xi32>
      %broadcast_in_dim3A_167 = vector.broadcast %jit3A_165 : i32 to vector<16xi32>
      %select_n3A_168 = arith.select %ge3A_163, %broadcast_in_dim3A_166, %broadcast_in_dim3A_167 : vector<16xi1>, vector<16xi32>
      %add3A_169 = arith.addi %broadcast_in_dim3A_151, %select_n3A_168 : vector<16xi32>
      %eq3A_170 = arith.constant 1 : i32
      %eq3A_171 = vector.broadcast %eq3A_170 : i32 to vector<16xi32>
      %eq3A_172 = arith.cmpi eq, %iota3A, %eq3A_171 : vector<16xi32>
      %jit3A_173 = arith.constant 0 : i32
      %broadcast_in_dim3A_174 = vector.broadcast %jit3A_173 : i32 to vector<16xi32>
      %select_n3A_175 = arith.select %eq3A_172, %masked_cumsum3A, %broadcast_in_dim3A_174 : vector<16xi1>, vector<16xi32>
      %reduce_sum3A_176 = arith.constant true
      %reduce_sum3A_177 = vector.broadcast %reduce_sum3A_176 : i1 to vector<16xi1>
      %reduce_sum3A_178 = tpu.scan <sum>, %select_n3A_175 masked %reduce_sum3A_177 : vector<16xi32>, vector<16xi1> -> vector<16xi32>
      %reduce_sum3A_179 = vector.extract %reduce_sum3A_178[15] : i32 from vector<16xi32>
      %ge3A_180 = vector.broadcast %reduce_sum3A_179 : i32 to vector<16xi32>
      %ge3A_181 = arith.cmpi sge, %add3A_149, %ge3A_180 : vector<16xi32>
      %jit3A_182 = arith.constant 1 : i32
      %jit3A_183 = arith.constant 0 : i32
      %broadcast_in_dim3A_184 = vector.broadcast %jit3A_182 : i32 to vector<16xi32>
      %broadcast_in_dim3A_185 = vector.broadcast %jit3A_183 : i32 to vector<16xi32>
      %select_n3A_186 = arith.select %ge3A_181, %broadcast_in_dim3A_184, %broadcast_in_dim3A_185 : vector<16xi1>, vector<16xi32>
      %add3A_187 = arith.addi %add3A_169, %select_n3A_186 : vector<16xi32>
      %eq3A_188 = arith.constant 2 : i32
      %eq3A_189 = vector.broadcast %eq3A_188 : i32 to vector<16xi32>
      %eq3A_190 = arith.cmpi eq, %iota3A, %eq3A_189 : vector<16xi32>
      %jit3A_191 = arith.constant 0 : i32
      %broadcast_in_dim3A_192 = vector.broadcast %jit3A_191 : i32 to vector<16xi32>
      %select_n3A_193 = arith.select %eq3A_190, %masked_cumsum3A, %broadcast_in_dim3A_192 : vector<16xi1>, vector<16xi32>
      %reduce_sum3A_194 = arith.constant true
      %reduce_sum3A_195 = vector.broadcast %reduce_sum3A_194 : i1 to vector<16xi1>
      %reduce_sum3A_196 = tpu.scan <sum>, %select_n3A_193 masked %reduce_sum3A_195 : vector<16xi32>, vector<16xi1> -> vector<16xi32>
      %reduce_sum3A_197 = vector.extract %reduce_sum3A_196[15] : i32 from vector<16xi32>
      %ge3A_198 = vector.broadcast %reduce_sum3A_197 : i32 to vector<16xi32>
      %ge3A_199 = arith.cmpi sge, %add3A_149, %ge3A_198 : vector<16xi32>
      %jit3A_200 = arith.constant 1 : i32
      %jit3A_201 = arith.constant 0 : i32
      %broadcast_in_dim3A_202 = vector.broadcast %jit3A_200 : i32 to vector<16xi32>
      %broadcast_in_dim3A_203 = vector.broadcast %jit3A_201 : i32 to vector<16xi32>
      %select_n3A_204 = arith.select %ge3A_199, %broadcast_in_dim3A_202, %broadcast_in_dim3A_203 : vector<16xi1>, vector<16xi32>
      %add3A_205 = arith.addi %add3A_187, %select_n3A_204 : vector<16xi32>
      %eq3A_206 = arith.constant 3 : i32
      %eq3A_207 = vector.broadcast %eq3A_206 : i32 to vector<16xi32>
      %eq3A_208 = arith.cmpi eq, %iota3A, %eq3A_207 : vector<16xi32>
      %jit3A_209 = arith.constant 0 : i32
      %broadcast_in_dim3A_210 = vector.broadcast %jit3A_209 : i32 to vector<16xi32>
      %select_n3A_211 = arith.select %eq3A_208, %masked_cumsum3A, %broadcast_in_dim3A_210 : vector<16xi1>, vector<16xi32>
      %reduce_sum3A_212 = arith.constant true
      %reduce_sum3A_213 = vector.broadcast %reduce_sum3A_212 : i1 to vector<16xi1>
      %reduce_sum3A_214 = tpu.scan <sum>, %select_n3A_211 masked %reduce_sum3A_213 : vector<16xi32>, vector<16xi1> -> vector<16xi32>
      %reduce_sum3A_215 = vector.extract %reduce_sum3A_214[15] : i32 from vector<16xi32>
      %ge3A_216 = vector.broadcast %reduce_sum3A_215 : i32 to vector<16xi32>
      %ge3A_217 = arith.cmpi sge, %add3A_149, %ge3A_216 : vector<16xi32>
      %jit3A_218 = arith.constant 1 : i32
      %jit3A_219 = arith.constant 0 : i32
      %broadcast_in_dim3A_220 = vector.broadcast %jit3A_218 : i32 to vector<16xi32>
      %broadcast_in_dim3A_221 = vector.broadcast %jit3A_219 : i32 to vector<16xi32>
      %select_n3A_222 = arith.select %ge3A_217, %broadcast_in_dim3A_220, %broadcast_in_dim3A_221 : vector<16xi1>, vector<16xi32>
      %add3A_223 = arith.addi %add3A_205, %select_n3A_222 : vector<16xi32>
      %eq3A_224 = arith.constant 4 : i32
      %eq3A_225 = vector.broadcast %eq3A_224 : i32 to vector<16xi32>
      %eq3A_226 = arith.cmpi eq, %iota3A, %eq3A_225 : vector<16xi32>
      %jit3A_227 = arith.constant 0 : i32
      %broadcast_in_dim3A_228 = vector.broadcast %jit3A_227 : i32 to vector<16xi32>
      %select_n3A_229 = arith.select %eq3A_226, %masked_cumsum3A, %broadcast_in_dim3A_228 : vector<16xi1>, vector<16xi32>
      %reduce_sum3A_230 = arith.constant true
      %reduce_sum3A_231 = vector.broadcast %reduce_sum3A_230 : i1 to vector<16xi1>
      %reduce_sum3A_232 = tpu.scan <sum>, %select_n3A_229 masked %reduce_sum3A_231 : vector<16xi32>, vector<16xi1> -> vector<16xi32>
      %reduce_sum3A_233 = vector.extract %reduce_sum3A_232[15] : i32 from vector<16xi32>
      %ge3A_234 = vector.broadcast %reduce_sum3A_233 : i32 to vector<16xi32>
      %ge3A_235 = arith.cmpi sge, %add3A_149, %ge3A_234 : vector<16xi32>
      %jit3A_236 = arith.constant 1 : i32
      %jit3A_237 = arith.constant 0 : i32
      %broadcast_in_dim3A_238 = vector.broadcast %jit3A_236 : i32 to vector<16xi32>
      %broadcast_in_dim3A_239 = vector.broadcast %jit3A_237 : i32 to vector<16xi32>
      %select_n3A_240 = arith.select %ge3A_235, %broadcast_in_dim3A_238, %broadcast_in_dim3A_239 : vector<16xi1>, vector<16xi32>
      %add3A_241 = arith.addi %add3A_223, %select_n3A_240 : vector<16xi32>
      %eq3A_242 = arith.constant 5 : i32
      %eq3A_243 = vector.broadcast %eq3A_242 : i32 to vector<16xi32>
      %eq3A_244 = arith.cmpi eq, %iota3A, %eq3A_243 : vector<16xi32>
      %jit3A_245 = arith.constant 0 : i32
      %broadcast_in_dim3A_246 = vector.broadcast %jit3A_245 : i32 to vector<16xi32>
      %select_n3A_247 = arith.select %eq3A_244, %masked_cumsum3A, %broadcast_in_dim3A_246 : vector<16xi1>, vector<16xi32>
      %reduce_sum3A_248 = arith.constant true
      %reduce_sum3A_249 = vector.broadcast %reduce_sum3A_248 : i1 to vector<16xi1>
      %reduce_sum3A_250 = tpu.scan <sum>, %select_n3A_247 masked %reduce_sum3A_249 : vector<16xi32>, vector<16xi1> -> vector<16xi32>
      %reduce_sum3A_251 = vector.extract %reduce_sum3A_250[15] : i32 from vector<16xi32>
      %ge3A_252 = vector.broadcast %reduce_sum3A_251 : i32 to vector<16xi32>
      %ge3A_253 = arith.cmpi sge, %add3A_149, %ge3A_252 : vector<16xi32>
      %jit3A_254 = arith.constant 1 : i32
      %jit3A_255 = arith.constant 0 : i32
      %broadcast_in_dim3A_256 = vector.broadcast %jit3A_254 : i32 to vector<16xi32>
      %broadcast_in_dim3A_257 = vector.broadcast %jit3A_255 : i32 to vector<16xi32>
      %select_n3A_258 = arith.select %ge3A_253, %broadcast_in_dim3A_256, %broadcast_in_dim3A_257 : vector<16xi1>, vector<16xi32>
      %add3A_259 = arith.addi %add3A_241, %select_n3A_258 : vector<16xi32>
      %eq3A_260 = arith.constant 6 : i32
      %eq3A_261 = vector.broadcast %eq3A_260 : i32 to vector<16xi32>
      %eq3A_262 = arith.cmpi eq, %iota3A, %eq3A_261 : vector<16xi32>
      %jit3A_263 = arith.constant 0 : i32
      %broadcast_in_dim3A_264 = vector.broadcast %jit3A_263 : i32 to vector<16xi32>
      %select_n3A_265 = arith.select %eq3A_262, %masked_cumsum3A, %broadcast_in_dim3A_264 : vector<16xi1>, vector<16xi32>
      %reduce_sum3A_266 = arith.constant true
      %reduce_sum3A_267 = vector.broadcast %reduce_sum3A_266 : i1 to vector<16xi1>
      %reduce_sum3A_268 = tpu.scan <sum>, %select_n3A_265 masked %reduce_sum3A_267 : vector<16xi32>, vector<16xi1> -> vector<16xi32>
      %reduce_sum3A_269 = vector.extract %reduce_sum3A_268[15] : i32 from vector<16xi32>
      %ge3A_270 = vector.broadcast %reduce_sum3A_269 : i32 to vector<16xi32>
      %ge3A_271 = arith.cmpi sge, %add3A_149, %ge3A_270 : vector<16xi32>
      %jit3A_272 = arith.constant 1 : i32
      %jit3A_273 = arith.constant 0 : i32
      %broadcast_in_dim3A_274 = vector.broadcast %jit3A_272 : i32 to vector<16xi32>
      %broadcast_in_dim3A_275 = vector.broadcast %jit3A_273 : i32 to vector<16xi32>
      %select_n3A_276 = arith.select %ge3A_271, %broadcast_in_dim3A_274, %broadcast_in_dim3A_275 : vector<16xi1>, vector<16xi32>
      %add3A_277 = arith.addi %add3A_259, %select_n3A_276 : vector<16xi32>
      %swap3A_278 = arith.constant 16 : index
      %swap3A_279 = tpu.vector_load %arg12[%swap3A_278] {strides = array<i32>} : memref<48xi32, #tpu.memory_space<vmem>>, vector<16xi32>,
      tpu.vector_store %arg12[%swap3A_278], %add3A_277 {strides = array<i32>} : memref<48xi32, #tpu.memory_space<vmem>>, vector<16xi32>,
      %add3A_280 = arith.constant 32 : i32
      %add3A_281 = vector.broadcast %add3A_280 : i32 to vector<16xi32>
      %add3A_282 = arith.addi %iota3A, %add3A_281 : vector<16xi32>
      %broadcast_in_dim3A_283 = arith.constant 0 : i32
      %broadcast_in_dim3A_284 = vector.broadcast %broadcast_in_dim3A_283 : i32 to vector<16xi32>
      %eq3A_285 = arith.constant 0 : i32
      %eq3A_286 = vector.broadcast %eq3A_285 : i32 to vector<16xi32>
      %eq3A_287 = arith.cmpi eq, %iota3A, %eq3A_286 : vector<16xi32>
      %jit3A_288 = arith.constant 0 : i32
      %broadcast_in_dim3A_289 = vector.broadcast %jit3A_288 : i32 to vector<16xi32>
      %select_n3A_290 = arith.select %eq3A_287, %masked_cumsum3A, %broadcast_in_dim3A_289 : vector<16xi1>, vector<16xi32>
      %reduce_sum3A_291 = arith.constant true
      %reduce_sum3A_292 = vector.broadcast %reduce_sum3A_291 : i1 to vector<16xi1>
      %reduce_sum3A_293 = tpu.scan <sum>, %select_n3A_290 masked %reduce_sum3A_292 : vector<16xi32>, vector<16xi1> -> vector<16xi32>
      %reduce_sum3A_294 = vector.extract %reduce_sum3A_293[15] : i32 from vector<16xi32>
      %ge3A_295 = vector.broadcast %reduce_sum3A_294 : i32 to vector<16xi32>
      %ge3A_296 = arith.cmpi sge, %add3A_282, %ge3A_295 : vector<16xi32>
      %jit3A_297 = arith.constant 1 : i32
      %jit3A_298 = arith.constant 0 : i32
      %broadcast_in_dim3A_299 = vector.broadcast %jit3A_297 : i32 to vector<16xi32>
      %broadcast_in_dim3A_300 = vector.broadcast %jit3A_298 : i32 to vector<16xi32>
      %select_n3A_301 = arith.select %ge3A_296, %broadcast_in_dim3A_299, %broadcast_in_dim3A_300 : vector<16xi1>, vector<16xi32>
      %add3A_302 = arith.addi %broadcast_in_dim3A_284, %select_n3A_301 : vector<16xi32>
      %eq3A_303 = arith.constant 1 : i32
      %eq3A_304 = vector.broadcast %eq3A_303 : i32 to vector<16xi32>
      %eq3A_305 = arith.cmpi eq, %iota3A, %eq3A_304 : vector<16xi32>
      %jit3A_306 = arith.constant 0 : i32
      %broadcast_in_dim3A_307 = vector.broadcast %jit3A_306 : i32 to vector<16xi32>
      %select_n3A_308 = arith.select %eq3A_305, %masked_cumsum3A, %broadcast_in_dim3A_307 : vector<16xi1>, vector<16xi32>
      %reduce_sum3A_309 = arith.constant true
      %reduce_sum3A_310 = vector.broadcast %reduce_sum3A_309 : i1 to vector<16xi1>
      %reduce_sum3A_311 = tpu.scan <sum>, %select_n3A_308 masked %reduce_sum3A_310 : vector<16xi32>, vector<16xi1> -> vector<16xi32>
      %reduce_sum3A_312 = vector.extract %reduce_sum3A_311[15] : i32 from vector<16xi32>
      %ge3A_313 = vector.broadcast %reduce_sum3A_312 : i32 to vector<16xi32>
      %ge3A_314 = arith.cmpi sge, %add3A_282, %ge3A_313 : vector<16xi32>
      %jit3A_315 = arith.constant 1 : i32
      %jit3A_316 = arith.constant 0 : i32
      %broadcast_in_dim3A_317 = vector.broadcast %jit3A_315 : i32 to vector<16xi32>
      %broadcast_in_dim3A_318 = vector.broadcast %jit3A_316 : i32 to vector<16xi32>
      %select_n3A_319 = arith.select %ge3A_314, %broadcast_in_dim3A_317, %broadcast_in_dim3A_318 : vector<16xi1>, vector<16xi32>
      %add3A_320 = arith.addi %add3A_302, %select_n3A_319 : vector<16xi32>
      %eq3A_321 = arith.constant 2 : i32
      %eq3A_322 = vector.broadcast %eq3A_321 : i32 to vector<16xi32>
      %eq3A_323 = arith.cmpi eq, %iota3A, %eq3A_322 : vector<16xi32>
      %jit3A_324 = arith.constant 0 : i32
      %broadcast_in_dim3A_325 = vector.broadcast %jit3A_324 : i32 to vector<16xi32>
      %select_n3A_326 = arith.select %eq3A_323, %masked_cumsum3A, %broadcast_in_dim3A_325 : vector<16xi1>, vector<16xi32>
      %reduce_sum3A_327 = arith.constant true
      %reduce_sum3A_328 = vector.broadcast %reduce_sum3A_327 : i1 to vector<16xi1>
      %reduce_sum3A_329 = tpu.scan <sum>, %select_n3A_326 masked %reduce_sum3A_328 : vector<16xi32>, vector<16xi1> -> vector<16xi32>
      %reduce_sum3A_330 = vector.extract %reduce_sum3A_329[15] : i32 from vector<16xi32>
      %ge3A_331 = vector.broadcast %reduce_sum3A_330 : i32 to vector<16xi32>
      %ge3A_332 = arith.cmpi sge, %add3A_282, %ge3A_331 : vector<16xi32>
      %jit3A_333 = arith.constant 1 : i32
      %jit3A_334 = arith.constant 0 : i32
      %broadcast_in_dim3A_335 = vector.broadcast %jit3A_333 : i32 to vector<16xi32>
      %broadcast_in_dim3A_336 = vector.broadcast %jit3A_334 : i32 to vector<16xi32>
      %select_n3A_337 = arith.select %ge3A_332, %broadcast_in_dim3A_335, %broadcast_in_dim3A_336 : vector<16xi1>, vector<16xi32>
      %add3A_338 = arith.addi %add3A_320, %select_n3A_337 : vector<16xi32>
      %eq3A_339 = arith.constant 3 : i32
      %eq3A_340 = vector.broadcast %eq3A_339 : i32 to vector<16xi32>
      %eq3A_341 = arith.cmpi eq, %iota3A, %eq3A_340 : vector<16xi32>
      %jit3A_342 = arith.constant 0 : i32
      %broadcast_in_dim3A_343 = vector.broadcast %jit3A_342 : i32 to vector<16xi32>
      %select_n3A_344 = arith.select %eq3A_341, %masked_cumsum3A, %broadcast_in_dim3A_343 : vector<16xi1>, vector<16xi32>
      %reduce_sum3A_345 = arith.constant true
      %reduce_sum3A_346 = vector.broadcast %reduce_sum3A_345 : i1 to vector<16xi1>
      %reduce_sum3A_347 = tpu.scan <sum>, %select_n3A_344 masked %reduce_sum3A_346 : vector<16xi32>, vector<16xi1> -> vector<16xi32>
      %reduce_sum3A_348 = vector.extract %reduce_sum3A_347[15] : i32 from vector<16xi32>
      %ge3A_349 = vector.broadcast %reduce_sum3A_348 : i32 to vector<16xi32>
      %ge3A_350 = arith.cmpi sge, %add3A_282, %ge3A_349 : vector<16xi32>
      %jit3A_351 = arith.constant 1 : i32
      %jit3A_352 = arith.constant 0 : i32
      %broadcast_in_dim3A_353 = vector.broadcast %jit3A_351 : i32 to vector<16xi32>
      %broadcast_in_dim3A_354 = vector.broadcast %jit3A_352 : i32 to vector<16xi32>
      %select_n3A_355 = arith.select %ge3A_350, %broadcast_in_dim3A_353, %broadcast_in_dim3A_354 : vector<16xi1>, vector<16xi32>
      %add3A_356 = arith.addi %add3A_338, %select_n3A_355 : vector<16xi32>
      %eq3A_357 = arith.constant 4 : i32
      %eq3A_358 = vector.broadcast %eq3A_357 : i32 to vector<16xi32>
      %eq3A_359 = arith.cmpi eq, %iota3A, %eq3A_358 : vector<16xi32>
      %jit3A_360 = arith.constant 0 : i32
      %broadcast_in_dim3A_361 = vector.broadcast %jit3A_360 : i32 to vector<16xi32>
      %select_n3A_362 = arith.select %eq3A_359, %masked_cumsum3A, %broadcast_in_dim3A_361 : vector<16xi1>, vector<16xi32>
      %reduce_sum3A_363 = arith.constant true
      %reduce_sum3A_364 = vector.broadcast %reduce_sum3A_363 : i1 to vector<16xi1>
      %reduce_sum3A_365 = tpu.scan <sum>, %select_n3A_362 masked %reduce_sum3A_364 : vector<16xi32>, vector<16xi1> -> vector<16xi32>
      %reduce_sum3A_366 = vector.extract %reduce_sum3A_365[15] : i32 from vector<16xi32>
      %ge3A_367 = vector.broadcast %reduce_sum3A_366 : i32 to vector<16xi32>
      %ge3A_368 = arith.cmpi sge, %add3A_282, %ge3A_367 : vector<16xi32>
      %jit3A_369 = arith.constant 1 : i32
      %jit3A_370 = arith.constant 0 : i32
      %broadcast_in_dim3A_371 = vector.broadcast %jit3A_369 : i32 to vector<16xi32>
      %broadcast_in_dim3A_372 = vector.broadcast %jit3A_370 : i32 to vector<16xi32>
      %select_n3A_373 = arith.select %ge3A_368, %broadcast_in_dim3A_371, %broadcast_in_dim3A_372 : vector<16xi1>, vector<16xi32>
      %add3A_374 = arith.addi %add3A_356, %select_n3A_373 : vector<16xi32>
      %eq3A_375 = arith.constant 5 : i32
      %eq3A_376 = vector.broadcast %eq3A_375 : i32 to vector<16xi32>
      %eq3A_377 = arith.cmpi eq, %iota3A, %eq3A_376 : vector<16xi32>
      %jit3A_378 = arith.constant 0 : i32
      %broadcast_in_dim3A_379 = vector.broadcast %jit3A_378 : i32 to vector<16xi32>
      %select_n3A_380 = arith.select %eq3A_377, %masked_cumsum3A, %broadcast_in_dim3A_379 : vector<16xi1>, vector<16xi32>
      %reduce_sum3A_381 = arith.constant true
      %reduce_sum3A_382 = vector.broadcast %reduce_sum3A_381 : i1 to vector<16xi1>
      %reduce_sum3A_383 = tpu.scan <sum>, %select_n3A_380 masked %reduce_sum3A_382 : vector<16xi32>, vector<16xi1> -> vector<16xi32>
      %reduce_sum3A_384 = vector.extract %reduce_sum3A_383[15] : i32 from vector<16xi32>
      %ge3A_385 = vector.broadcast %reduce_sum3A_384 : i32 to vector<16xi32>
      %ge3A_386 = arith.cmpi sge, %add3A_282, %ge3A_385 : vector<16xi32>
      %jit3A_387 = arith.constant 1 : i32
      %jit3A_388 = arith.constant 0 : i32
      %broadcast_in_dim3A_389 = vector.broadcast %jit3A_387 : i32 to vector<16xi32>
      %broadcast_in_dim3A_390 = vector.broadcast %jit3A_388 : i32 to vector<16xi32>
      %select_n3A_391 = arith.select %ge3A_386, %broadcast_in_dim3A_389, %broadcast_in_dim3A_390 : vector<16xi1>, vector<16xi32>
      %add3A_392 = arith.addi %add3A_374, %select_n3A_391 : vector<16xi32>
      %eq3A_393 = arith.constant 6 : i32
      %eq3A_394 = vector.broadcast %eq3A_393 : i32 to vector<16xi32>
      %eq3A_395 = arith.cmpi eq, %iota3A, %eq3A_394 : vector<16xi32>
      %jit3A_396 = arith.constant 0 : i32
      %broadcast_in_dim3A_397 = vector.broadcast %jit3A_396 : i32 to vector<16xi32>
      %select_n3A_398 = arith.select %eq3A_395, %masked_cumsum3A, %broadcast_in_dim3A_397 : vector<16xi1>, vector<16xi32>
      %reduce_sum3A_399 = arith.constant true
      %reduce_sum3A_400 = vector.broadcast %reduce_sum3A_399 : i1 to vector<16xi1>
      %reduce_sum3A_401 = tpu.scan <sum>, %select_n3A_398 masked %reduce_sum3A_400 : vector<16xi32>, vector<16xi1> -> vector<16xi32>
      %reduce_sum3A_402 = vector.extract %reduce_sum3A_401[15] : i32 from vector<16xi32>
      %ge3A_403 = vector.broadcast %reduce_sum3A_402 : i32 to vector<16xi32>
      %ge3A_404 = arith.cmpi sge, %add3A_282, %ge3A_403 : vector<16xi32>
      %jit3A_405 = arith.constant 1 : i32
      %jit3A_406 = arith.constant 0 : i32
      %broadcast_in_dim3A_407 = vector.broadcast %jit3A_405 : i32 to vector<16xi32>
      %broadcast_in_dim3A_408 = vector.broadcast %jit3A_406 : i32 to vector<16xi32>
      %select_n3A_409 = arith.select %ge3A_404, %broadcast_in_dim3A_407, %broadcast_in_dim3A_408 : vector<16xi1>, vector<16xi32>
      %add3A_410 = arith.addi %add3A_392, %select_n3A_409 : vector<16xi32>
      %swap3A_411 = arith.constant 32 : index
      %swap3A_412 = tpu.vector_load %arg12[%swap3A_411] {strides = array<i32>} : memref<48xi32, #tpu.memory_space<vmem>>, vector<16xi32>,
      tpu.vector_store %arg12[%swap3A_411], %add3A_410 {strides = array<i32>} : memref<48xi32, #tpu.memory_space<vmem>>, vector<16xi32>,
      %scan3A_413 = arith.constant 0 : i32
      %scan3A_414 = arith.constant 0 : i32
      %scan3A_415 = arith.constant 320 : i32
      %scan3A_416 = arith.addi %scan3A_414, %scan3A_415 : i32
      %scan3A_417 = arith.constant 1 : i32
      scf.for %scan3A_427 = %scan3A_414 to %scan3A_416 step %scan3A_417  : i32 {
        %broadcast_in_dim3A_428 = arith.constant 0 : i32
        %broadcast_in_dim3A_429 = vector.broadcast %broadcast_in_dim3A_428 : i32 to vector<16xi32>
        %mul3A_430 = arith.constant 16 : i32
        %mul3A_431 = arith.muli %scan3A_427, %mul3A_430 : i32
        %swap3A_432 = arith.index_cast %mul3A_431 : i32 to index
        %swap3A_433 = tpu.vector_load %arg10[%swap3A_432] {strides = array<i32>} : memref<5120xi32, #tpu.memory_space<vmem>>, vector<16xi32>,
        tpu.vector_store %arg10[%swap3A_432], %broadcast_in_dim3A_429 {strides = array<i32>} : memref<5120xi32, #tpu.memory_space<vmem>>, vector<16xi32>,
        %broadcast_in_dim3A_434 = arith.constant 0.000000e+00 : f32
        %broadcast_in_dim3A_435 = vector.broadcast %broadcast_in_dim3A_434 : f32 to vector<16xf32>
        %mul3A_436 = arith.constant 16 : i32
        %mul3A_437 = arith.muli %scan3A_427, %mul3A_436 : i32
        %swap3A_438 = arith.index_cast %mul3A_437 : i32 to index
        %swap3A_439 = tpu.vector_load %arg11[%swap3A_438] {strides = array<i32>} : memref<5120xf32, #tpu.memory_space<vmem>>, vector<16xf32>,
        tpu.vector_store %arg11[%swap3A_438], %broadcast_in_dim3A_435 {strides = array<i32>} : memref<5120xf32, #tpu.memory_space<vmem>>, vector<16xf32>,
      }
      %scan3A_418 = arith.constant 320 : i32
      %broadcast_in_dim3A_419 = arith.constant 0 : i32
      %broadcast_in_dim3A_420 = vector.broadcast %broadcast_in_dim3A_419 : i32 to vector<16xi32>
      %scan3A_421 = arith.constant 0 : i32
      %scan3A_422 = arith.constant 256 : i32
      %scan3A_423 = arith.addi %scan3A_421, %scan3A_422 : i32
      %scan3A_424 = arith.constant 1 : i32
      %scan3A_425 = scf.for %scan3A_427 = %scan3A_421 to %scan3A_423 step %scan3A_424 iter_args(%scan3A_428 = %broadcast_in_dim3A_420) -> (vector<16xi32>)  : i32 {
        %mul3A_429 = arith.constant 16 : i32
        %mul3A_430 = arith.muli %scan3A_427, %mul3A_429 : i32
        %get3A = arith.index_cast %mul3A_430 : i32 to index
        %get3A_431 = tpu.vector_load %arg8[%get3A] {strides = array<i32>} : memref<4096xi32, #tpu.memory_space<vmem>>, vector<16xi32>,
        %broadcast_in_dim3A_432 = arith.constant 0 : i32
        %broadcast_in_dim3A_433 = vector.broadcast %broadcast_in_dim3A_432 : i32 to vector<16xi32>
        %eq3A_434 = arith.constant 0 : i32
        %eq3A_435 = vector.broadcast %eq3A_434 : i32 to vector<16xi32>
        %eq3A_436 = arith.cmpi eq, %get3A_431, %eq3A_435 : vector<16xi32>
        %jit3A_437 = arith.constant 1 : i32
        %jit3A_438 = arith.constant 0 : i32
        %broadcast_in_dim3A_439 = vector.broadcast %jit3A_437 : i32 to vector<16xi32>
        %broadcast_in_dim3A_440 = vector.broadcast %jit3A_438 : i32 to vector<16xi32>
        %select_n3A_441 = arith.select %eq3A_436, %broadcast_in_dim3A_439, %broadcast_in_dim3A_440 : vector<16xi1>, vector<16xi32>
        %broadcast_in_dim3A_442 = arith.constant true
        %broadcast_in_dim3A_443 = vector.broadcast %broadcast_in_dim3A_442 : i1 to vector<16xi1>
        %masked_cumsum3A_444 = tpu.scan <sum>, %select_n3A_441 masked %broadcast_in_dim3A_443 : vector<16xi32>, vector<16xi1> -> vector<16xi32>
        %sub3A_445 = arith.subi %masked_cumsum3A_444, %select_n3A_441 : vector<16xi32>
        %select_n3A_446 = arith.select %eq3A_436, %sub3A_445, %broadcast_in_dim3A_433 : vector<16xi1>, vector<16xi32>
        %eq3A_447 = arith.constant 15 : i32
        %eq3A_448 = vector.broadcast %eq3A_447 : i32 to vector<16xi32>
        %eq3A_449 = arith.cmpi eq, %iota3A, %eq3A_448 : vector<16xi32>
        %jit3A_450 = arith.constant 0 : i32
        %broadcast_in_dim3A_451 = vector.broadcast %jit3A_450 : i32 to vector<16xi32>
        %select_n3A_452 = arith.select %eq3A_449, %masked_cumsum3A_444, %broadcast_in_dim3A_451 : vector<16xi1>, vector<16xi32>
        %reduce_sum3A_453 = arith.constant true
        %reduce_sum3A_454 = vector.broadcast %reduce_sum3A_453 : i1 to vector<16xi1>
        %reduce_sum3A_455 = tpu.scan <sum>, %select_n3A_452 masked %reduce_sum3A_454 : vector<16xi32>, vector<16xi1> -> vector<16xi32>
        %reduce_sum3A_456 = vector.extract %reduce_sum3A_455[15] : i32 from vector<16xi32>
        %eq3A_457 = arith.constant 0 : i32
        %eq3A_458 = vector.broadcast %eq3A_457 : i32 to vector<16xi32>
        %eq3A_459 = arith.cmpi eq, %iota3A, %eq3A_458 : vector<16xi32>
        %jit3A_460 = arith.constant 0 : i32
        %broadcast_in_dim3A_461 = vector.broadcast %reduce_sum3A_456 : i32 to vector<16xi32>
        %broadcast_in_dim3A_462 = vector.broadcast %jit3A_460 : i32 to vector<16xi32>
        %select_n3A_463 = arith.select %eq3A_459, %broadcast_in_dim3A_461, %broadcast_in_dim3A_462 : vector<16xi1>, vector<16xi32>
        %add3A_464 = arith.addi %scan3A_428, %select_n3A_463 : vector<16xi32>
        %eq3A_465 = arith.constant 1 : i32
        %eq3A_466 = vector.broadcast %eq3A_465 : i32 to vector<16xi32>
        %eq3A_467 = arith.cmpi eq, %get3A_431, %eq3A_466 : vector<16xi32>
        %jit3A_468 = arith.constant 1 : i32
        %jit3A_469 = arith.constant 0 : i32
        %broadcast_in_dim3A_470 = vector.broadcast %jit3A_468 : i32 to vector<16xi32>
        %broadcast_in_dim3A_471 = vector.broadcast %jit3A_469 : i32 to vector<16xi32>
        %select_n3A_472 = arith.select %eq3A_467, %broadcast_in_dim3A_470, %broadcast_in_dim3A_471 : vector<16xi1>, vector<16xi32>
        %broadcast_in_dim3A_473 = arith.constant true
        %broadcast_in_dim3A_474 = vector.broadcast %broadcast_in_dim3A_473 : i1 to vector<16xi1>
        %masked_cumsum3A_475 = tpu.scan <sum>, %select_n3A_472 masked %broadcast_in_dim3A_474 : vector<16xi32>, vector<16xi1> -> vector<16xi32>
        %sub3A_476 = arith.subi %masked_cumsum3A_475, %select_n3A_472 : vector<16xi32>
        %select_n3A_477 = arith.select %eq3A_467, %sub3A_476, %select_n3A_446 : vector<16xi1>, vector<16xi32>
        %eq3A_478 = arith.constant 15 : i32
        %eq3A_479 = vector.broadcast %eq3A_478 : i32 to vector<16xi32>
        %eq3A_480 = arith.cmpi eq, %iota3A, %eq3A_479 : vector<16xi32>
        %jit3A_481 = arith.constant 0 : i32
        %broadcast_in_dim3A_482 = vector.broadcast %jit3A_481 : i32 to vector<16xi32>
        %select_n3A_483 = arith.select %eq3A_480, %masked_cumsum3A_475, %broadcast_in_dim3A_482 : vector<16xi1>, vector<16xi32>
        %reduce_sum3A_484 = arith.constant true
        %reduce_sum3A_485 = vector.broadcast %reduce_sum3A_484 : i1 to vector<16xi1>
        %reduce_sum3A_486 = tpu.scan <sum>, %select_n3A_483 masked %reduce_sum3A_485 : vector<16xi32>, vector<16xi1> -> vector<16xi32>
        %reduce_sum3A_487 = vector.extract %reduce_sum3A_486[15] : i32 from vector<16xi32>
        %eq3A_488 = arith.constant 1 : i32
        %eq3A_489 = vector.broadcast %eq3A_488 : i32 to vector<16xi32>
        %eq3A_490 = arith.cmpi eq, %iota3A, %eq3A_489 : vector<16xi32>
        %jit3A_491 = arith.constant 0 : i32
        %broadcast_in_dim3A_492 = vector.broadcast %reduce_sum3A_487 : i32 to vector<16xi32>
        %broadcast_in_dim3A_493 = vector.broadcast %jit3A_491 : i32 to vector<16xi32>
        %select_n3A_494 = arith.select %eq3A_490, %broadcast_in_dim3A_492, %broadcast_in_dim3A_493 : vector<16xi1>, vector<16xi32>
        %add3A_495 = arith.addi %add3A_464, %select_n3A_494 : vector<16xi32>
        %eq3A_496 = arith.constant 2 : i32
        %eq3A_497 = vector.broadcast %eq3A_496 : i32 to vector<16xi32>
        %eq3A_498 = arith.cmpi eq, %get3A_431, %eq3A_497 : vector<16xi32>
        %jit3A_499 = arith.constant 1 : i32
        %jit3A_500 = arith.constant 0 : i32
        %broadcast_in_dim3A_501 = vector.broadcast %jit3A_499 : i32 to vector<16xi32>
        %broadcast_in_dim3A_502 = vector.broadcast %jit3A_500 : i32 to vector<16xi32>
        %select_n3A_503 = arith.select %eq3A_498, %broadcast_in_dim3A_501, %broadcast_in_dim3A_502 : vector<16xi1>, vector<16xi32>
        %broadcast_in_dim3A_504 = arith.constant true
        %broadcast_in_dim3A_505 = vector.broadcast %broadcast_in_dim3A_504 : i1 to vector<16xi1>
        %masked_cumsum3A_506 = tpu.scan <sum>, %select_n3A_503 masked %broadcast_in_dim3A_505 : vector<16xi32>, vector<16xi1> -> vector<16xi32>
        %sub3A_507 = arith.subi %masked_cumsum3A_506, %select_n3A_503 : vector<16xi32>
        %select_n3A_508 = arith.select %eq3A_498, %sub3A_507, %select_n3A_477 : vector<16xi1>, vector<16xi32>
        %eq3A_509 = arith.constant 15 : i32
        %eq3A_510 = vector.broadcast %eq3A_509 : i32 to vector<16xi32>
        %eq3A_511 = arith.cmpi eq, %iota3A, %eq3A_510 : vector<16xi32>
        %jit3A_512 = arith.constant 0 : i32
        %broadcast_in_dim3A_513 = vector.broadcast %jit3A_512 : i32 to vector<16xi32>
        %select_n3A_514 = arith.select %eq3A_511, %masked_cumsum3A_506, %broadcast_in_dim3A_513 : vector<16xi1>, vector<16xi32>
        %reduce_sum3A_515 = arith.constant true
        %reduce_sum3A_516 = vector.broadcast %reduce_sum3A_515 : i1 to vector<16xi1>
        %reduce_sum3A_517 = tpu.scan <sum>, %select_n3A_514 masked %reduce_sum3A_516 : vector<16xi32>, vector<16xi1> -> vector<16xi32>
        %reduce_sum3A_518 = vector.extract %reduce_sum3A_517[15] : i32 from vector<16xi32>
        %eq3A_519 = arith.constant 2 : i32
        %eq3A_520 = vector.broadcast %eq3A_519 : i32 to vector<16xi32>
        %eq3A_521 = arith.cmpi eq, %iota3A, %eq3A_520 : vector<16xi32>
        %jit3A_522 = arith.constant 0 : i32
        %broadcast_in_dim3A_523 = vector.broadcast %reduce_sum3A_518 : i32 to vector<16xi32>
        %broadcast_in_dim3A_524 = vector.broadcast %jit3A_522 : i32 to vector<16xi32>
        %select_n3A_525 = arith.select %eq3A_521, %broadcast_in_dim3A_523, %broadcast_in_dim3A_524 : vector<16xi1>, vector<16xi32>
        %add3A_526 = arith.addi %add3A_495, %select_n3A_525 : vector<16xi32>
        %eq3A_527 = arith.constant 3 : i32
        %eq3A_528 = vector.broadcast %eq3A_527 : i32 to vector<16xi32>
        %eq3A_529 = arith.cmpi eq, %get3A_431, %eq3A_528 : vector<16xi32>
        %jit3A_530 = arith.constant 1 : i32
        %jit3A_531 = arith.constant 0 : i32
        %broadcast_in_dim3A_532 = vector.broadcast %jit3A_530 : i32 to vector<16xi32>
        %broadcast_in_dim3A_533 = vector.broadcast %jit3A_531 : i32 to vector<16xi32>
        %select_n3A_534 = arith.select %eq3A_529, %broadcast_in_dim3A_532, %broadcast_in_dim3A_533 : vector<16xi1>, vector<16xi32>
        %broadcast_in_dim3A_535 = arith.constant true
        %broadcast_in_dim3A_536 = vector.broadcast %broadcast_in_dim3A_535 : i1 to vector<16xi1>
        %masked_cumsum3A_537 = tpu.scan <sum>, %select_n3A_534 masked %broadcast_in_dim3A_536 : vector<16xi32>, vector<16xi1> -> vector<16xi32>
        %sub3A_538 = arith.subi %masked_cumsum3A_537, %select_n3A_534 : vector<16xi32>
        %select_n3A_539 = arith.select %eq3A_529, %sub3A_538, %select_n3A_508 : vector<16xi1>, vector<16xi32>
        %eq3A_540 = arith.constant 15 : i32
        %eq3A_541 = vector.broadcast %eq3A_540 : i32 to vector<16xi32>
        %eq3A_542 = arith.cmpi eq, %iota3A, %eq3A_541 : vector<16xi32>
        %jit3A_543 = arith.constant 0 : i32
        %broadcast_in_dim3A_544 = vector.broadcast %jit3A_543 : i32 to vector<16xi32>
        %select_n3A_545 = arith.select %eq3A_542, %masked_cumsum3A_537, %broadcast_in_dim3A_544 : vector<16xi1>, vector<16xi32>
        %reduce_sum3A_546 = arith.constant true
        %reduce_sum3A_547 = vector.broadcast %reduce_sum3A_546 : i1 to vector<16xi1>
        %reduce_sum3A_548 = tpu.scan <sum>, %select_n3A_545 masked %reduce_sum3A_547 : vector<16xi32>, vector<16xi1> -> vector<16xi32>
        %reduce_sum3A_549 = vector.extract %reduce_sum3A_548[15] : i32 from vector<16xi32>
        %eq3A_550 = arith.constant 3 : i32
        %eq3A_551 = vector.broadcast %eq3A_550 : i32 to vector<16xi32>
        %eq3A_552 = arith.cmpi eq, %iota3A, %eq3A_551 : vector<16xi32>
        %jit3A_553 = arith.constant 0 : i32
        %broadcast_in_dim3A_554 = vector.broadcast %reduce_sum3A_549 : i32 to vector<16xi32>
        %broadcast_in_dim3A_555 = vector.broadcast %jit3A_553 : i32 to vector<16xi32>
        %select_n3A_556 = arith.select %eq3A_552, %broadcast_in_dim3A_554, %broadcast_in_dim3A_555 : vector<16xi1>, vector<16xi32>
        %add3A_557 = arith.addi %add3A_526, %select_n3A_556 : vector<16xi32>
        %eq3A_558 = arith.constant 4 : i32
        %eq3A_559 = vector.broadcast %eq3A_558 : i32 to vector<16xi32>
        %eq3A_560 = arith.cmpi eq, %get3A_431, %eq3A_559 : vector<16xi32>
        %jit3A_561 = arith.constant 1 : i32
        %jit3A_562 = arith.constant 0 : i32
        %broadcast_in_dim3A_563 = vector.broadcast %jit3A_561 : i32 to vector<16xi32>
        %broadcast_in_dim3A_564 = vector.broadcast %jit3A_562 : i32 to vector<16xi32>
        %select_n3A_565 = arith.select %eq3A_560, %broadcast_in_dim3A_563, %broadcast_in_dim3A_564 : vector<16xi1>, vector<16xi32>
        %broadcast_in_dim3A_566 = arith.constant true
        %broadcast_in_dim3A_567 = vector.broadcast %broadcast_in_dim3A_566 : i1 to vector<16xi1>
        %masked_cumsum3A_568 = tpu.scan <sum>, %select_n3A_565 masked %broadcast_in_dim3A_567 : vector<16xi32>, vector<16xi1> -> vector<16xi32>
        %sub3A_569 = arith.subi %masked_cumsum3A_568, %select_n3A_565 : vector<16xi32>
        %select_n3A_570 = arith.select %eq3A_560, %sub3A_569, %select_n3A_539 : vector<16xi1>, vector<16xi32>
        %eq3A_571 = arith.constant 15 : i32
        %eq3A_572 = vector.broadcast %eq3A_571 : i32 to vector<16xi32>
        %eq3A_573 = arith.cmpi eq, %iota3A, %eq3A_572 : vector<16xi32>
        %jit3A_574 = arith.constant 0 : i32
        %broadcast_in_dim3A_575 = vector.broadcast %jit3A_574 : i32 to vector<16xi32>
        %select_n3A_576 = arith.select %eq3A_573, %masked_cumsum3A_568, %broadcast_in_dim3A_575 : vector<16xi1>, vector<16xi32>
        %reduce_sum3A_577 = arith.constant true
        %reduce_sum3A_578 = vector.broadcast %reduce_sum3A_577 : i1 to vector<16xi1>
        %reduce_sum3A_579 = tpu.scan <sum>, %select_n3A_576 masked %reduce_sum3A_578 : vector<16xi32>, vector<16xi1> -> vector<16xi32>
        %reduce_sum3A_580 = vector.extract %reduce_sum3A_579[15] : i32 from vector<16xi32>
        %eq3A_581 = arith.constant 4 : i32
        %eq3A_582 = vector.broadcast %eq3A_581 : i32 to vector<16xi32>
        %eq3A_583 = arith.cmpi eq, %iota3A, %eq3A_582 : vector<16xi32>
        %jit3A_584 = arith.constant 0 : i32
        %broadcast_in_dim3A_585 = vector.broadcast %reduce_sum3A_580 : i32 to vector<16xi32>
        %broadcast_in_dim3A_586 = vector.broadcast %jit3A_584 : i32 to vector<16xi32>
        %select_n3A_587 = arith.select %eq3A_583, %broadcast_in_dim3A_585, %broadcast_in_dim3A_586 : vector<16xi1>, vector<16xi32>
        %add3A_588 = arith.addi %add3A_557, %select_n3A_587 : vector<16xi32>
        %eq3A_589 = arith.constant 5 : i32
        %eq3A_590 = vector.broadcast %eq3A_589 : i32 to vector<16xi32>
        %eq3A_591 = arith.cmpi eq, %get3A_431, %eq3A_590 : vector<16xi32>
        %jit3A_592 = arith.constant 1 : i32
        %jit3A_593 = arith.constant 0 : i32
        %broadcast_in_dim3A_594 = vector.broadcast %jit3A_592 : i32 to vector<16xi32>
        %broadcast_in_dim3A_595 = vector.broadcast %jit3A_593 : i32 to vector<16xi32>
        %select_n3A_596 = arith.select %eq3A_591, %broadcast_in_dim3A_594, %broadcast_in_dim3A_595 : vector<16xi1>, vector<16xi32>
        %broadcast_in_dim3A_597 = arith.constant true
        %broadcast_in_dim3A_598 = vector.broadcast %broadcast_in_dim3A_597 : i1 to vector<16xi1>
        %masked_cumsum3A_599 = tpu.scan <sum>, %select_n3A_596 masked %broadcast_in_dim3A_598 : vector<16xi32>, vector<16xi1> -> vector<16xi32>
        %sub3A_600 = arith.subi %masked_cumsum3A_599, %select_n3A_596 : vector<16xi32>
        %select_n3A_601 = arith.select %eq3A_591, %sub3A_600, %select_n3A_570 : vector<16xi1>, vector<16xi32>
        %eq3A_602 = arith.constant 15 : i32
        %eq3A_603 = vector.broadcast %eq3A_602 : i32 to vector<16xi32>
        %eq3A_604 = arith.cmpi eq, %iota3A, %eq3A_603 : vector<16xi32>
        %jit3A_605 = arith.constant 0 : i32
        %broadcast_in_dim3A_606 = vector.broadcast %jit3A_605 : i32 to vector<16xi32>
        %select_n3A_607 = arith.select %eq3A_604, %masked_cumsum3A_599, %broadcast_in_dim3A_606 : vector<16xi1>, vector<16xi32>
        %reduce_sum3A_608 = arith.constant true
        %reduce_sum3A_609 = vector.broadcast %reduce_sum3A_608 : i1 to vector<16xi1>
        %reduce_sum3A_610 = tpu.scan <sum>, %select_n3A_607 masked %reduce_sum3A_609 : vector<16xi32>, vector<16xi1> -> vector<16xi32>
        %reduce_sum3A_611 = vector.extract %reduce_sum3A_610[15] : i32 from vector<16xi32>
        %eq3A_612 = arith.constant 5 : i32
        %eq3A_613 = vector.broadcast %eq3A_612 : i32 to vector<16xi32>
        %eq3A_614 = arith.cmpi eq, %iota3A, %eq3A_613 : vector<16xi32>
        %jit3A_615 = arith.constant 0 : i32
        %broadcast_in_dim3A_616 = vector.broadcast %reduce_sum3A_611 : i32 to vector<16xi32>
        %broadcast_in_dim3A_617 = vector.broadcast %jit3A_615 : i32 to vector<16xi32>
        %select_n3A_618 = arith.select %eq3A_614, %broadcast_in_dim3A_616, %broadcast_in_dim3A_617 : vector<16xi1>, vector<16xi32>
        %add3A_619 = arith.addi %add3A_588, %select_n3A_618 : vector<16xi32>
        %eq3A_620 = arith.constant 6 : i32
        %eq3A_621 = vector.broadcast %eq3A_620 : i32 to vector<16xi32>
        %eq3A_622 = arith.cmpi eq, %get3A_431, %eq3A_621 : vector<16xi32>
        %jit3A_623 = arith.constant 1 : i32
        %jit3A_624 = arith.constant 0 : i32
        %broadcast_in_dim3A_625 = vector.broadcast %jit3A_623 : i32 to vector<16xi32>
        %broadcast_in_dim3A_626 = vector.broadcast %jit3A_624 : i32 to vector<16xi32>
        %select_n3A_627 = arith.select %eq3A_622, %broadcast_in_dim3A_625, %broadcast_in_dim3A_626 : vector<16xi1>, vector<16xi32>
        %broadcast_in_dim3A_628 = arith.constant true
        %broadcast_in_dim3A_629 = vector.broadcast %broadcast_in_dim3A_628 : i1 to vector<16xi1>
        %masked_cumsum3A_630 = tpu.scan <sum>, %select_n3A_627 masked %broadcast_in_dim3A_629 : vector<16xi32>, vector<16xi1> -> vector<16xi32>
        %sub3A_631 = arith.subi %masked_cumsum3A_630, %select_n3A_627 : vector<16xi32>
        %select_n3A_632 = arith.select %eq3A_622, %sub3A_631, %select_n3A_601 : vector<16xi1>, vector<16xi32>
        %eq3A_633 = arith.constant 15 : i32
        %eq3A_634 = vector.broadcast %eq3A_633 : i32 to vector<16xi32>
        %eq3A_635 = arith.cmpi eq, %iota3A, %eq3A_634 : vector<16xi32>
        %jit3A_636 = arith.constant 0 : i32
        %broadcast_in_dim3A_637 = vector.broadcast %jit3A_636 : i32 to vector<16xi32>
        %select_n3A_638 = arith.select %eq3A_635, %masked_cumsum3A_630, %broadcast_in_dim3A_637 : vector<16xi1>, vector<16xi32>
        %reduce_sum3A_639 = arith.constant true
        %reduce_sum3A_640 = vector.broadcast %reduce_sum3A_639 : i1 to vector<16xi1>
        %reduce_sum3A_641 = tpu.scan <sum>, %select_n3A_638 masked %reduce_sum3A_640 : vector<16xi32>, vector<16xi1> -> vector<16xi32>
        %reduce_sum3A_642 = vector.extract %reduce_sum3A_641[15] : i32 from vector<16xi32>
        %eq3A_643 = arith.constant 6 : i32
        %eq3A_644 = vector.broadcast %eq3A_643 : i32 to vector<16xi32>
        %eq3A_645 = arith.cmpi eq, %iota3A, %eq3A_644 : vector<16xi32>
        %jit3A_646 = arith.constant 0 : i32
        %broadcast_in_dim3A_647 = vector.broadcast %reduce_sum3A_642 : i32 to vector<16xi32>
        %broadcast_in_dim3A_648 = vector.broadcast %jit3A_646 : i32 to vector<16xi32>
        %select_n3A_649 = arith.select %eq3A_645, %broadcast_in_dim3A_647, %broadcast_in_dim3A_648 : vector<16xi1>, vector<16xi32>
        %add3A_650 = arith.addi %add3A_619, %select_n3A_649 : vector<16xi32>
        %eq3A_651 = arith.constant 7 : i32
        %eq3A_652 = vector.broadcast %eq3A_651 : i32 to vector<16xi32>
        %eq3A_653 = arith.cmpi eq, %get3A_431, %eq3A_652 : vector<16xi32>
        %jit3A_654 = arith.constant 1 : i32
        %jit3A_655 = arith.constant 0 : i32
        %broadcast_in_dim3A_656 = vector.broadcast %jit3A_654 : i32 to vector<16xi32>
        %broadcast_in_dim3A_657 = vector.broadcast %jit3A_655 : i32 to vector<16xi32>
        %select_n3A_658 = arith.select %eq3A_653, %broadcast_in_dim3A_656, %broadcast_in_dim3A_657 : vector<16xi1>, vector<16xi32>
        %broadcast_in_dim3A_659 = arith.constant true
        %broadcast_in_dim3A_660 = vector.broadcast %broadcast_in_dim3A_659 : i1 to vector<16xi1>
        %masked_cumsum3A_661 = tpu.scan <sum>, %select_n3A_658 masked %broadcast_in_dim3A_660 : vector<16xi32>, vector<16xi1> -> vector<16xi32>
        %sub3A_662 = arith.subi %masked_cumsum3A_661, %select_n3A_658 : vector<16xi32>
        %select_n3A_663 = arith.select %eq3A_653, %sub3A_662, %select_n3A_632 : vector<16xi1>, vector<16xi32>
        %eq3A_664 = arith.constant 15 : i32
        %eq3A_665 = vector.broadcast %eq3A_664 : i32 to vector<16xi32>
        %eq3A_666 = arith.cmpi eq, %iota3A, %eq3A_665 : vector<16xi32>
        %jit3A_667 = arith.constant 0 : i32
        %broadcast_in_dim3A_668 = vector.broadcast %jit3A_667 : i32 to vector<16xi32>
        %select_n3A_669 = arith.select %eq3A_666, %masked_cumsum3A_661, %broadcast_in_dim3A_668 : vector<16xi1>, vector<16xi32>
        %reduce_sum3A_670 = arith.constant true
        %reduce_sum3A_671 = vector.broadcast %reduce_sum3A_670 : i1 to vector<16xi1>
        %reduce_sum3A_672 = tpu.scan <sum>, %select_n3A_669 masked %reduce_sum3A_671 : vector<16xi32>, vector<16xi1> -> vector<16xi32>
        %reduce_sum3A_673 = vector.extract %reduce_sum3A_672[15] : i32 from vector<16xi32>
        %eq3A_674 = arith.constant 7 : i32
        %eq3A_675 = vector.broadcast %eq3A_674 : i32 to vector<16xi32>
        %eq3A_676 = arith.cmpi eq, %iota3A, %eq3A_675 : vector<16xi32>
        %jit3A_677 = arith.constant 0 : i32
        %broadcast_in_dim3A_678 = vector.broadcast %reduce_sum3A_673 : i32 to vector<16xi32>
        %broadcast_in_dim3A_679 = vector.broadcast %jit3A_677 : i32 to vector<16xi32>
        %select_n3A_680 = arith.select %eq3A_676, %broadcast_in_dim3A_678, %broadcast_in_dim3A_679 : vector<16xi1>, vector<16xi32>
        %add3A_681 = arith.addi %add3A_650, %select_n3A_680 : vector<16xi32>
        %add3A_682 = arith.addi %mul3A_18, %scan3A_428 : vector<16xi32>
        %lt3A = arith.constant 0 : i32
        %lt3A_683 = vector.broadcast %lt3A : i32 to vector<16xi32>
        %lt3A_684 = arith.cmpi slt, %get3A_431, %lt3A_683 : vector<16xi32>
        %add3A_685 = arith.constant 16 : i32
        %add3A_686 = vector.broadcast %add3A_685 : i32 to vector<16xi32>
        %add3A_687 = arith.addi %get3A_431, %add3A_686 : vector<16xi32>
        %select_n3A_688 = arith.select %lt3A_684, %add3A_687, %get3A_431 : vector<16xi1>, vector<16xi32>
        %broadcast_in_dim3A_689 = vector.shape_cast %select_n3A_688 : vector<16xi32> to vector<16x1xi32>
        %gather3A = vector.shape_cast %broadcast_in_dim3A_689 : vector<16x1xi32> to vector<16xi32>
        %gather3A_690 = tpu.dynamic_gather %add3A_682[%gather3A] in [0] : vector<16xi32>, vector<16xi32> -> vector<16xi32>
        %add3A_691 = arith.addi %gather3A_690, %select_n3A_663 : vector<16xi32>
        %mul3A_692 = arith.constant 16 : i32
        %mul3A_693 = arith.muli %scan3A_427, %mul3A_692 : i32
        %add3A_694 = vector.broadcast %mul3A_693 : i32 to vector<16xi32>
        %add3A_695 = arith.addi %iota3A, %add3A_694 : vector<16xi32>
        %shift_right_arithmetic3A_696 = arith.constant 1 : i32
        %shift_right_arithmetic3A_697 = vector.broadcast %shift_right_arithmetic3A_696 : i32 to vector<16xi32>
        %shift_right_arithmetic3A_698 = arith.shrsi %add3A_695, %shift_right_arithmetic3A_697 : vector<16xi32>
        tpu.vector_store_idx %arg10[%add3A_691], %shift_right_arithmetic3A_698 : memref<5120xi32, #tpu.memory_space<vmem>>[vector<16xi32>], vector<16xi32>,
        %mul3A_699 = arith.constant 16 : i32
        %mul3A_700 = arith.muli %scan3A_427, %mul3A_699 : i32
        %get3A_701 = arith.index_cast %mul3A_700 : i32 to index
        %get3A_702 = tpu.vector_load %arg9[%get3A_701] {strides = array<i32>} : memref<4096xf32, #tpu.memory_space<vmem>>, vector<16xf32>,
        tpu.vector_store_idx %arg11[%add3A_691], %get3A_702 : memref<5120xf32, #tpu.memory_space<vmem>>[vector<16xi32>], vector<16xf32>,
        %mul3A_703 = arith.constant 16 : i32
        %mul3A_704 = arith.muli %scan3A_427, %mul3A_703 : i32
        %swap3A_705 = arith.index_cast %mul3A_704 : i32 to index
        %swap3A_706 = tpu.vector_load %arg13[%swap3A_705] {strides = array<i32>} : memref<4096xi32, #tpu.memory_space<vmem>>, vector<16xi32>,
        tpu.vector_store %arg13[%swap3A_705], %add3A_691 {strides = array<i32>} : memref<4096xi32, #tpu.memory_space<vmem>>, vector<16xi32>,
        scf.yield %add3A_681 : vector<16xi32>
      }
      %scan3A_426 = arith.constant 256 : i32
      "tpu.region"() ({
        %run_scoped3A = tpu.sem_alloc : memref<!tpu.dma_semaphore, #tpu.memory_space<semaphore_mem>>
        tpu.enqueue_dma source(%arg10 : memref<5120xi32, #tpu.memory_space<vmem>>) target(%arg4 : memref<5120xi32, #tpu.memory_space<hbm>>) target_semaphore(%run_scoped3A : memref<!tpu.dma_semaphore, #tpu.memory_space<semaphore_mem>>)
        tpu.wait_dma2 semaphore(%run_scoped3A : memref<!tpu.dma_semaphore, #tpu.memory_space<semaphore_mem>>) src(%arg10 : memref<5120xi32, #tpu.memory_space<vmem>>) dst(%arg4 : memref<5120xi32, #tpu.memory_space<hbm>>)
        tpu.yield
      }) : () -> ()
      "tpu.region"() ({
        %run_scoped3A = tpu.sem_alloc : memref<!tpu.dma_semaphore, #tpu.memory_space<semaphore_mem>>
        tpu.enqueue_dma source(%arg11 : memref<5120xf32, #tpu.memory_space<vmem>>) target(%arg5 : memref<5120xf32, #tpu.memory_space<hbm>>) target_semaphore(%run_scoped3A : memref<!tpu.dma_semaphore, #tpu.memory_space<semaphore_mem>>)
        tpu.wait_dma2 semaphore(%run_scoped3A : memref<!tpu.dma_semaphore, #tpu.memory_space<semaphore_mem>>) src(%arg11 : memref<5120xf32, #tpu.memory_space<vmem>>) dst(%arg5 : memref<5120xf32, #tpu.memory_space<hbm>>)
        tpu.yield
      }) : () -> ()
      "tpu.region"() ({
        %run_scoped3A = tpu.sem_alloc : memref<!tpu.dma_semaphore, #tpu.memory_space<semaphore_mem>>
        tpu.enqueue_dma source(%arg12 : memref<48xi32, #tpu.memory_space<vmem>>) target(%arg6 : memref<48xi32, #tpu.memory_space<hbm>>) target_semaphore(%run_scoped3A : memref<!tpu.dma_semaphore, #tpu.memory_space<semaphore_mem>>)
        tpu.wait_dma2 semaphore(%run_scoped3A : memref<!tpu.dma_semaphore, #tpu.memory_space<semaphore_mem>>) src(%arg12 : memref<48xi32, #tpu.memory_space<vmem>>) dst(%arg6 : memref<48xi32, #tpu.memory_space<hbm>>)
        tpu.yield
      }) : () -> ()
      "tpu.region"() ({
        %run_scoped3A = tpu.sem_alloc : memref<!tpu.dma_semaphore, #tpu.memory_space<semaphore_mem>>
        tpu.enqueue_dma source(%arg13 : memref<4096xi32, #tpu.memory_space<vmem>>) target(%arg7 : memref<4096xi32, #tpu.memory_space<hbm>>) target_semaphore(%run_scoped3A : memref<!tpu.dma_semaphore, #tpu.memory_space<semaphore_mem>>)
        tpu.wait_dma2 semaphore(%run_scoped3A : memref<!tpu.dma_semaphore, #tpu.memory_space<semaphore_mem>>) src(%arg13 : memref<4096xi32, #tpu.memory_space<vmem>>) dst(%arg7 : memref<4096xi32, #tpu.memory_space<hbm>>)
        tpu.yield
      }) : () -> ()
    } else {
    }
    return
  }
}

module attributes {stable_mosaic.version = 14 : i64} {
  func.func @_router_body(%arg0: memref<2048x8xf32, #tpu.memory_space<vmem>>, %arg1: memref<2048x2xi32, #tpu.memory_space<vmem>>, %arg2: memref<2048x2xf32, #tpu.memory_space<vmem>>) attributes {dimension_semantics = [], scalar_prefetch = 0 : i64, scratch_operands = 0 : i64, tpu.core_type = #tpu.core_type<tc>} {
    %get3A = arith.constant 0 : index
    %get3A_0 = arith.constant 0 : index
    %get3A_1 = vector.load %arg0[%get3A, %get3A_0] : memref<2048x8xf32, #tpu.memory_space<vmem>>, vector<2048x8xf32>
    %iota3A = tpu.iota {dimensions = array<i32: 1>} : vector<2048x8xi32>
    %reduce_max3A = arith.constant dense<0xFF800000> : vector<2048xf32>
    %reduce_max3A_2 = vector.multi_reduction <maximumf>, %get3A_1, %reduce_max3A [1] : vector<2048x8xf32> to vector<2048xf32>
    %broadcast_in_dim3A = vector.shape_cast %reduce_max3A_2 : vector<2048xf32> to vector<2048x1xf32>
    %eq3A = vector.broadcast %broadcast_in_dim3A : vector<2048x1xf32> to vector<2048x8xf32>
    %eq3A_3 = arith.cmpf oeq, %get3A_1, %eq3A : vector<2048x8xf32>
    %jit3A = arith.constant 8 : i32
    %broadcast_in_dim3A_4 = vector.broadcast %jit3A : i32 to vector<2048x8xi32>
    %select_n3A = arith.select %eq3A_3, %iota3A, %broadcast_in_dim3A_4 : vector<2048x8xi1>, vector<2048x8xi32>
    %reduce_min3A = arith.constant dense<2147483647> : vector<2048xi32>
    %reduce_min3A_5 = vector.multi_reduction <minsi>, %select_n3A, %reduce_min3A [1] : vector<2048x8xi32> to vector<2048xi32>
    %broadcast_in_dim3A_6 = vector.shape_cast %reduce_min3A_5 : vector<2048xi32> to vector<2048x1xi32>
    %eq3A_7 = vector.broadcast %broadcast_in_dim3A_6 : vector<2048x1xi32> to vector<2048x8xi32>
    %eq3A_8 = arith.cmpi eq, %iota3A, %eq3A_7 : vector<2048x8xi32>
    %jit3A_9 = arith.constant 0xFF800000 : f32
    %broadcast_in_dim3A_10 = vector.broadcast %jit3A_9 : f32 to vector<2048x8xf32>
    %select_n3A_11 = arith.select %eq3A_8, %broadcast_in_dim3A_10, %get3A_1 : vector<2048x8xi1>, vector<2048x8xf32>
    %reduce_max3A_12 = arith.constant dense<0xFF800000> : vector<2048xf32>
    %reduce_max3A_13 = vector.multi_reduction <maximumf>, %select_n3A_11, %reduce_max3A_12 [1] : vector<2048x8xf32> to vector<2048xf32>
    %broadcast_in_dim3A_14 = vector.shape_cast %reduce_max3A_13 : vector<2048xf32> to vector<2048x1xf32>
    %eq3A_15 = vector.broadcast %broadcast_in_dim3A_14 : vector<2048x1xf32> to vector<2048x8xf32>
    %eq3A_16 = arith.cmpf oeq, %select_n3A_11, %eq3A_15 : vector<2048x8xf32>
    %jit3A_17 = arith.constant 8 : i32
    %broadcast_in_dim3A_18 = vector.broadcast %jit3A_17 : i32 to vector<2048x8xi32>
    %select_n3A_19 = arith.select %eq3A_16, %iota3A, %broadcast_in_dim3A_18 : vector<2048x8xi1>, vector<2048x8xi32>
    %reduce_min3A_20 = arith.constant dense<2147483647> : vector<2048xi32>
    %reduce_min3A_21 = vector.multi_reduction <minsi>, %select_n3A_19, %reduce_min3A_20 [1] : vector<2048x8xi32> to vector<2048xi32>
    %broadcast_in_dim3A_22 = vector.shape_cast %reduce_min3A_21 : vector<2048xi32> to vector<2048x1xi32>
    %sub3A = arith.subf %broadcast_in_dim3A_14, %broadcast_in_dim3A : vector<2048x1xf32>
    %exp3A = math.exp %sub3A : vector<2048x1xf32>
    %add3A = arith.constant 1.000000e+00 : f32
    %add3A_23 = vector.broadcast %add3A : f32 to vector<2048x1xf32>
    %add3A_24 = arith.addf %add3A_23, %exp3A : vector<2048x1xf32>
    %div3A = arith.constant 1.000000e+00 : f32
    %div3A_25 = vector.broadcast %div3A : f32 to vector<2048x1xf32>
    %div3A_26 = arith.divf %div3A_25, %add3A_24 : vector<2048x1xf32>
    %swap3A = arith.constant 0 : index
    %swap3A_27 = arith.constant 0 : index
    %swap3A_28 = vector.load %arg1[%swap3A, %swap3A_27] : memref<2048x2xi32, #tpu.memory_space<vmem>>, vector<2048x1xi32>
    tpu.vector_store %arg1[%swap3A, %swap3A_27], %broadcast_in_dim3A_6 {strides = array<i32>} : memref<2048x2xi32, #tpu.memory_space<vmem>>, vector<2048x1xi32>,
    %swap3A_29 = arith.constant 0 : index
    %swap3A_30 = arith.constant 1 : index
    %swap3A_31 = vector.load %arg1[%swap3A_29, %swap3A_30] : memref<2048x2xi32, #tpu.memory_space<vmem>>, vector<2048x1xi32>
    tpu.vector_store %arg1[%swap3A_29, %swap3A_30], %broadcast_in_dim3A_22 {strides = array<i32>} : memref<2048x2xi32, #tpu.memory_space<vmem>>, vector<2048x1xi32>,
    %swap3A_32 = arith.constant 0 : index
    %swap3A_33 = arith.constant 0 : index
    %swap3A_34 = vector.load %arg2[%swap3A_32, %swap3A_33] : memref<2048x2xf32, #tpu.memory_space<vmem>>, vector<2048x1xf32>
    tpu.vector_store %arg2[%swap3A_32, %swap3A_33], %div3A_26 {strides = array<i32>} : memref<2048x2xf32, #tpu.memory_space<vmem>>, vector<2048x1xf32>,
    %sub3A_35 = arith.constant 1.000000e+00 : f32
    %sub3A_36 = vector.broadcast %sub3A_35 : f32 to vector<2048x1xf32>
    %sub3A_37 = arith.subf %sub3A_36, %div3A_26 : vector<2048x1xf32>
    %swap3A_38 = arith.constant 0 : index
    %swap3A_39 = arith.constant 1 : index
    %swap3A_40 = vector.load %arg2[%swap3A_38, %swap3A_39] : memref<2048x2xf32, #tpu.memory_space<vmem>>, vector<2048x1xf32>
    tpu.vector_store %arg2[%swap3A_38, %swap3A_39], %sub3A_37 {strides = array<i32>} : memref<2048x2xf32, #tpu.memory_space<vmem>>, vector<2048x1xf32>,
    return
  }
}

module attributes {stable_mosaic.version = 14 : i64} {
  func.func @_shared_body(%arg0: i32, %arg1: memref<256x1024xf32, #tpu.memory_space<vmem>>, %arg2: memref<1024x2048xf32, #tpu.memory_space<vmem>>, %arg3: memref<1024x2048xf32, #tpu.memory_space<vmem>>, %arg4: memref<1x2048xf32, #tpu.memory_space<vmem>>, %arg5: memref<1x2048xf32, #tpu.memory_space<vmem>>, %arg6: memref<2048x1024xf32, #tpu.memory_space<vmem>>, %arg7: memref<1x1024xf32, #tpu.memory_space<vmem>>, %arg8: memref<256x1024xf32, #tpu.memory_space<vmem>>) attributes {dimension_semantics = [#tpu.dimension_semantics<arbitrary>], iteration_bounds = array<i64: 8>, scalar_prefetch = 0 : i64, scratch_operands = 0 : i64, tpu.core_type = #tpu.core_type<tc>, window_params = [{transform_indices = @transform_0, window_bounds = array<i64: 256, 1024>}, {transform_indices = @transform_1, window_bounds = array<i64: 1024, 2048>}, {transform_indices = @transform_2, window_bounds = array<i64: 1024, 2048>}, {transform_indices = @transform_3, window_bounds = array<i64: 1, 2048>}, {transform_indices = @transform_4, window_bounds = array<i64: 1, 2048>}, {pipeline_mode = #tpu.pipeline_mode<synchronous>, transform_indices = @transform_5, window_bounds = array<i64: 2048, 1024>}, {pipeline_mode = #tpu.pipeline_mode<synchronous>, transform_indices = @transform_6, window_bounds = array<i64: 1, 1024>}, {transform_indices = @transform_7, window_bounds = array<i64: 256, 1024>}]} {
    %get3A = arith.constant 0 : index
    %get3A_0 = arith.constant 0 : index
    %get3A_1 = vector.load %arg1[%get3A, %get3A_0] : memref<256x1024xf32, #tpu.memory_space<vmem>>, vector<256x1024xf32>
    %get3A_2 = arith.constant 0 : index
    %get3A_3 = arith.constant 0 : index
    %get3A_4 = vector.load %arg2[%get3A_2, %get3A_3] : memref<1024x2048xf32, #tpu.memory_space<vmem>>, vector<1024x2048xf32>
    %dot_general3A = arith.constant dense<0.000000e+00> : vector<256x2048xf32>
    %dot_general3A_5 = tpu.matmul %get3A_1, %get3A_4, %dot_general3A {dimension_numbers = #tpu.dot_dimension_numbers<[1], [0], [0], [1], [0, 0, 1, 1], [], []>, transpose_lhs_hint = false} : vector<256x1024xf32>, vector<1024x2048xf32>, vector<256x2048xf32> -> vector<256x2048xf32>
    %get3A_6 = arith.constant 0 : index
    %get3A_7 = arith.constant 0 : index
    %get3A_8 = vector.load %arg4[%get3A_6, %get3A_7] : memref<1x2048xf32, #tpu.memory_space<vmem>>, vector<1x2048xf32>
    %add3A = vector.broadcast %get3A_8 : vector<1x2048xf32> to vector<256x2048xf32>
    %add3A_9 = arith.addf %dot_general3A_5, %add3A : vector<256x2048xf32>
    %get3A_10 = arith.constant 0 : index
    %get3A_11 = arith.constant 0 : index
    %get3A_12 = vector.load %arg3[%get3A_10, %get3A_11] : memref<1024x2048xf32, #tpu.memory_space<vmem>>, vector<1024x2048xf32>
    %dot_general3A_13 = arith.constant dense<0.000000e+00> : vector<256x2048xf32>
    %dot_general3A_14 = tpu.matmul %get3A_1, %get3A_12, %dot_general3A_13 {dimension_numbers = #tpu.dot_dimension_numbers<[1], [0], [0], [1], [0, 0, 1, 1], [], []>, transpose_lhs_hint = false} : vector<256x1024xf32>, vector<1024x2048xf32>, vector<256x2048xf32> -> vector<256x2048xf32>
    %get3A_15 = arith.constant 0 : index
    %get3A_16 = arith.constant 0 : index
    %get3A_17 = vector.load %arg5[%get3A_15, %get3A_16] : memref<1x2048xf32, #tpu.memory_space<vmem>>, vector<1x2048xf32>
    %add3A_18 = vector.broadcast %get3A_17 : vector<1x2048xf32> to vector<256x2048xf32>
    %add3A_19 = arith.addf %dot_general3A_14, %add3A_18 : vector<256x2048xf32>
    %mul3A = arith.constant 5.000000e-01 : f32
    %mul3A_20 = vector.broadcast %mul3A : f32 to vector<256x2048xf32>
    %mul3A_21 = arith.mulf %mul3A_20, %add3A_19 : vector<256x2048xf32>
    %mul3A_22 = arith.constant 0.707106769 : f32
    %mul3A_23 = vector.broadcast %mul3A_22 : f32 to vector<256x2048xf32>
    %mul3A_24 = arith.mulf %add3A_19, %mul3A_23 : vector<256x2048xf32>
    %erf3A = math.erf %mul3A_24 : vector<256x2048xf32>
    %add3A_25 = arith.constant 1.000000e+00 : f32
    %add3A_26 = vector.broadcast %add3A_25 : f32 to vector<256x2048xf32>
    %add3A_27 = arith.addf %add3A_26, %erf3A : vector<256x2048xf32>
    %mul3A_28 = arith.mulf %mul3A_21, %add3A_27 : vector<256x2048xf32>
    %mul3A_29 = arith.mulf %add3A_9, %mul3A_28 : vector<256x2048xf32>
    %get3A_30 = arith.constant 0 : index
    %get3A_31 = arith.constant 0 : index
    %get3A_32 = vector.load %arg6[%get3A_30, %get3A_31] : memref<2048x1024xf32, #tpu.memory_space<vmem>>, vector<2048x1024xf32>
    %dot_general3A_33 = arith.constant dense<0.000000e+00> : vector<256x1024xf32>
    %dot_general3A_34 = tpu.matmul %mul3A_29, %get3A_32, %dot_general3A_33 {dimension_numbers = #tpu.dot_dimension_numbers<[1], [0], [0], [1], [0, 0, 1, 1], [], []>, transpose_lhs_hint = false} : vector<256x2048xf32>, vector<2048x1024xf32>, vector<256x1024xf32> -> vector<256x1024xf32>
    %get3A_35 = arith.constant 0 : index
    %get3A_36 = arith.constant 0 : index
    %get3A_37 = vector.load %arg7[%get3A_35, %get3A_36] : memref<1x1024xf32, #tpu.memory_space<vmem>>, vector<1x1024xf32>
    %add3A_38 = vector.broadcast %get3A_37 : vector<1x1024xf32> to vector<256x1024xf32>
    %add3A_39 = arith.addf %dot_general3A_34, %add3A_38 : vector<256x1024xf32>
    %swap3A = arith.constant 0 : index
    %swap3A_40 = arith.constant 0 : index
    %swap3A_41 = vector.load %arg8[%swap3A, %swap3A_40] : memref<256x1024xf32, #tpu.memory_space<vmem>>, vector<256x1024xf32>
    tpu.vector_store %arg8[%swap3A, %swap3A_40], %add3A_39 {strides = array<i32>} : memref<256x1024xf32, #tpu.memory_space<vmem>>, vector<256x1024xf32>,
    return
  }
  func.func @transform_0(%arg0: i32) -> (i32, i32) {
    %c0_i32 = arith.constant 0 : i32
    %c0_i32_0 = arith.constant 0 : i32
    return %arg0, %c0_i32 : i32, i32
  }
  func.func @transform_1(%arg0: i32) -> (i32, i32) {
    %c0_i32 = arith.constant 0 : i32
    %c0_i32_0 = arith.constant 0 : i32
    %c0_i32_1 = arith.constant 0 : i32
    return %c0_i32, %c0_i32_0 : i32, i32
  }
  func.func @transform_2(%arg0: i32) -> (i32, i32) {
    %c0_i32 = arith.constant 0 : i32
    %c1_i32 = arith.constant 1 : i32
    %c0_i32_0 = arith.constant 0 : i32
    return %c0_i32, %c1_i32 : i32, i32
  }
  func.func @transform_3(%arg0: i32) -> (i32, i32) {
    %c0_i32 = arith.constant 0 : i32
    %c0_i32_0 = arith.constant 0 : i32
    %c0_i32_1 = arith.constant 0 : i32
    return %c0_i32, %c0_i32_0 : i32, i32
  }
  func.func @transform_4(%arg0: i32) -> (i32, i32) {
    %c0_i32 = arith.constant 0 : i32
    %c1_i32 = arith.constant 1 : i32
    %c0_i32_0 = arith.constant 0 : i32
    return %c0_i32, %c1_i32 : i32, i32
  }
  func.func @transform_5(%arg0: i32) -> (i32, i32) {
    %c0_i32 = arith.constant 0 : i32
    %c0_i32_0 = arith.constant 0 : i32
    %c0_i32_1 = arith.constant 0 : i32
    return %c0_i32, %c0_i32_0 : i32, i32
  }
  func.func @transform_6(%arg0: i32) -> (i32, i32) {
    %c0_i32 = arith.constant 0 : i32
    %c0_i32_0 = arith.constant 0 : i32
    %c0_i32_1 = arith.constant 0 : i32
    return %c0_i32, %c0_i32_0 : i32, i32
  }
  func.func @transform_7(%arg0: i32) -> (i32, i32) {
    %c0_i32 = arith.constant 0 : i32
    %c0_i32_0 = arith.constant 0 : i32
    return %arg0, %c0_i32 : i32, i32
  }
}

module attributes {stable_mosaic.version = 14 : i64} {
  func.func @_gmm_body(%arg0: i32, %arg1: i32, %arg2: memref<40xi32, #tpu.memory_space<smem>>, %arg3: memref<128x1024xf32, #tpu.memory_space<vmem>>, %arg4: memref<1x1024x1024xf32, #tpu.memory_space<vmem>>, %arg5: memref<1x1024x1024xf32, #tpu.memory_space<vmem>>, %arg6: memref<1x1x1024xf32, #tpu.memory_space<vmem>>, %arg7: memref<1x1x1024xf32, #tpu.memory_space<vmem>>, %arg8: memref<1x1024x1024xf32, #tpu.memory_space<vmem>>, %arg9: memref<1x1x1024xf32, #tpu.memory_space<vmem>>, %arg10: memref<1x1x128xf32, #tpu.memory_space<vmem>>, %arg11: memref<5120x1024xf32, #tpu.memory_space<vmem>>) attributes {dimension_semantics = [#tpu.dimension_semantics<arbitrary>, #tpu.dimension_semantics<arbitrary>], iteration_bounds = array<i64: 3, 40>, scalar_prefetch = 1 : i64, scratch_operands = 0 : i64, tpu.core_type = #tpu.core_type<tc>, window_params = [{transform_indices = @transform_0, window_bounds = array<i64: 128, 1024>}, {transform_indices = @transform_1, window_bounds = array<i64: 1, 1024, 1024>}, {transform_indices = @transform_2, window_bounds = array<i64: 1, 1024, 1024>}, {transform_indices = @transform_3, window_bounds = array<i64: 1, 1, 1024>}, {transform_indices = @transform_4, window_bounds = array<i64: 1, 1, 1024>}, {transform_indices = @transform_5, window_bounds = array<i64: 1, 1024, 1024>}, {transform_indices = @transform_6, window_bounds = array<i64: 1, 1, 1024>}, {transform_indices = @transform_7, window_bounds = array<i64: 1, 1, 128>}, {pipeline_mode = #tpu.pipeline_mode<synchronous>, transform_indices = @transform_8, window_bounds = array<i64: 5120, 1024>}]} {
    %get3A = arith.constant 0 : index
    %get3A_0 = arith.constant 0 : index
    %get3A_1 = vector.load %arg3[%get3A, %get3A_0] : memref<128x1024xf32, #tpu.memory_space<vmem>>, vector<128x1024xf32>
    %get3A_2 = arith.constant 0 : index
    %get3A_3 = arith.constant 0 : index
    %get3A_4 = arith.constant 0 : index
    %get3A_5 = vector.load %arg4[%get3A_2, %get3A_3, %get3A_4] : memref<1x1024x1024xf32, #tpu.memory_space<vmem>>, vector<1x1024x1024xf32>
    %get3A_6 = vector.shape_cast %get3A_5 : vector<1x1024x1024xf32> to vector<1024x1024xf32>
    %dot_general3A = arith.constant dense<0.000000e+00> : vector<128x1024xf32>
    %dot_general3A_7 = tpu.matmul %get3A_1, %get3A_6, %dot_general3A {dimension_numbers = #tpu.dot_dimension_numbers<[1], [0], [0], [1], [0, 0, 1, 1], [], []>, transpose_lhs_hint = false} : vector<128x1024xf32>, vector<1024x1024xf32>, vector<128x1024xf32> -> vector<128x1024xf32>
    %get3A_8 = arith.constant 0 : index
    %get3A_9 = arith.constant 0 : index
    %get3A_10 = arith.constant 0 : index
    %get3A_11 = vector.load %arg6[%get3A_8, %get3A_9, %get3A_10] : memref<1x1x1024xf32, #tpu.memory_space<vmem>>, vector<1x1x1024xf32>
    %get3A_12 = vector.shape_cast %get3A_11 : vector<1x1x1024xf32> to vector<1x1024xf32>
    %add3A = vector.broadcast %get3A_12 : vector<1x1024xf32> to vector<128x1024xf32>
    %add3A_13 = arith.addf %dot_general3A_7, %add3A : vector<128x1024xf32>
    %get3A_14 = arith.constant 0 : index
    %get3A_15 = arith.constant 0 : index
    %get3A_16 = arith.constant 0 : index
    %get3A_17 = vector.load %arg5[%get3A_14, %get3A_15, %get3A_16] : memref<1x1024x1024xf32, #tpu.memory_space<vmem>>, vector<1x1024x1024xf32>
    %get3A_18 = vector.shape_cast %get3A_17 : vector<1x1024x1024xf32> to vector<1024x1024xf32>
    %dot_general3A_19 = arith.constant dense<0.000000e+00> : vector<128x1024xf32>
    %dot_general3A_20 = tpu.matmul %get3A_1, %get3A_18, %dot_general3A_19 {dimension_numbers = #tpu.dot_dimension_numbers<[1], [0], [0], [1], [0, 0, 1, 1], [], []>, transpose_lhs_hint = false} : vector<128x1024xf32>, vector<1024x1024xf32>, vector<128x1024xf32> -> vector<128x1024xf32>
    %get3A_21 = arith.constant 0 : index
    %get3A_22 = arith.constant 0 : index
    %get3A_23 = arith.constant 0 : index
    %get3A_24 = vector.load %arg7[%get3A_21, %get3A_22, %get3A_23] : memref<1x1x1024xf32, #tpu.memory_space<vmem>>, vector<1x1x1024xf32>
    %get3A_25 = vector.shape_cast %get3A_24 : vector<1x1x1024xf32> to vector<1x1024xf32>
    %add3A_26 = vector.broadcast %get3A_25 : vector<1x1024xf32> to vector<128x1024xf32>
    %add3A_27 = arith.addf %dot_general3A_20, %add3A_26 : vector<128x1024xf32>
    %mul3A = arith.constant 5.000000e-01 : f32
    %mul3A_28 = vector.broadcast %mul3A : f32 to vector<128x1024xf32>
    %mul3A_29 = arith.mulf %mul3A_28, %add3A_27 : vector<128x1024xf32>
    %mul3A_30 = arith.constant 0.707106769 : f32
    %mul3A_31 = vector.broadcast %mul3A_30 : f32 to vector<128x1024xf32>
    %mul3A_32 = arith.mulf %add3A_27, %mul3A_31 : vector<128x1024xf32>
    %erf3A = math.erf %mul3A_32 : vector<128x1024xf32>
    %add3A_33 = arith.constant 1.000000e+00 : f32
    %add3A_34 = vector.broadcast %add3A_33 : f32 to vector<128x1024xf32>
    %add3A_35 = arith.addf %add3A_34, %erf3A : vector<128x1024xf32>
    %mul3A_36 = arith.mulf %mul3A_29, %add3A_35 : vector<128x1024xf32>
    %mul3A_37 = arith.mulf %add3A_13, %mul3A_36 : vector<128x1024xf32>
    %get3A_38 = arith.constant 0 : index
    %get3A_39 = arith.constant 0 : index
    %get3A_40 = arith.constant 0 : index
    %get3A_41 = vector.load %arg8[%get3A_38, %get3A_39, %get3A_40] : memref<1x1024x1024xf32, #tpu.memory_space<vmem>>, vector<1x1024x1024xf32>
    %get3A_42 = vector.shape_cast %get3A_41 : vector<1x1024x1024xf32> to vector<1024x1024xf32>
    %dot_general3A_43 = arith.constant dense<0.000000e+00> : vector<128x1024xf32>
    %dot_general3A_44 = tpu.matmul %mul3A_37, %get3A_42, %dot_general3A_43 {dimension_numbers = #tpu.dot_dimension_numbers<[1], [0], [0], [1], [0, 0, 1, 1], [], []>, transpose_lhs_hint = false} : vector<128x1024xf32>, vector<1024x1024xf32>, vector<128x1024xf32> -> vector<128x1024xf32>
    %mul3A_45 = arith.constant 128 : i32
    %mul3A_46 = arith.muli %arg1, %mul3A_45 : i32
    %eq3A = arith.constant 0 : i32
    %eq3A_47 = arith.cmpi eq, %arg0, %eq3A : i32
    %convert_element_type3A = arith.extui %eq3A_47 : i1 to i32
    %cond3A = arith.constant 0 : i32
    %cond3A_48 = arith.cmpi ne, %convert_element_type3A, %cond3A : i32
    scf.if %cond3A_48 {
      %swap3A = arith.index_cast %mul3A_46 : i32 to index
      %swap3A_59 = arith.constant 0 : index
      %swap3A_60 = vector.load %arg11[%swap3A, %swap3A_59] : memref<5120x1024xf32, #tpu.memory_space<vmem>>, vector<128x1024xf32>
      tpu.vector_store %arg11[%swap3A, %swap3A_59], %dot_general3A_44 {strides = array<i32>} : memref<5120x1024xf32, #tpu.memory_space<vmem>>, vector<128x1024xf32>,
    } else {
    }
    %eq3A_49 = arith.constant 1 : i32
    %eq3A_50 = arith.cmpi eq, %arg0, %eq3A_49 : i32
    %convert_element_type3A_51 = arith.extui %eq3A_50 : i1 to i32
    %cond3A_52 = arith.constant 0 : i32
    %cond3A_53 = arith.cmpi ne, %convert_element_type3A_51, %cond3A_52 : i32
    scf.if %cond3A_53 {
      %get3A_59 = arith.index_cast %mul3A_46 : i32 to index
      %get3A_60 = arith.constant 0 : index
      %get3A_61 = vector.load %arg11[%get3A_59, %get3A_60] : memref<5120x1024xf32, #tpu.memory_space<vmem>>, vector<128x1024xf32>
      %add3A_62 = arith.addf %get3A_61, %dot_general3A_44 : vector<128x1024xf32>
      %swap3A = arith.index_cast %mul3A_46 : i32 to index
      %swap3A_63 = arith.constant 0 : index
      %swap3A_64 = vector.load %arg11[%swap3A, %swap3A_63] : memref<5120x1024xf32, #tpu.memory_space<vmem>>, vector<128x1024xf32>
      tpu.vector_store %arg11[%swap3A, %swap3A_63], %add3A_62 {strides = array<i32>} : memref<5120x1024xf32, #tpu.memory_space<vmem>>, vector<128x1024xf32>,
    } else {
    }
    %eq3A_54 = arith.constant 2 : i32
    %eq3A_55 = arith.cmpi eq, %arg0, %eq3A_54 : i32
    %convert_element_type3A_56 = arith.extui %eq3A_55 : i1 to i32
    %cond3A_57 = arith.constant 0 : i32
    %cond3A_58 = arith.cmpi ne, %convert_element_type3A_56, %cond3A_57 : i32
    scf.if %cond3A_58 {
      %get3A_59 = arith.index_cast %mul3A_46 : i32 to index
      %get3A_60 = arith.constant 0 : index
      %get3A_61 = vector.load %arg11[%get3A_59, %get3A_60] : memref<5120x1024xf32, #tpu.memory_space<vmem>>, vector<128x1024xf32>
      %add3A_62 = arith.addf %get3A_61, %dot_general3A_44 : vector<128x1024xf32>
      %get3A_63 = arith.constant 0 : index
      %get3A_64 = arith.constant 0 : index
      %get3A_65 = arith.constant 0 : index
      %get3A_66 = vector.load %arg9[%get3A_63, %get3A_64, %get3A_65] : memref<1x1x1024xf32, #tpu.memory_space<vmem>>, vector<1x1x1024xf32>
      %get3A_67 = vector.shape_cast %get3A_66 : vector<1x1x1024xf32> to vector<1x1024xf32>
      %add3A_68 = vector.broadcast %get3A_67 : vector<1x1024xf32> to vector<128x1024xf32>
      %add3A_69 = arith.addf %add3A_62, %add3A_68 : vector<128x1024xf32>
      %get3A_70 = arith.constant 0 : index
      %get3A_71 = arith.constant 0 : index
      %get3A_72 = arith.constant 0 : index
      %get3A_73 = vector.load %arg10[%get3A_70, %get3A_71, %get3A_72] : memref<1x1x128xf32, #tpu.memory_space<vmem>>, vector<1x1x128xf32>
      %get3A_74 = vector.shape_cast %get3A_73 : vector<1x1x128xf32> to vector<128xf32>
      %broadcast_in_dim3A = vector.shape_cast %get3A_74 : vector<128xf32> to vector<128x1xf32>
      %mul3A_75 = vector.broadcast %broadcast_in_dim3A : vector<128x1xf32> to vector<128x1024xf32>
      %mul3A_76 = arith.mulf %add3A_69, %mul3A_75 : vector<128x1024xf32>
      %swap3A = arith.index_cast %mul3A_46 : i32 to index
      %swap3A_77 = arith.constant 0 : index
      %swap3A_78 = vector.load %arg11[%swap3A, %swap3A_77] : memref<5120x1024xf32, #tpu.memory_space<vmem>>, vector<128x1024xf32>
      tpu.vector_store %arg11[%swap3A, %swap3A_77], %mul3A_76 {strides = array<i32>} : memref<5120x1024xf32, #tpu.memory_space<vmem>>, vector<128x1024xf32>,
    } else {
    }
    return
  }
  func.func @transform_0(%arg0: i32, %arg1: i32, %arg2: memref<40xi32, #tpu.memory_space<smem>>) -> (i32, i32) {
    %c0_i32 = arith.constant 0 : i32
    %c0_i32_0 = arith.constant 0 : i32
    return %arg1, %c0_i32 : i32, i32
  }
  func.func @transform_1(%arg0: i32, %arg1: i32, %arg2: memref<40xi32, #tpu.memory_space<smem>>) -> (i32, i32, i32) {
    %get3A = arith.index_cast %arg1 : i32 to index
    %get3A_0 = memref.load %arg2[%get3A] : memref<40xi32, #tpu.memory_space<smem>>
    %c0_i32 = arith.constant 0 : i32
    %c0_i32_1 = arith.constant 0 : i32
    return %get3A_0, %c0_i32, %arg0 : i32, i32, i32
  }
  func.func @transform_2(%arg0: i32, %arg1: i32, %arg2: memref<40xi32, #tpu.memory_space<smem>>) -> (i32, i32, i32) {
    %get3A = arith.index_cast %arg1 : i32 to index
    %get3A_0 = memref.load %arg2[%get3A] : memref<40xi32, #tpu.memory_space<smem>>
    %add3A = arith.constant 3 : i32
    %add3A_1 = arith.addi %arg0, %add3A : i32
    %c0_i32 = arith.constant 0 : i32
    %c0_i32_2 = arith.constant 0 : i32
    return %get3A_0, %c0_i32, %add3A_1 : i32, i32, i32
  }
  func.func @transform_3(%arg0: i32, %arg1: i32, %arg2: memref<40xi32, #tpu.memory_space<smem>>) -> (i32, i32, i32) {
    %get3A = arith.index_cast %arg1 : i32 to index
    %get3A_0 = memref.load %arg2[%get3A] : memref<40xi32, #tpu.memory_space<smem>>
    %c0_i32 = arith.constant 0 : i32
    %c0_i32_1 = arith.constant 0 : i32
    return %get3A_0, %c0_i32, %arg0 : i32, i32, i32
  }
  func.func @transform_4(%arg0: i32, %arg1: i32, %arg2: memref<40xi32, #tpu.memory_space<smem>>) -> (i32, i32, i32) {
    %get3A = arith.index_cast %arg1 : i32 to index
    %get3A_0 = memref.load %arg2[%get3A] : memref<40xi32, #tpu.memory_space<smem>>
    %add3A = arith.constant 3 : i32
    %add3A_1 = arith.addi %arg0, %add3A : i32
    %c0_i32 = arith.constant 0 : i32
    %c0_i32_2 = arith.constant 0 : i32
    return %get3A_0, %c0_i32, %add3A_1 : i32, i32, i32
  }
  func.func @transform_5(%arg0: i32, %arg1: i32, %arg2: memref<40xi32, #tpu.memory_space<smem>>) -> (i32, i32, i32) {
    %get3A = arith.index_cast %arg1 : i32 to index
    %get3A_0 = memref.load %arg2[%get3A] : memref<40xi32, #tpu.memory_space<smem>>
    %c0_i32 = arith.constant 0 : i32
    %c0_i32_1 = arith.constant 0 : i32
    return %get3A_0, %arg0, %c0_i32 : i32, i32, i32
  }
  func.func @transform_6(%arg0: i32, %arg1: i32, %arg2: memref<40xi32, #tpu.memory_space<smem>>) -> (i32, i32, i32) {
    %get3A = arith.index_cast %arg1 : i32 to index
    %get3A_0 = memref.load %arg2[%get3A] : memref<40xi32, #tpu.memory_space<smem>>
    %c0_i32 = arith.constant 0 : i32
    %c0_i32_1 = arith.constant 0 : i32
    %c0_i32_2 = arith.constant 0 : i32
    return %get3A_0, %c0_i32, %c0_i32_1 : i32, i32, i32
  }
  func.func @transform_7(%arg0: i32, %arg1: i32, %arg2: memref<40xi32, #tpu.memory_space<smem>>) -> (i32, i32, i32) {
    %c0_i32 = arith.constant 0 : i32
    %c0_i32_0 = arith.constant 0 : i32
    %c0_i32_1 = arith.constant 0 : i32
    return %arg1, %c0_i32, %c0_i32_0 : i32, i32, i32
  }
  func.func @transform_8(%arg0: i32, %arg1: i32, %arg2: memref<40xi32, #tpu.memory_space<smem>>) -> (i32, i32) {
    %c0_i32 = arith.constant 0 : i32
    %c0_i32_0 = arith.constant 0 : i32
    %c0_i32_1 = arith.constant 0 : i32
    return %c0_i32, %c0_i32_0 : i32, i32
  }
}

</mosaic_0001>

<sc_bundles>
// kernel: kernel.11.cloned.1.call-start
scs
__scs_entry_jumppad:
0x0: {  	(pc) =	sbr.rel $0x88, $3  }
0x1: {  	(tag) =	ssettag $0x0;
	lr =	simm.s32 $0x1  }
0x2: {  	[smem:$0x3F96] =	sst lr;
	_ =	strace $0xD0000000  }
0x3: {  	_ = 	snop  }
0x4: {  	_ = 	snop  }
0x5: {  	_ = 	snop  }
0x6: {  	_ = 	snop  }
0x7: {  	_ = 	snop  }
__scs_overlays_trampoline_lowered:
0x8: {  	[smem:$0x3FA5] =	sst s0  }
0x9: {  	[smem:$0x3FA6] =	sst s1  }
0xa: {  	[smem:$0x3FA7] =	sst s2  }
0xb: {  	[smem:$0x3FA8] =	sst s3  }
0xc: {  	[smem:$0x3FA9] =	sst s4  }
0xd: {  	[smem:$0x3FAA] =	sst s5  }
0xe: {  	[smem:$0x3FAB] =	sst s6  }
0xf: {  	[smem:$0x3FAC] =	sst s7  }
0x10: {  	[smem:$0x3FAD] =	sst s8  }
0x11: {  	[smem:$0x3FAE] =	sst s9;
	s0 =	simm.s32 @!p0 $0x0  }
0x12: {  	s1 =	sld [smem:$0x3F94];
	s0 =	simm.s32 @p0 $0x1  }
0x13: {  	[smem:$0x3FAF] =	sst s0;
	s0 =	simm.s32 @!p1 $0x0  }
0x14: {  	s2 =	sld [smem:$0x3F93];
	s0 =	simm.s32 @p1 $0x1  }
0x15: {  	[smem:$0x3FB0] =	sst s0;
	s0 =	simm.s32 @!p2 $0x0  }
0x16: {  	s3 =	sld [smem:$0x3FDB];
	s0 =	simm.s32 @p2 $0x1  }
0x17: {  	s4 =	simm.s32 $0x1BF5;
	[smem:$0x3FB2] =	sst s0  }
0x18: {  	s0 =	sld [smem:$0x3F95];
	_ =	swait.ge [sflag:s4], $0x0  }
0x19: {  	s7 =	sld [smem:$0x3F96]  }
0x1a: {  	s8 =	sadd.s32 $0xFFFFE003, lr  }
0x1b: {  	s9 =	sadd.s32 $0xFFFFFEF7, lr;
	s5 =	simm.s32 $0xFFFFFFFF;
	p2 =	slt.u32 s8, $0xFFFFF086  }
0x1c: {  	p1 =	slt.u32 s9, $0xF7A;
	s5 =	simm.s32 @!p2 $0x0  }
0x1d: {  	s5 =	simm.s32 @p1 $0x1;
	p0 =	seq.s32 s7, s2  }
0x1e: {  	s7 =	smul.u32 @!p0 $0xF7A, s2;
	p2 =	seq.s32 @!p0 s5, $0x0  }
0x1f: {  	s9 =	smul.u32 $0xF7A, s1;
	s8 =	simm.s32 @!p0 $0x1BF5;
	p2 =	por !p2, p0  }
0x20: {  	[sflag:s8] =	ssyncset.s32 @!p0 $0xFFFFF086;
	s6 =	sadd.s32 @!p0 s3, s7;
	s7 =	simm.s32 @!p0 $0x108  }
0x21: {  	s3 =	sadd.s32 s3, s9;
	s6 =	sadd.s32 @!p0 $0x88, s6;
	s7 =	simm.s32 @p2 $0x1082  }
0x22: {  	[simem:s7], [sflag:s8] =	dma.local @!p0 [hbm:s6], $0xF7A  }
0x23: {  	s9 =	sor.u32 $0xD0000000, s2;
	s6 =	simm.s32 $0x108;
	_ =	swait.ge @!p0 [sflag:s8], $0x0  }
0x24: {  	s3 =	sadd.s32 $0x88, s3;
	s6 =	simm.s32 @!p1 $0x1082;
	[sflag:s4] =	ssyncset.s32 $0xFFFFF086  }
0x25: {  	[simem:s6], [sflag:s4] =	dma.local [hbm:s3], $0xF7A  }
0x26: {  	[smem:$0x3F96] =	sst s1;
	(tag) =	ssettag s2;
	_ =	strace s9  }
0x27: {  	s1 =	sld [smem:$0x3FA6]  }
0x28: {  	s2 =	sld [smem:$0x3FA7]  }
0x29: {  	s4 =	sld [smem:$0x3FA9]  }
0x2a: {  	p0 =	seq.s32 s5, $0x0;
	s5 =	sld [smem:$0x3FAA]  }
0x2b: {  	s6 =	sld [smem:$0x3FAB]  }
0x2c: {  	s7 =	sld [smem:$0x3FAC]  }
0x2d: {  	s3 =	simm.s32 $0x108;
	s8 =	sld [smem:$0x3FAD]  }
0x2e: {  	s3 =	simm.s32 @!p0 $0x1082;
	s9 =	sld [smem:$0x3FAE]  }
0x2f: {  	lr =	sadd.s32 s0, s3;
	s0 =	sld [smem:$0x3FA5]  }
0x30: {  	s3 =	sld [smem:$0x3FA8]  }
0x31: {  	[smem:$0x3FB1] =	sst s10  }
0x32: {  	s10 =	sld [smem:$0x3FAF];
	_ =	sdelay $0x3  }
0x33: {  	p0 =	seq.s32 s10, $0x1;
	s10 =	sld [smem:$0x3FB1];
	_ =	sdelay $0x3  }
0x34: {  	[smem:$0x3FB1] =	sst s10  }
0x35: {  	s10 =	sld [smem:$0x3FB0];
	_ =	sdelay $0x3  }
0x36: {  	p1 =	seq.s32 s10, $0x1;
	s10 =	sld [smem:$0x3FB1];
	_ =	sdelay $0x3  }
0x37: {  	[smem:$0x3FB1] =	sst s10  }
0x38: {  	s10 =	sld [smem:$0x3FB2]  }
0x39: {  	_ = 	snop;
	(pc) =	sbr.ind lr, $3  }
0x3a: {  	_ = 	snop  }
0x3b: {  	_ = 	snop  }
0x3c: {  	p2 =	seq.s32 s10, $0x1;
	s10 =	sld [smem:$0x3FB1]  }
0x3d: {  	_ =	shalt  }
0x3e: {  	_ =	shalt  }
0x3f: {  	_ =	shalt  }
0x40: {  	_ =	shalt  }
0x41: {  	_ =	shalt  }
0x42: {  	_ =	shalt  }
0x43: {  	_ =	shalt  }
0x44: {  	_ =	shalt  }
0x45: {  	_ =	shalt  }
0x46: {  	_ =	shalt  }
0x47: {  	_ =	shalt  }
0x48: {  	_ =	shalt  }
0x49: {  	_ =	shalt  }
0x4a: {  	_ =	shalt  }
0x4b: {  	_ =	shalt  }
0x4c: {  	_ =	shalt  }
0x4d: {  	_ =	shalt  }
0x4e: {  	_ =	shalt  }
0x4f: {  	_ =	shalt  }
0x50: {  	_ =	shalt  }
0x51: {  	_ =	shalt  }
0x52: {  	_ =	shalt  }
0x53: {  	_ =	shalt  }
0x54: {  	_ =	shalt  }
0x55: {  	_ =	shalt  }
0x56: {  	_ =	shalt  }
0x57: {  	_ =	shalt  }
0x58: {  	_ =	shalt  }
0x59: {  	_ =	shalt  }
0x5a: {  	_ =	shalt  }
0x5b: {  	_ =	shalt  }
0x5c: {  	_ =	shalt  }
0x5d: {  	_ =	shalt  }
0x5e: {  	_ =	shalt  }
0x5f: {  	_ =	shalt  }
0x60: {  	_ =	shalt  }
0x61: {  	_ =	shalt  }
0x62: {  	_ =	shalt  }
0x63: {  	_ =	shalt  }
0x64: {  	_ =	shalt  }
0x65: {  	_ =	shalt  }
0x66: {  	_ =	shalt  }
0x67: {  	_ =	shalt  }
0x68: {  	_ =	shalt  }
0x69: {  	_ =	shalt  }
0x6a: {  	_ =	shalt  }
0x6b: {  	_ =	shalt  }
0x6c: {  	_ =	shalt  }
0x6d: {  	_ =	shalt  }
0x6e: {  	_ =	shalt  }
0x6f: {  	_ =	shalt  }
0x70: {  	_ =	shalt  }
0x71: {  	_ =	shalt  }
0x72: {  	_ =	shalt  }
0x73: {  	_ =	shalt  }
0x74: {  	_ =	shalt  }
0x75: {  	_ =	shalt  }
0x76: {  	_ =	shalt  }
0x77: {  	_ =	shalt  }
0x78: {  	_ =	shalt  }
0x79: {  	_ =	shalt  }
0x7a: {  	_ =	shalt  }
0x7b: {  	_ =	shalt  }
0x7c: {  	_ =	shalt  }
0x7d: {  	_ =	shalt  }
0x7e: {  	_ =	shalt  }
0x7f: {  	_ =	shalt  }
0x80: {  	_ =	shalt  }
0x81: {  	_ =	shalt  }
0x82: {  	_ =	shalt  }
0x83: {  	_ =	shalt  }
0x84: {  	_ =	shalt  }
0x85: {  	_ =	shalt  }
0x86: {  	_ =	shalt  }
0x87: {  	_ =	shalt  }
.Lfunc_end0:
.L_simem_size_0:
called_computation.1_lowered:
.L_overlay_start_0:
0x88: {  	s2 =	sld [smem:$0x3FD9]  }
0x89: {  	s3 =	sld [smem:$0x3FFE];
	_ =	sdelay $0x1  }
0x8a: {  	s1 =	srdreg.scid  }
0x8b: {  	s0 =	sand.u32 $0x1, s1  }
0x8c: {  	s17 =	sshll.u32 s0, $0xA;
	s2 =	sadd.s32 s3, s2  }
0x8d: {  	s2 =	sadd.s32 s2, s17  }
0x8e: {  	[smem:$0x3FBD] =	sst s2  }
0x8f: {  	_ = 	snop  }
0x90: {  	s2 =	sld [smem:$0x3FC9]  }
0x91: {  	s18 =	sld [smem:$0x3FD0];
	(tm) =	ssettm $0x1  }
0x92: {  	s4 =	sld [smem:$0x3FFB];
	_ =	sdelay $0x3  }
0x93: {  	_ =	strace s4  }
0x94: {  	s4 =	sld [smem:$0x3FFC];
	_ =	sdelay $0x3  }
0x95: {  	_ =	strace s4  }
0x96: {  	s4 =	sld [smem:$0x3FFD];
	_ =	sdelay $0x3  }
0x97: {  	_ =	strace s4  }
0x98: {  	_ =	strace $0x8FFFFFFF  }
0x99: {  	s19 =	sld [smem:$0x3FDB];
	_ =	sdelay $0x1  }
0x9a: {  	s5 =	simm.s32 $_scs_section_size  }
0x9b: {  	s6 =	simm.s32 $_size__tile_overlayer_lowered;
	s7 =	simm.s32 $_tile_overlayer_lowered  }
0x9c: {  	s22 =	simm.s32 $0x1BFF;
	s21 =	sshll.u32 s7, $0x1;
	s4 =	sadd.s32 s5, s19  }
0x9d: {  	s8 =	simm.s32 $0x0;
	s20 =	sshll.u32 s6, $0x1;
	s6 =	sadd.s32 s21, s4  }
0x9e: {  	[timem:s8], [sflag:s22] =	dma.local [hbm:s6], s20  }
0x9f: {  	_ =	swait.ge [sflag:s22], s20  }
0xa0: {  	s5 =	ssub.s32 $0x0, s20;
	[sflag:s22] =	ssyncset.done $0x0  }
0xa1: {  	[sflag:s22] =	ssyncadd.s32 s5;
	_ =	sdelay $0x1  }
0xa2: {  	s23 =	simm.s32 $0x1B8B  }
0xa3: {  	_ =	swait.ge [sflag:s23], $0x1  }
0xa4: {  	[sflag:s23] =	ssyncset.done $0x0  }
0xa5: {  	s25 =	simm.s32 $0x1B8E;
	s24 =	sld [smem:$0x3FFE];
	[sflag:s23] =	ssyncadd.s32 $0xFFFFFFFF  }
0xa6: {  	s26 =	simm.s32 $execute0_lowered;
	[smem:$0x3FD2] =	sst s25  }
0xa7: {  	s6 =	sshll.u32 s26, $0x1;
	_ =	strace $0x80000049;
	[dreg:$0x1] =	wrdreg $0xFFFFFFFF  }
0xa8: {  	s28 =	simm.s32 $_size_execute0_lowered;
	s4 =	sadd.s32 s4, s6;
	[dreg:$0x0] =	wrdreg $0x0  }
0xa9: {  	s6 =	sshll.u32 s28, $0x1;
	[dreg:$0x2] =	wrdreg s4  }
0xaa: {  	[dreg:$0x3] =	wrdreg s6  }
0xab: {  	[dreg:$0x4] =	wrdreg $0xC0  }
0xac: {  	_ =	task [dreg:s8], $0x5FFFF  }
0xad: {  	[dreg:$0x1] =	wrdreg $0xFFFFFFFF  }
0xae: {  	[dreg:$0x0] =	wrdreg $0x60  }
0xaf: {  	[dreg:$0x2] =	wrdreg s2  }
0xb0: {  	[dreg:$0x3] =	wrdreg s18  }
0xb1: {  	[dreg:$0x4] =	wrdreg s24  }
0xb2: {  	[dreg:$0x5] =	wrdreg $0x9  }
0xb3: {  	_ =	task.clear_ibuf [dreg:s8], $0x6FFFF;
	_ =	strace $0x90000049  }
0xb4: {  	s29 =	simm.s32 $0x9;
	_ =	strace $0x8000004B  }
0xb5: {  	_ =	swait.ge [sflag:s29], $0x1  }
0xb6: {  	[sflag:s29] =	ssyncadd.s32 $0xFFFFFFFF  }
0xb7: {  	_ =	strace $0x9000004B  }
0xb8: {  	_ =	sfence  }
0xb9: {  	s30 =	sld [smem:$0x0];
	_ =	sdelay $0x2  }
0xba: {  	s31 =	sshll.u32 s1, $0xD;
	s1 =	sshrl.u32 s1, $0x2  }
0xbb: {  	s3 =	sand.u32 $0x4000, s31;
	s1 =	sadd.s32 s1, s30  }
0xbc: {  	s0 =	sor.u32 s3, s0;
	s1 =	sshll.u32 s1, $0x11  }
0xbd: {  	s0 =	sor.u32 s1, s0  }
0xbe: {  	s0 =	sadd.s32 $0x8F2B, s0  }
0xbf: {  	[sflag:s0] =	ssyncadd.remote.s32 $0x1  }
0xc0: {  	_ =	sfence.sel $0xFFFF  }
0xc1: {  	[dreg:$0x0] =	wrdreg $0xFFFFFFFF;
	(pc) =	sbr.abs _section_cstart, $3  }
0xc2: {  	[dreg:$0x1] =	wrdreg $0xFFFFFFFF  }
0xc3: {  	_ =	task.clear_ibuf [dreg:s8], $0x2FFFF;
	_ =	strace $0x9FFFFFFF  }
0xc4: {  	(tm) =	ssettm $0x7FFFFFFF  }
0xc5: {  	_ =	shalt  }
tec
execute0_lowered:
.L_overlay_start_1:
0x0: {  	(tag) =	ssettag $0x1  }
0x1: {  	s1 =	rddreg [dreg:$0x0]  }
0x2: {  	s0 =	srdreg.scid;
	s2 =	rddreg [dreg:$0x1]  }
0x3: {  	s3 =	stileid.u32;
	s4 =	rddreg [dreg:$0x2]  }
0x4: {  	s28 =	simm.s32 $0x80;
	s29 =	simm.s32 $0x100;
	s31 =	simm.s32 $0x180  }
0x5: {  	s30 =	simm.s32 $0x200;
	s11 =	simm.s32 $0x3200;
	s12 =	simm.s32 $0x3A00  }
0x6: {  	s13 =	simm.s32 $0x4200;
	s0 =	sand.u32 $0x1, s0;
	s3 =	sshll.u32 s3, $0x1  }
0x7: {  	s14 =	simm.s32 $0x4A00;
	s5 =	sor.u32 s0, s3;
	s3 =	simm.s32 $0x0  }
0x8: {  	s15 =	simm.s32 $0x5200;
	s4 =	sadd.s32 $0x3A00, s4;
	[smem:$0x7FF] =	sst s3  }
0x9: {  	s0 =	ssub.s32 $0x2, s0;
	_ =	strace $0x8000004A;
	[dreg:$0xc] =	wrdreg s28  }
0xa: {  	s6 =	smul.u32 $0xA0, s5;
	s25 =	sshrl.u32 s0, $0x1;
	[dreg:$0xd] =	wrdreg s29  }
0xb: {  	s5 =	smul.u32 $0x5000, s5;
	s0 =	ssub.s32 s0, s25;
	[dreg:$0xe] =	wrdreg s31  }
0xc: {  	s25 =	simm.s32 $0xAA00;
	s7 =	sshrl.u32 s6, $0x3;
	s8 =	sadd.s32 $0x28, s6  }
0xd: {  	s17 =	sadd.s32 $0x50, s6;
	s6 =	sadd.s32 $0x78, s6;
	s19 =	sadd.s32 s4, s5  }
0xe: {  	s5 =	sadd.s32 $0x200, s1;
	s7 =	sadd.s32 s2, s7;
	s9 =	sshrl.u32 s8, $0x3  }
0xf: {  	s18 =	sshrl.u32 s17, $0x3;
	s10 =	sshrl.u32 s6, $0x3;
	s20 =	sshll.u32 s8, $0x7  }
0x10: {  	[dreg:$0x8] =	wrdreg s19;
	s22 =	sshll.u32 s17, $0x7;
	s24 =	sshll.u32 s6, $0x7  }
0x11: {  	s6 =	sadd.s32 $0x300, s1;
	s8 =	simm.s32 $0x2;
	s17 =	simm.s32 $0x6200  }
0x12: {  	s19 =	simm.s32 $0x7200;
	[dreg:$0x4] =	wrdreg s7;
	s16 =	sadd.s32 s2, s9  }
0x13: {  	s7 =	sadd.s32 s2, s18;
	s2 =	sadd.s32 s2, s10;
	[dreg:$0x5] =	wrdreg s16  }
0x14: {  	s21 =	sadd.s32 s4, s20;
	s23 =	sadd.s32 s4, s22;
	[dreg:$0x6] =	wrdreg s7  }
0x15: {  	s26 =	sadd.s32 s4, s24;
	s4 =	sadd.s32 $0x100, s1;
	[dreg:$0x7] =	wrdreg s2  }
0x16: {  	s9 =	simm.s32 $0x2200;
	s10 =	simm.s32 $0x2A00;
	[dreg:$0x9] =	wrdreg s21  }
0x17: {  	s18 =	simm.s32 $0x6A00;
	s20 =	simm.s32 $0x7A00;
	[dreg:$0xa] =	wrdreg s23  }
0x18: {  	v2 =	vlaneseq.u32;
	s22 =	simm.s32 $0x8A00;
	s24 =	simm.s32 $0x9A00;
	[dreg:$0xb] =	wrdreg s26  }
0x19: {  	vm0 =	vmmov $0xffff;
	v1 =	vshrl.u32 v2, $0x3;
	s7 =	smax.u32 s0, $0x1;
	s26 =	simm.s32 $0x1;
	s16 =	simm.s32 $0x5A00  }
0x1a: {  	v0 =	vand.u32 $0x7, v2;
	v2 =	vor.u32 $0x8, v2;
	v1 =	vmul.u32 $0x8, v1;
	s21 =	simm.s32 $0x8200;
	s23 =	simm.s32 $0x9200;
	s0 =	simm.s32 $0xA200  }
.LBB2_1:
0x1b: {  	s28 =	rddreg [dreg:$0x4]  }
0x1c: {  	s29 =	rddreg [dreg:$0x5]  }
0x1d: {  	s31 =	rddreg [dreg:$0xc]  }
0x1e: {  	s2 =	rddreg [dreg:$0xe]  }
0x1f: {  	[tilespmem:s3], [sflag:$0x2] =	stream.linear.gather [hbm4b:s28+s3], $0x28, $0x38;
	[tilespmem:$0x14200] =	vst v63  }
0x20: {  	s28 =	rddreg [dreg:$0x6]  }
0x21: {  	[tilespmem:s31], [sflag:$0x2] =	stream.linear.gather [hbm4b:s29+s3], $0x28, $0x38;
	[tilespmem:$0x14200] =	vst v63  }
0x22: {  	s29 =	rddreg [dreg:$0xd]  }
0x23: {  	[tilespmem:s29], [sflag:$0x2] =	stream.linear.gather [hbm4b:s28+s3], $0x28, $0x38;
	[tilespmem:$0x14200] =	vst v63  }
0x24: {  	s31 =	rddreg [dreg:$0x7]  }
0x25: {  	[tilespmem:s2], [sflag:$0x2] =	stream.linear.gather [hbm4b:s31+s3], $0x28, $0x38;
	[tilespmem:$0x14200] =	vst v63  }
0x26: {  	_ =	swait.ge [sflag:s8], $0x28  }
0x27: {  	[sflag:s8] =	ssyncset.done $0x0  }
0x28: {  	[sflag:s8] =	ssyncadd.s32 $0xFFFFFFD8  }
0x29: {  	_ =	swait.ge [sflag:s8], $0x28  }
0x2a: {  	[sflag:s8] =	ssyncset.done $0x0  }
0x2b: {  	[sflag:s8] =	ssyncadd.s32 $0xFFFFFFD8  }
0x2c: {  	_ =	swait.ge [sflag:s8], $0x28  }
0x2d: {  	[sflag:s8] =	ssyncset.done $0x0  }
0x2e: {  	[sflag:s8] =	ssyncadd.s32 $0xFFFFFFD8  }
0x2f: {  	_ =	swait.ge [sflag:s8], $0x28  }
0x30: {  	[sflag:s8] =	ssyncset.done $0x0  }
0x31: {  	[sflag:s8] =	ssyncadd.s32 $0xFFFFFFD8  }
0x32: {  	v3 =	vld [tilespmem:$0x0];
	_ =	sdelay $0x4  }
0x33: {  	v4 =	vshll.u32 v3, $0x3  }
0x34: {  	v3 =	vand.u32 $0x7, v3;
	v4 =	vand.u32 $0xFFFFFFC0, v4  }
0x35: {  	v3 =	vor.u32 v3, v4  }
0x36: {  	v4 =	vperm.xlane v3, v0;
	_ =	sdelay $0x1  }
0x37: {  	v4 =	vadd.s32 v1, v4;
	_ =	sdelay $0x4  }
0x38: {  	[tilespmem:s30], [sflag:$0x1] =	stream.indirect_vreg.gather [hbm4b:s1+s3], $0x80, v4, vm0, $0xb8;
	[tilespmem:$0x14200] =	vst v63  }
0x39: {  	s28 =	simm.s32 $0xA00;
	v3 =	vperm.xlane v3, v2  }
0x3a: {  	[tilespmem:s28], [sflag:$0x1] =	stream.indirect_vreg.gather [hbm4b:s4+s3], $0x80, v4, vm0, $0xb8;
	[tilespmem:$0x14200] =	vst v63  }
0x3b: {  	s29 =	simm.s32 $0x1200;
	v3 =	vadd.s32 v1, v3  }
0x3c: {  	[tilespmem:s29], [sflag:$0x1] =	stream.indirect_vreg.gather [hbm4b:s5+s3], $0x80, v4, vm0, $0xb8;
	[tilespmem:$0x14200] =	vst v63  }
0x3d: {  	s31 =	simm.s32 $0x1A00  }
0x3e: {  	[tilespmem:s31], [sflag:$0x1] =	stream.indirect_vreg.gather [hbm4b:s6+s3], $0x80, v4, vm0, $0xb8;
	[tilespmem:$0x14200] =	vst v63  }
0x3f: {  	_ = 	snop  }
0x40: {  	[tilespmem:s9], [sflag:$0x1] =	stream.indirect_vreg.gather [hbm4b:s1+s3], $0x80, v3, vm0, $0xb8;
	[tilespmem:$0x14200] =	vst v63  }
0x41: {  	_ = 	snop  }
0x42: {  	[tilespmem:s10], [sflag:$0x1] =	stream.indirect_vreg.gather [hbm4b:s4+s3], $0x80, v3, vm0, $0xb8;
	[tilespmem:$0x14200] =	vst v63  }
0x43: {  	_ = 	snop  }
0x44: {  	[tilespmem:s11], [sflag:$0x1] =	stream.indirect_vreg.gather [hbm4b:s5+s3], $0x80, v3, vm0, $0xb8;
	[tilespmem:$0x14200] =	vst v63  }
0x45: {  	_ = 	snop  }
0x46: {  	[tilespmem:s12], [sflag:$0x1] =	stream.indirect_vreg.gather [hbm4b:s6+s3], $0x80, v3, vm0, $0xb8;
	[tilespmem:$0x14200] =	vst v63  }
0x47: {  	v3 =	vld [tilespmem:$0x10];
	_ =	sdelay $0x4  }
0x48: {  	v53 =	vshll.u32 v3, $0x3  }
0x49: {  	v3 =	vand.u32 $0x7, v3;
	v4 =	vand.u32 $0xFFFFFFC0, v53  }
0x4a: {  	v3 =	vor.u32 v3, v4  }
0x4b: {  	v4 =	vperm.xlane v3, v0;
	_ =	sdelay $0x1  }
0x4c: {  	v4 =	vadd.s32 v1, v4;
	_ =	sdelay $0x4  }
0x4d: {  	[tilespmem:s13], [sflag:$0x1] =	stream.indirect_vreg.gather [hbm4b:s1+s3], $0x80, v4, vm0, $0xb8;
	[tilespmem:$0x14200] =	vst v63  }
0x4e: {  	v3 =	vperm.xlane v3, v2  }
0x4f: {  	[tilespmem:s14], [sflag:$0x1] =	stream.indirect_vreg.gather [hbm4b:s4+s3], $0x80, v4, vm0, $0xb8;
	[tilespmem:$0x14200] =	vst v63  }
0x50: {  	v3 =	vadd.s32 v1, v3  }
0x51: {  	[tilespmem:s15], [sflag:$0x1] =	stream.indirect_vreg.gather [hbm4b:s5+s3], $0x80, v4, vm0, $0xb8;
	[tilespmem:$0x14200] =	vst v63  }
0x52: {  	_ = 	snop  }
0x53: {  	[tilespmem:s16], [sflag:$0x1] =	stream.indirect_vreg.gather [hbm4b:s6+s3], $0x80, v4, vm0, $0xb8;
	[tilespmem:$0x14200] =	vst v63  }
0x54: {  	_ = 	snop  }
0x55: {  	[tilespmem:s17], [sflag:$0x1] =	stream.indirect_vreg.gather [hbm4b:s1+s3], $0x80, v3, vm0, $0xb8;
	[tilespmem:$0x14200] =	vst v63  }
0x56: {  	_ = 	snop  }
0x57: {  	[tilespmem:s18], [sflag:$0x1] =	stream.indirect_vreg.gather [hbm4b:s4+s3], $0x80, v3, vm0, $0xb8;
	[tilespmem:$0x14200] =	vst v63  }
0x58: {  	_ = 	snop  }
0x59: {  	[tilespmem:s19], [sflag:$0x1] =	stream.indirect_vreg.gather [hbm4b:s5+s3], $0x80, v3, vm0, $0xb8;
	[tilespmem:$0x14200] =	vst v63  }
0x5a: {  	_ = 	snop  }
0x5b: {  	[tilespmem:s20], [sflag:$0x1] =	stream.indirect_vreg.gather [hbm4b:s6+s3], $0x80, v3, vm0, $0xb8;
	[tilespmem:$0x14200] =	vst v63  }
0x5c: {  	v3 =	vld.msk [tilespmem:$0x20], $0xff;
	_ =	sdelay $0x4  }
0x5d: {  	v54 =	vshll.u32 v3, $0x3  }
0x5e: {  	v3 =	vand.u32 $0x7, v3;
	v4 =	vand.u32 $0xFFFFFFC0, v54  }
0x5f: {  	v3 =	vor.u32 v3, v4  }
0x60: {  	v3 =	vperm.xlane v3, v0;
	_ =	sdelay $0x1  }
0x61: {  	v3 =	vadd.s32 v1, v3;
	_ =	sdelay $0x4  }
0x62: {  	[tilespmem:s21], [sflag:$0x1] =	stream.indirect_vreg.gather [hbm4b:s1+s3], $0x80, v3, vm0, $0xb8;
	[tilespmem:$0x14200] =	vst v63  }
0x63: {  	_ = 	snop  }
0x64: {  	[tilespmem:s22], [sflag:$0x1] =	stream.indirect_vreg.gather [hbm4b:s4+s3], $0x80, v3, vm0, $0xb8;
	[tilespmem:$0x14200] =	vst v63  }
0x65: {  	_ = 	snop  }
0x66: {  	[tilespmem:s23], [sflag:$0x1] =	stream.indirect_vreg.gather [hbm4b:s5+s3], $0x80, v3, vm0, $0xb8;
	[tilespmem:$0x14200] =	vst v63  }
0x67: {  	_ = 	snop  }
0x68: {  	[tilespmem:s24], [sflag:$0x1] =	stream.indirect_vreg.gather [hbm4b:s6+s3], $0x80, v3, vm0, $0xb8;
	[tilespmem:$0x14200] =	vst v63  }
0x69: {  	v3 =	vld [tilespmem:$0x80];
	_ =	sdelay $0x4  }
0x6a: {  	v55 =	vshll.u32 v3, $0x3  }
0x6b: {  	v3 =	vand.u32 $0x7, v3;
	v4 =	vand.u32 $0xFFFFFFC0, v55  }
0x6c: {  	v3 =	vor.u32 v3, v4  }
0x6d: {  	v4 =	vperm.xlane v3, v0;
	_ =	sdelay $0x1  }
0x6e: {  	v4 =	vadd.s32 v1, v4;
	_ =	sdelay $0x4  }
0x6f: {  	[tilespmem:s0], [sflag:$0x1] =	stream.indirect_vreg.gather [hbm4b:s1+s3], $0x80, v4, vm0, $0xb8;
	[tilespmem:$0x14200] =	vst v63  }
0x70: {  	v3 =	vperm.xlane v3, v2  }
0x71: {  	[tilespmem:s25], [sflag:$0x1] =	stream.indirect_vreg.gather [hbm4b:s4+s3], $0x80, v4, vm0, $0xb8;
	[tilespmem:$0x14200] =	vst v63  }
0x72: {  	s2 =	simm.s32 $0xB200;
	v3 =	vadd.s32 v1, v3  }
0x73: {  	[tilespmem:s2], [sflag:$0x1] =	stream.indirect_vreg.gather [hbm4b:s5+s3], $0x80, v4, vm0, $0xb8;
	[tilespmem:$0x14200] =	vst v63  }
0x74: {  	s2 =	simm.s32 $0xBA00  }
0x75: {  	[tilespmem:s2], [sflag:$0x1] =	stream.indirect_vreg.gather [hbm4b:s6+s3], $0x80, v4, vm0, $0xb8;
	[tilespmem:$0x14200] =	vst v63  }
0x76: {  	s2 =	simm.s32 $0xC200  }
0x77: {  	[tilespmem:s2], [sflag:$0x1] =	stream.indirect_vreg.gather [hbm4b:s1+s3], $0x80, v3, vm0, $0xb8;
	[tilespmem:$0x14200] =	vst v63  }
0x78: {  	s2 =	simm.s32 $0xCA00  }
0x79: {  	[tilespmem:s2], [sflag:$0x1] =	stream.indirect_vreg.gather [hbm4b:s4+s3], $0x80, v3, vm0, $0xb8;
	[tilespmem:$0x14200] =	vst v63  }
0x7a: {  	s2 =	simm.s32 $0xD200  }
0x7b: {  	[tilespmem:s2], [sflag:$0x1] =	stream.indirect_vreg.gather [hbm4b:s5+s3], $0x80, v3, vm0, $0xb8;
	[tilespmem:$0x14200] =	vst v63  }
0x7c: {  	s2 =	simm.s32 $0xDA00  }
0x7d: {  	[tilespmem:s2], [sflag:$0x1] =	stream.indirect_vreg.gather [hbm4b:s6+s3], $0x80, v3, vm0, $0xb8;
	[tilespmem:$0x14200] =	vst v63  }
0x7e: {  	v3 =	vld [tilespmem:$0x90];
	_ =	sdelay $0x4  }
0x7f: {  	v56 =	vshll.u32 v3, $0x3  }
0x80: {  	v3 =	vand.u32 $0x7, v3;
	v4 =	vand.u32 $0xFFFFFFC0, v56  }
0x81: {  	v3 =	vor.u32 v3, v4  }
0x82: {  	v4 =	vperm.xlane v3, v0;
	_ =	sdelay $0x1  }
0x83: {  	v4 =	vadd.s32 v1, v4;
	_ =	sdelay $0x3  }
0x84: {  	s2 =	simm.s32 $0xE200  }
0x85: {  	[tilespmem:s2], [sflag:$0x1] =	stream.indirect_vreg.gather [hbm4b:s1+s3], $0x80, v4, vm0, $0xb8;
	[tilespmem:$0x14200] =	vst v63  }
0x86: {  	v3 =	vperm.xlane v3, v2;
	s2 =	simm.s32 $0xEA00  }
0x87: {  	[tilespmem:s2], [sflag:$0x1] =	stream.indirect_vreg.gather [hbm4b:s4+s3], $0x80, v4, vm0, $0xb8;
	[tilespmem:$0x14200] =	vst v63  }
0x88: {  	v3 =	vadd.s32 v1, v3;
	s2 =	simm.s32 $0xF200  }
0x89: {  	[tilespmem:s2], [sflag:$0x1] =	stream.indirect_vreg.gather [hbm4b:s5+s3], $0x80, v4, vm0, $0xb8;
	[tilespmem:$0x14200] =	vst v63  }
0x8a: {  	s2 =	simm.s32 $0xFA00  }
0x8b: {  	[tilespmem:s2], [sflag:$0x1] =	stream.indirect_vreg.gather [hbm4b:s6+s3], $0x80, v4, vm0, $0xb8;
	[tilespmem:$0x14200] =	vst v63  }
0x8c: {  	s2 =	simm.s32 $0x10200  }
0x8d: {  	[tilespmem:s2], [sflag:$0x1] =	stream.indirect_vreg.gather [hbm4b:s1+s3], $0x80, v3, vm0, $0xb8;
	[tilespmem:$0x14200] =	vst v63  }
0x8e: {  	s2 =	simm.s32 $0x10A00  }
0x8f: {  	[tilespmem:s2], [sflag:$0x1] =	stream.indirect_vreg.gather [hbm4b:s4+s3], $0x80, v3, vm0, $0xb8;
	[tilespmem:$0x14200] =	vst v63  }
0x90: {  	s2 =	simm.s32 $0x11200  }
0x91: {  	[tilespmem:s2], [sflag:$0x1] =	stream.indirect_vreg.gather [hbm4b:s5+s3], $0x80, v3, vm0, $0xb8;
	[tilespmem:$0x14200] =	vst v63  }
0x92: {  	s2 =	simm.s32 $0x11A00  }
0x93: {  	[tilespmem:s2], [sflag:$0x1] =	stream.indirect_vreg.gather [hbm4b:s6+s3], $0x80, v3, vm0, $0xb8;
	[tilespmem:$0x14200] =	vst v63  }
0x94: {  	v3 =	vld.msk [tilespmem:$0xA0], $0xff;
	_ =	sdelay $0x4  }
0x95: {  	v57 =	vshll.u32 v3, $0x3  }
0x96: {  	v3 =	vand.u32 $0x7, v3;
	v4 =	vand.u32 $0xFFFFFFC0, v57  }
0x97: {  	v3 =	vor.u32 v3, v4  }
0x98: {  	v3 =	vperm.xlane v3, v0;
	_ =	sdelay $0x1  }
0x99: {  	v3 =	vadd.s32 v1, v3;
	_ =	sdelay $0x3  }
0x9a: {  	s2 =	simm.s32 $0x12200  }
0x9b: {  	[tilespmem:s2], [sflag:$0x1] =	stream.indirect_vreg.gather [hbm4b:s1+s3], $0x80, v3, vm0, $0xb8;
	[tilespmem:$0x14200] =	vst v63  }
0x9c: {  	s2 =	simm.s32 $0x12A00  }
0x9d: {  	[tilespmem:s2], [sflag:$0x1] =	stream.indirect_vreg.gather [hbm4b:s4+s3], $0x80, v3, vm0, $0xb8;
	[tilespmem:$0x14200] =	vst v63  }
0x9e: {  	s2 =	simm.s32 $0x13200  }
0x9f: {  	[tilespmem:s2], [sflag:$0x1] =	stream.indirect_vreg.gather [hbm4b:s5+s3], $0x80, v3, vm0, $0xb8;
	[tilespmem:$0x14200] =	vst v63  }
0xa0: {  	s2 =	simm.s32 $0x13A00  }
0xa1: {  	[tilespmem:s2], [sflag:$0x1] =	stream.indirect_vreg.gather [hbm4b:s6+s3], $0x80, v3, vm0, $0xb8;
	[tilespmem:$0x14200] =	vst v63  }
0xa2: {  	_ =	swait.ge [sflag:s26], $0xA000  }
0xa3: {  	[sflag:s26] =	ssyncset.done $0x0  }
0xa4: {  	s2 =	rddreg [dreg:$0x8];
	[sflag:s26] =	ssyncadd.s32 $0xFFFF6000  }
0xa5: {  	[hbm4b:s2+s3] =	stream.linear.scatter [tilespmem:s30], [sflag:$0x2], $0xA000, $0x38;
	[tilespmem:$0x14200] =	vst v63  }
0xa6: {  	_ =	swait.ge [sflag:s8], $0xA000  }
0xa7: {  	[sflag:s8] =	ssyncset.done $0x0  }
0xa8: {  	[sflag:s8] =	ssyncadd.s32 $0xFFFF6000  }
0xa9: {  	v3 =	vld [tilespmem:$0x100];
	_ =	sdelay $0x4  }
0xaa: {  	v58 =	vshll.u32 v3, $0x3  }
0xab: {  	v3 =	vand.u32 $0x7, v3;
	v4 =	vand.u32 $0xFFFFFFC0, v58  }
0xac: {  	v3 =	vor.u32 v3, v4  }
0xad: {  	v4 =	vperm.xlane v3, v0;
	_ =	sdelay $0x1  }
0xae: {  	v4 =	vadd.s32 v1, v4;
	_ =	sdelay $0x4  }
0xaf: {  	[tilespmem:s30], [sflag:$0x1] =	stream.indirect_vreg.gather [hbm4b:s1+s3], $0x80, v4, vm0, $0xb8;
	[tilespmem:$0x14200] =	vst v63  }
0xb0: {  	v3 =	vperm.xlane v3, v2  }
0xb1: {  	[tilespmem:s28], [sflag:$0x1] =	stream.indirect_vreg.gather [hbm4b:s4+s3], $0x80, v4, vm0, $0xb8;
	[tilespmem:$0x14200] =	vst v63  }
0xb2: {  	v3 =	vadd.s32 v1, v3  }
0xb3: {  	[tilespmem:s29], [sflag:$0x1] =	stream.indirect_vreg.gather [hbm4b:s5+s3], $0x80, v4, vm0, $0xb8;
	[tilespmem:$0x14200] =	vst v63  }
0xb4: {  	_ = 	snop  }
0xb5: {  	[tilespmem:s31], [sflag:$0x1] =	stream.indirect_vreg.gather [hbm4b:s6+s3], $0x80, v4, vm0, $0xb8;
	[tilespmem:$0x14200] =	vst v63  }
0xb6: {  	_ = 	snop  }
0xb7: {  	[tilespmem:s9], [sflag:$0x1] =	stream.indirect_vreg.gather [hbm4b:s1+s3], $0x80, v3, vm0, $0xb8;
	[tilespmem:$0x14200] =	vst v63  }
0xb8: {  	_ = 	snop  }
0xb9: {  	[tilespmem:s10], [sflag:$0x1] =	stream.indirect_vreg.gather [hbm4b:s4+s3], $0x80, v3, vm0, $0xb8;
	[tilespmem:$0x14200] =	vst v63  }
0xba: {  	_ = 	snop  }
0xbb: {  	[tilespmem:s11], [sflag:$0x1] =	stream.indirect_vreg.gather [hbm4b:s5+s3], $0x80, v3, vm0, $0xb8;
	[tilespmem:$0x14200] =	vst v63  }
0xbc: {  	_ = 	snop  }
0xbd: {  	[tilespmem:s12], [sflag:$0x1] =	stream.indirect_vreg.gather [hbm4b:s6+s3], $0x80, v3, vm0, $0xb8;
	[tilespmem:$0x14200] =	vst v63  }
0xbe: {  	v3 =	vld [tilespmem:$0x110];
	_ =	sdelay $0x4  }
0xbf: {  	v59 =	vshll.u32 v3, $0x3  }
0xc0: {  	v3 =	vand.u32 $0x7, v3;
	v4 =	vand.u32 $0xFFFFFFC0, v59  }
0xc1: {  	v3 =	vor.u32 v3, v4  }
0xc2: {  	v4 =	vperm.xlane v3, v0;
	_ =	sdelay $0x1  }
0xc3: {  	v4 =	vadd.s32 v1, v4;
	_ =	sdelay $0x4  }
0xc4: {  	[tilespmem:s13], [sflag:$0x1] =	stream.indirect_vreg.gather [hbm4b:s1+s3], $0x80, v4, vm0, $0xb8;
	[tilespmem:$0x14200] =	vst v63  }
0xc5: {  	v3 =	vperm.xlane v3, v2  }
0xc6: {  	[tilespmem:s14], [sflag:$0x1] =	stream.indirect_vreg.gather [hbm4b:s4+s3], $0x80, v4, vm0, $0xb8;
	[tilespmem:$0x14200] =	vst v63  }
0xc7: {  	v3 =	vadd.s32 v1, v3  }
0xc8: {  	[tilespmem:s15], [sflag:$0x1] =	stream.indirect_vreg.gather [hbm4b:s5+s3], $0x80, v4, vm0, $0xb8;
	[tilespmem:$0x14200] =	vst v63  }
0xc9: {  	_ = 	snop  }
0xca: {  	[tilespmem:s16], [sflag:$0x1] =	stream.indirect_vreg.gather [hbm4b:s6+s3], $0x80, v4, vm0, $0xb8;
	[tilespmem:$0x14200] =	vst v63  }
0xcb: {  	_ = 	snop  }
0xcc: {  	[tilespmem:s17], [sflag:$0x1] =	stream.indirect_vreg.gather [hbm4b:s1+s3], $0x80, v3, vm0, $0xb8;
	[tilespmem:$0x14200] =	vst v63  }
0xcd: {  	_ = 	snop  }
0xce: {  	[tilespmem:s18], [sflag:$0x1] =	stream.indirect_vreg.gather [hbm4b:s4+s3], $0x80, v3, vm0, $0xb8;
	[tilespmem:$0x14200] =	vst v63  }
0xcf: {  	_ = 	snop  }
0xd0: {  	[tilespmem:s19], [sflag:$0x1] =	stream.indirect_vreg.gather [hbm4b:s5+s3], $0x80, v3, vm0, $0xb8;
	[tilespmem:$0x14200] =	vst v63  }
0xd1: {  	_ = 	snop  }
0xd2: {  	[tilespmem:s20], [sflag:$0x1] =	stream.indirect_vreg.gather [hbm4b:s6+s3], $0x80, v3, vm0, $0xb8;
	[tilespmem:$0x14200] =	vst v63  }
0xd3: {  	v3 =	vld.msk [tilespmem:$0x120], $0xff;
	_ =	sdelay $0x4  }
0xd4: {  	v60 =	vshll.u32 v3, $0x3  }
0xd5: {  	v3 =	vand.u32 $0x7, v3;
	v4 =	vand.u32 $0xFFFFFFC0, v60  }
0xd6: {  	v3 =	vor.u32 v3, v4  }
0xd7: {  	v3 =	vperm.xlane v3, v0;
	_ =	sdelay $0x1  }
0xd8: {  	v3 =	vadd.s32 v1, v3;
	_ =	sdelay $0x4  }
0xd9: {  	[tilespmem:s21], [sflag:$0x1] =	stream.indirect_vreg.gather [hbm4b:s1+s3], $0x80, v3, vm0, $0xb8;
	[tilespmem:$0x14200] =	vst v63  }
0xda: {  	_ = 	snop  }
0xdb: {  	[tilespmem:s22], [sflag:$0x1] =	stream.indirect_vreg.gather [hbm4b:s4+s3], $0x80, v3, vm0, $0xb8;
	[tilespmem:$0x14200] =	vst v63  }
0xdc: {  	_ = 	snop  }
0xdd: {  	[tilespmem:s23], [sflag:$0x1] =	stream.indirect_vreg.gather [hbm4b:s5+s3], $0x80, v3, vm0, $0xb8;
	[tilespmem:$0x14200] =	vst v63  }
0xde: {  	_ = 	snop  }
0xdf: {  	[tilespmem:s24], [sflag:$0x1] =	stream.indirect_vreg.gather [hbm4b:s6+s3], $0x80, v3, vm0, $0xb8;
	[tilespmem:$0x14200] =	vst v63  }
0xe0: {  	_ =	swait.ge [sflag:s26], $0xA000  }
0xe1: {  	[sflag:s26] =	ssyncset.done $0x0  }
0xe2: {  	s28 =	rddreg [dreg:$0x9];
	[sflag:s26] =	ssyncadd.s32 $0xFFFF6000  }
0xe3: {  	[hbm4b:s28+s3] =	stream.linear.scatter [tilespmem:s0], [sflag:$0x2], $0xA000, $0x38;
	[tilespmem:$0x14200] =	vst v63  }
0xe4: {  	_ =	swait.ge [sflag:s8], $0xA000  }
0xe5: {  	[sflag:s8] =	ssyncset.done $0x0  }
0xe6: {  	[sflag:s8] =	ssyncadd.s32 $0xFFFF6000  }
0xe7: {  	v3 =	vld [tilespmem:$0x180];
	_ =	sdelay $0x4  }
0xe8: {  	v61 =	vshll.u32 v3, $0x3  }
0xe9: {  	v3 =	vand.u32 $0x7, v3;
	v4 =	vand.u32 $0xFFFFFFC0, v61  }
0xea: {  	v3 =	vor.u32 v3, v4  }
0xeb: {  	v4 =	vperm.xlane v3, v0;
	_ =	sdelay $0x1  }
0xec: {  	v4 =	vadd.s32 v1, v4;
	_ =	sdelay $0x4  }
0xed: {  	[tilespmem:s0], [sflag:$0x1] =	stream.indirect_vreg.gather [hbm4b:s1+s3], $0x80, v4, vm0, $0xb8;
	[tilespmem:$0x14200] =	vst v63  }
0xee: {  	v3 =	vperm.xlane v3, v2  }
0xef: {  	[tilespmem:s25], [sflag:$0x1] =	stream.indirect_vreg.gather [hbm4b:s4+s3], $0x80, v4, vm0, $0xb8;
	[tilespmem:$0x14200] =	vst v63  }
0xf0: {  	s29 =	simm.s32 $0xB200;
	v3 =	vadd.s32 v1, v3  }
0xf1: {  	[tilespmem:s29], [sflag:$0x1] =	stream.indirect_vreg.gather [hbm4b:s5+s3], $0x80, v4, vm0, $0xb8;
	[tilespmem:$0x14200] =	vst v63  }
0xf2: {  	s31 =	simm.s32 $0xBA00  }
0xf3: {  	[tilespmem:s31], [sflag:$0x1] =	stream.indirect_vreg.gather [hbm4b:s6+s3], $0x80, v4, vm0, $0xb8;
	[tilespmem:$0x14200] =	vst v63  }
0xf4: {  	s28 =	simm.s32 $0xC200  }
0xf5: {  	[tilespmem:s28], [sflag:$0x1] =	stream.indirect_vreg.gather [hbm4b:s1+s3], $0x80, v3, vm0, $0xb8;
	[tilespmem:$0x14200] =	vst v63  }
0xf6: {  	s29 =	simm.s32 $0xCA00  }
0xf7: {  	[tilespmem:s29], [sflag:$0x1] =	stream.indirect_vreg.gather [hbm4b:s4+s3], $0x80, v3, vm0, $0xb8;
	[tilespmem:$0x14200] =	vst v63  }
0xf8: {  	s31 =	simm.s32 $0xD200  }
0xf9: {  	[tilespmem:s31], [sflag:$0x1] =	stream.indirect_vreg.gather [hbm4b:s5+s3], $0x80, v3, vm0, $0xb8;
	[tilespmem:$0x14200] =	vst v63  }
0xfa: {  	s28 =	simm.s32 $0xDA00  }
0xfb: {  	[tilespmem:s28], [sflag:$0x1] =	stream.indirect_vreg.gather [hbm4b:s6+s3], $0x80, v3, vm0, $0xb8;
	[tilespmem:$0x14200] =	vst v63  }
0xfc: {  	v3 =	vld [tilespmem:$0x190];
	_ =	sdelay $0x4  }
0xfd: {  	v62 =	vshll.u32 v3, $0x3  }
0xfe: {  	v3 =	vand.u32 $0x7, v3;
	v4 =	vand.u32 $0xFFFFFFC0, v62  }
0xff: {  	v3 =	vor.u32 v3, v4  }
0x100: {  	v4 =	vperm.xlane v3, v0;
	_ =	sdelay $0x1  }
0x101: {  	v4 =	vadd.s32 v1, v4;
	_ =	sdelay $0x3  }
0x102: {  	s29 =	simm.s32 $0xE200  }
0x103: {  	[tilespmem:s29], [sflag:$0x1] =	stream.indirect_vreg.gather [hbm4b:s1+s3], $0x80, v4, vm0, $0xb8;
	[tilespmem:$0x14200] =	vst v63  }
0x104: {  	s31 =	simm.s32 $0xEA00;
	v3 =	vperm.xlane v3, v2  }
0x105: {  	[tilespmem:s31], [sflag:$0x1] =	stream.indirect_vreg.gather [hbm4b:s4+s3], $0x80, v4, vm0, $0xb8;
	[tilespmem:$0x14200] =	vst v63  }
0x106: {  	s28 =	simm.s32 $0xF200;
	v3 =	vadd.s32 v1, v3  }
0x107: {  	[tilespmem:s28], [sflag:$0x1] =	stream.indirect_vreg.gather [hbm4b:s5+s3], $0x80, v4, vm0, $0xb8;
	[tilespmem:$0x14200] =	vst v63  }
0x108: {  	s29 =	simm.s32 $0xFA00  }
0x109: {  	[tilespmem:s29], [sflag:$0x1] =	stream.indirect_vreg.gather [hbm4b:s6+s3], $0x80, v4, vm0, $0xb8;
	[tilespmem:$0x14200] =	vst v63  }
0x10a: {  	s31 =	simm.s32 $0x10200  }
0x10b: {  	[tilespmem:s31], [sflag:$0x1] =	stream.indirect_vreg.gather [hbm4b:s1+s3], $0x80, v3, vm0, $0xb8;
	[tilespmem:$0x14200] =	vst v63  }
0x10c: {  	s28 =	simm.s32 $0x10A00  }
0x10d: {  	[tilespmem:s28], [sflag:$0x1] =	stream.indirect_vreg.gather [hbm4b:s4+s3], $0x80, v3, vm0, $0xb8;
	[tilespmem:$0x14200] =	vst v63  }
0x10e: {  	s29 =	simm.s32 $0x11200  }
0x10f: {  	[tilespmem:s29], [sflag:$0x1] =	stream.indirect_vreg.gather [hbm4b:s5+s3], $0x80, v3, vm0, $0xb8;
	[tilespmem:$0x14200] =	vst v63  }
0x110: {  	s31 =	simm.s32 $0x11A00  }
0x111: {  	[tilespmem:s31], [sflag:$0x1] =	stream.indirect_vreg.gather [hbm4b:s6+s3], $0x80, v3, vm0, $0xb8;
	[tilespmem:$0x14200] =	vst v63  }
0x112: {  	v3 =	vld.msk [tilespmem:$0x1A0], $0xff;
	_ =	sdelay $0x4  }
0x113: {  	v63 =	vshll.u32 v3, $0x3  }
0x114: {  	v3 =	vand.u32 $0x7, v3;
	v4 =	vand.u32 $0xFFFFFFC0, v63  }
0x115: {  	v3 =	vor.u32 v3, v4  }
0x116: {  	v3 =	vperm.xlane v3, v0;
	_ =	sdelay $0x1  }
0x117: {  	v3 =	vadd.s32 v1, v3;
	_ =	sdelay $0x3  }
0x118: {  	s28 =	simm.s32 $0x12200  }
0x119: {  	[tilespmem:s28], [sflag:$0x1] =	stream.indirect_vreg.gather [hbm4b:s1+s3], $0x80, v3, vm0, $0xb8;
	[tilespmem:$0x14200] =	vst v63  }
0x11a: {  	s29 =	simm.s32 $0x12A00  }
0x11b: {  	[tilespmem:s29], [sflag:$0x1] =	stream.indirect_vreg.gather [hbm4b:s4+s3], $0x80, v3, vm0, $0xb8;
	[tilespmem:$0x14200] =	vst v63  }
0x11c: {  	s31 =	simm.s32 $0x13200  }
0x11d: {  	[tilespmem:s31], [sflag:$0x1] =	stream.indirect_vreg.gather [hbm4b:s5+s3], $0x80, v3, vm0, $0xb8;
	[tilespmem:$0x14200] =	vst v63  }
0x11e: {  	s28 =	simm.s32 $0x13A00  }
0x11f: {  	[tilespmem:s28], [sflag:$0x1] =	stream.indirect_vreg.gather [hbm4b:s6+s3], $0x80, v3, vm0, $0xb8;
	[tilespmem:$0x14200] =	vst v63  }
0x120: {  	_ =	swait.ge [sflag:s26], $0xA000  }
0x121: {  	[sflag:s26] =	ssyncset.done $0x0  }
0x122: {  	s29 =	rddreg [dreg:$0xa];
	[sflag:s26] =	ssyncadd.s32 $0xFFFF6000  }
0x123: {  	[hbm4b:s29+s3] =	stream.linear.scatter [tilespmem:s30], [sflag:$0x2], $0xA000, $0x38;
	[tilespmem:$0x14200] =	vst v63  }
0x124: {  	_ =	swait.ge [sflag:s26], $0xA000  }
0x125: {  	[sflag:s26] =	ssyncset.done $0x0  }
0x126: {  	s31 =	rddreg [dreg:$0xb];
	[sflag:s26] =	ssyncadd.s32 $0xFFFF6000  }
0x127: {  	[hbm4b:s31+s3] =	stream.linear.scatter [tilespmem:s0], [sflag:$0x2], $0xA000, $0x38;
	[tilespmem:$0x14200] =	vst v63  }
0x128: {  	p0 =	sne.s32 s7, $0x1;
	_ =	swait.ge [sflag:s8], $0xA000  }
.Ltmp0:
0x129: {  	[sflag:s8] =	ssyncset.done $0x0;
	(pc) =	sbr.rel @p0 .LBB2_1-.Ltmp0, $4  }
0x12a: {  	[sflag:s8] =	ssyncadd.s32 $0xFFFF6000  }
0x12b: {  	_ =	swait.ge [sflag:s8], $0xA000  }
0x12c: {  	[sflag:s8] =	ssyncset.done $0x0  }
0x12d: {  	s7 =	sadd.s32 $0xFFFFFFFF, s7;
	[sflag:s8] =	ssyncadd.s32 $0xFFFF6000  }
0x12e: {  	_ =	sfence.sel $0x180000  }
0x12f: {  	[bflag:$0x0] =	sbarrier.arrive $0xFFFF  }
0x130: {  	_ =	strace $0x9000004A  }
0x131: {  	s0 =	stileid.u32;
	[bflag:$0x2] =	sbarrier.arrive $0xFFFF  }
0x132: {  	p0 =	sne.s32 s0, $0x0;
	s0 =	rddreg [dreg:$0x3]  }
0x133: {  	s0 =	sadd.s32 @!p0 $0x100000, s0  }
0x134: {  	[sflag:s0] =	ssyncadd.tile.s32 @!p0 $0x1;
	_ =	shalt  }
.Lfunc_end2:
_tile_overlayer_lowered:
.L_overlay_start_2:
0x135: {  	(tag) =	ssettag $0x2  }
0x136: {  	s0 =	rddreg [dreg:$0x0];
	s2 =	stileid.u32  }
0x137: {  	s1 =	rddreg [dreg:$0x1];
	p0 =	sne.s32 s2, $0x0  }
0x138: {  	s3 =	rddreg [dreg:$0x2];
	[bflag:$0x3] =	sbarrier.arrive $0xFFFF;
	s2 =	simm.s32 @!p0 $0x1C03  }
0x139: {  	[timem:s3], [sflag:s2] =	dma.local @!p0 [hbm:s0], s1  }
0x13a: {  	s0 =	simm.s32 @!p0 $0x3  }
0x13b: {  	_ =	swait.ge @!p0 [sflag:s0], s1  }
0x13c: {  	s1 =	ssub.s32 @!p0 $0x0, s1;
	[sflag:s0] =	ssyncset.done @!p0 $0x0  }
0x13d: {  	[sflag:s0] =	ssyncadd.s32 @!p0 s1  }
0x13e: {  	[bflag:$0x3] =	sbarrier.arrive $0xFFFF  }
0x13f: {  	_ =	shalt  }

// kernel: kernel.14.cloned.1.call-start
scs
__scs_entry_jumppad:
0x0: {  	(pc) =	sbr.rel $0x88, $3  }
0x1: {  	(tag) =	ssettag $0x0;
	lr =	simm.s32 $0x1  }
0x2: {  	[smem:$0x3F96] =	sst lr;
	_ =	strace $0xD0000000  }
0x3: {  	_ = 	snop  }
0x4: {  	_ = 	snop  }
0x5: {  	_ = 	snop  }
0x6: {  	_ = 	snop  }
0x7: {  	_ = 	snop  }
__scs_overlays_trampoline_lowered:
0x8: {  	[smem:$0x3FA5] =	sst s0  }
0x9: {  	[smem:$0x3FA6] =	sst s1  }
0xa: {  	[smem:$0x3FA7] =	sst s2  }
0xb: {  	[smem:$0x3FA8] =	sst s3  }
0xc: {  	[smem:$0x3FA9] =	sst s4  }
0xd: {  	[smem:$0x3FAA] =	sst s5  }
0xe: {  	[smem:$0x3FAB] =	sst s6  }
0xf: {  	[smem:$0x3FAC] =	sst s7  }
0x10: {  	[smem:$0x3FAD] =	sst s8  }
0x11: {  	[smem:$0x3FAE] =	sst s9;
	s0 =	simm.s32 @!p0 $0x0  }
0x12: {  	s1 =	sld [smem:$0x3F94];
	s0 =	simm.s32 @p0 $0x1  }
0x13: {  	[smem:$0x3FAF] =	sst s0;
	s0 =	simm.s32 @!p1 $0x0  }
0x14: {  	s2 =	sld [smem:$0x3F93];
	s0 =	simm.s32 @p1 $0x1  }
0x15: {  	[smem:$0x3FB0] =	sst s0;
	s0 =	simm.s32 @!p2 $0x0  }
0x16: {  	s3 =	sld [smem:$0x3FDB];
	s0 =	simm.s32 @p2 $0x1  }
0x17: {  	s4 =	simm.s32 $0x1BF5;
	[smem:$0x3FB2] =	sst s0  }
0x18: {  	s0 =	sld [smem:$0x3F95];
	_ =	swait.ge [sflag:s4], $0x0  }
0x19: {  	s7 =	sld [smem:$0x3F96]  }
0x1a: {  	s8 =	sadd.s32 $0xFFFFE003, lr  }
0x1b: {  	s9 =	sadd.s32 $0xFFFFFEF7, lr;
	s5 =	simm.s32 $0xFFFFFFFF;
	p2 =	slt.u32 s8, $0xFFFFF086  }
0x1c: {  	p1 =	slt.u32 s9, $0xF7A;
	s5 =	simm.s32 @!p2 $0x0  }
0x1d: {  	s5 =	simm.s32 @p1 $0x1;
	p0 =	seq.s32 s7, s2  }
0x1e: {  	s7 =	smul.u32 @!p0 $0xF7A, s2;
	p2 =	seq.s32 @!p0 s5, $0x0  }
0x1f: {  	s9 =	smul.u32 $0xF7A, s1;
	s8 =	simm.s32 @!p0 $0x1BF5;
	p2 =	por !p2, p0  }
0x20: {  	[sflag:s8] =	ssyncset.s32 @!p0 $0xFFFFF086;
	s6 =	sadd.s32 @!p0 s3, s7;
	s7 =	simm.s32 @!p0 $0x108  }
0x21: {  	s3 =	sadd.s32 s3, s9;
	s6 =	sadd.s32 @!p0 $0x88, s6;
	s7 =	simm.s32 @p2 $0x1082  }
0x22: {  	[simem:s7], [sflag:s8] =	dma.local @!p0 [hbm:s6], $0xF7A  }
0x23: {  	s9 =	sor.u32 $0xD0000000, s2;
	s6 =	simm.s32 $0x108;
	_ =	swait.ge @!p0 [sflag:s8], $0x0  }
0x24: {  	s3 =	sadd.s32 $0x88, s3;
	s6 =	simm.s32 @!p1 $0x1082;
	[sflag:s4] =	ssyncset.s32 $0xFFFFF086  }
0x25: {  	[simem:s6], [sflag:s4] =	dma.local [hbm:s3], $0xF7A  }
0x26: {  	[smem:$0x3F96] =	sst s1;
	(tag) =	ssettag s2;
	_ =	strace s9  }
0x27: {  	s1 =	sld [smem:$0x3FA6]  }
0x28: {  	s2 =	sld [smem:$0x3FA7]  }
0x29: {  	s4 =	sld [smem:$0x3FA9]  }
0x2a: {  	p0 =	seq.s32 s5, $0x0;
	s5 =	sld [smem:$0x3FAA]  }
0x2b: {  	s6 =	sld [smem:$0x3FAB]  }
0x2c: {  	s7 =	sld [smem:$0x3FAC]  }
0x2d: {  	s3 =	simm.s32 $0x108;
	s8 =	sld [smem:$0x3FAD]  }
0x2e: {  	s3 =	simm.s32 @!p0 $0x1082;
	s9 =	sld [smem:$0x3FAE]  }
0x2f: {  	lr =	sadd.s32 s0, s3;
	s0 =	sld [smem:$0x3FA5]  }
0x30: {  	s3 =	sld [smem:$0x3FA8]  }
0x31: {  	[smem:$0x3FB1] =	sst s10  }
0x32: {  	s10 =	sld [smem:$0x3FAF];
	_ =	sdelay $0x3  }
0x33: {  	p0 =	seq.s32 s10, $0x1;
	s10 =	sld [smem:$0x3FB1];
	_ =	sdelay $0x3  }
0x34: {  	[smem:$0x3FB1] =	sst s10  }
0x35: {  	s10 =	sld [smem:$0x3FB0];
	_ =	sdelay $0x3  }
0x36: {  	p1 =	seq.s32 s10, $0x1;
	s10 =	sld [smem:$0x3FB1];
	_ =	sdelay $0x3  }
0x37: {  	[smem:$0x3FB1] =	sst s10  }
0x38: {  	s10 =	sld [smem:$0x3FB2]  }
0x39: {  	_ = 	snop;
	(pc) =	sbr.ind lr, $3  }
0x3a: {  	_ = 	snop  }
0x3b: {  	_ = 	snop  }
0x3c: {  	p2 =	seq.s32 s10, $0x1;
	s10 =	sld [smem:$0x3FB1]  }
0x3d: {  	_ =	shalt  }
0x3e: {  	_ =	shalt  }
0x3f: {  	_ =	shalt  }
0x40: {  	_ =	shalt  }
0x41: {  	_ =	shalt  }
0x42: {  	_ =	shalt  }
0x43: {  	_ =	shalt  }
0x44: {  	_ =	shalt  }
0x45: {  	_ =	shalt  }
0x46: {  	_ =	shalt  }
0x47: {  	_ =	shalt  }
0x48: {  	_ =	shalt  }
0x49: {  	_ =	shalt  }
0x4a: {  	_ =	shalt  }
0x4b: {  	_ =	shalt  }
0x4c: {  	_ =	shalt  }
0x4d: {  	_ =	shalt  }
0x4e: {  	_ =	shalt  }
0x4f: {  	_ =	shalt  }
0x50: {  	_ =	shalt  }
0x51: {  	_ =	shalt  }
0x52: {  	_ =	shalt  }
0x53: {  	_ =	shalt  }
0x54: {  	_ =	shalt  }
0x55: {  	_ =	shalt  }
0x56: {  	_ =	shalt  }
0x57: {  	_ =	shalt  }
0x58: {  	_ =	shalt  }
0x59: {  	_ =	shalt  }
0x5a: {  	_ =	shalt  }
0x5b: {  	_ =	shalt  }
0x5c: {  	_ =	shalt  }
0x5d: {  	_ =	shalt  }
0x5e: {  	_ =	shalt  }
0x5f: {  	_ =	shalt  }
0x60: {  	_ =	shalt  }
0x61: {  	_ =	shalt  }
0x62: {  	_ =	shalt  }
0x63: {  	_ =	shalt  }
0x64: {  	_ =	shalt  }
0x65: {  	_ =	shalt  }
0x66: {  	_ =	shalt  }
0x67: {  	_ =	shalt  }
0x68: {  	_ =	shalt  }
0x69: {  	_ =	shalt  }
0x6a: {  	_ =	shalt  }
0x6b: {  	_ =	shalt  }
0x6c: {  	_ =	shalt  }
0x6d: {  	_ =	shalt  }
0x6e: {  	_ =	shalt  }
0x6f: {  	_ =	shalt  }
0x70: {  	_ =	shalt  }
0x71: {  	_ =	shalt  }
0x72: {  	_ =	shalt  }
0x73: {  	_ =	shalt  }
0x74: {  	_ =	shalt  }
0x75: {  	_ =	shalt  }
0x76: {  	_ =	shalt  }
0x77: {  	_ =	shalt  }
0x78: {  	_ =	shalt  }
0x79: {  	_ =	shalt  }
0x7a: {  	_ =	shalt  }
0x7b: {  	_ =	shalt  }
0x7c: {  	_ =	shalt  }
0x7d: {  	_ =	shalt  }
0x7e: {  	_ =	shalt  }
0x7f: {  	_ =	shalt  }
0x80: {  	_ =	shalt  }
0x81: {  	_ =	shalt  }
0x82: {  	_ =	shalt  }
0x83: {  	_ =	shalt  }
0x84: {  	_ =	shalt  }
0x85: {  	_ =	shalt  }
0x86: {  	_ =	shalt  }
0x87: {  	_ =	shalt  }
.Lfunc_end0:
.L_simem_size_0:
called_computation.2_lowered:
.L_overlay_start_0:
0x88: {  	s2 =	sld [smem:$0x3FD9]  }
0x89: {  	s3 =	sld [smem:$0x3FFE];
	_ =	sdelay $0x1  }
0x8a: {  	s1 =	srdreg.scid  }
0x8b: {  	s0 =	sand.u32 $0x1, s1  }
0x8c: {  	s17 =	sshll.u32 s0, $0xA;
	s2 =	sadd.s32 s3, s2  }
0x8d: {  	s2 =	sadd.s32 s2, s17  }
0x8e: {  	[smem:$0x3FBD] =	sst s2  }
0x8f: {  	_ = 	snop  }
0x90: {  	s2 =	sld [smem:$0x3FD0];
	(tm) =	ssettm $0x1  }
0x91: {  	s18 =	sld [smem:$0x3FFB];
	_ =	sdelay $0x3  }
0x92: {  	_ =	strace s18  }
0x93: {  	s3 =	sld [smem:$0x3FFC];
	_ =	sdelay $0x3  }
0x94: {  	_ =	strace s3  }
0x95: {  	s3 =	sld [smem:$0x3FFD];
	_ =	sdelay $0x3  }
0x96: {  	_ =	strace s3  }
0x97: {  	_ =	strace $0x8FFFFFFF  }
0x98: {  	s19 =	sld [smem:$0x3FDB];
	_ =	sdelay $0x1  }
0x99: {  	s4 =	simm.s32 $_scs_section_size  }
0x9a: {  	s5 =	simm.s32 $_size__tile_overlayer_lowered;
	s6 =	simm.s32 $_tile_overlayer_lowered  }
0x9b: {  	s22 =	simm.s32 $0x1BFF;
	s21 =	sshll.u32 s6, $0x1;
	s3 =	sadd.s32 s4, s19  }
0x9c: {  	s7 =	simm.s32 $0x0;
	s20 =	sshll.u32 s5, $0x1;
	s5 =	sadd.s32 s21, s3  }
0x9d: {  	[timem:s7], [sflag:s22] =	dma.local [hbm:s5], s20  }
0x9e: {  	_ =	swait.ge [sflag:s22], s20  }
0x9f: {  	s4 =	ssub.s32 $0x0, s20;
	[sflag:s22] =	ssyncset.done $0x0  }
0xa0: {  	[sflag:s22] =	ssyncadd.s32 s4;
	_ =	sdelay $0x1  }
0xa1: {  	s23 =	simm.s32 $0x1B8B  }
0xa2: {  	_ =	swait.ge [sflag:s23], $0x1  }
0xa3: {  	[sflag:s23] =	ssyncset.done $0x0  }
0xa4: {  	s25 =	simm.s32 $0x1B8E;
	s24 =	sld [smem:$0x3FFE];
	[sflag:s23] =	ssyncadd.s32 $0xFFFFFFFF  }
0xa5: {  	s26 =	simm.s32 $execute0_lowered;
	[smem:$0x3FD2] =	sst s25  }
0xa6: {  	s5 =	sshll.u32 s26, $0x1;
	_ =	strace $0x8000004C;
	[dreg:$0x1] =	wrdreg $0xFFFFFFFF  }
0xa7: {  	s28 =	simm.s32 $_size_execute0_lowered;
	s3 =	sadd.s32 s3, s5;
	[dreg:$0x0] =	wrdreg $0x0  }
0xa8: {  	s5 =	sshll.u32 s28, $0x1;
	[dreg:$0x2] =	wrdreg s3  }
0xa9: {  	[dreg:$0x3] =	wrdreg s5  }
0xaa: {  	[dreg:$0x4] =	wrdreg $0xC0  }
0xab: {  	_ =	task [dreg:s7], $0x5FFFF  }
0xac: {  	[dreg:$0x1] =	wrdreg $0xFFFFFFFF  }
0xad: {  	[dreg:$0x0] =	wrdreg $0x60  }
0xae: {  	[dreg:$0x2] =	wrdreg s24  }
0xaf: {  	[dreg:$0x3] =	wrdreg s2  }
0xb0: {  	[dreg:$0x4] =	wrdreg $0x9  }
0xb1: {  	_ =	task.clear_ibuf [dreg:s7], $0x5FFFF;
	_ =	strace $0x9000004C  }
0xb2: {  	s29 =	simm.s32 $0x9;
	_ =	strace $0x8000004E  }
0xb3: {  	_ =	swait.ge [sflag:s29], $0x1  }
0xb4: {  	[sflag:s29] =	ssyncadd.s32 $0xFFFFFFFF  }
0xb5: {  	_ =	strace $0x9000004E  }
0xb6: {  	_ =	sfence  }
0xb7: {  	s30 =	sld [smem:$0x0];
	_ =	sdelay $0x2  }
0xb8: {  	s31 =	sshll.u32 s1, $0xD;
	s1 =	sshrl.u32 s1, $0x2  }
0xb9: {  	s3 =	sand.u32 $0x4000, s31;
	s1 =	sadd.s32 s1, s30  }
0xba: {  	s0 =	sor.u32 s3, s0;
	s1 =	sshll.u32 s1, $0x11  }
0xbb: {  	s0 =	sor.u32 s1, s0  }
0xbc: {  	s0 =	sadd.s32 $0x8F2B, s0  }
0xbd: {  	[sflag:s0] =	ssyncadd.remote.s32 $0x1  }
0xbe: {  	_ =	sfence.sel $0xFFFF  }
0xbf: {  	[dreg:$0x0] =	wrdreg $0xFFFFFFFF;
	(pc) =	sbr.abs _section_cstart, $3  }
0xc0: {  	[dreg:$0x1] =	wrdreg $0xFFFFFFFF  }
0xc1: {  	_ =	task.clear_ibuf [dreg:s7], $0x2FFFF;
	_ =	strace $0x9FFFFFFF  }
0xc2: {  	(tm) =	ssettm $0x7FFFFFFF  }
0xc3: {  	_ =	shalt  }
tec
execute0_lowered:
.L_overlay_start_1:
0x0: {  	(tag) =	ssettag $0x1  }
0x1: {  	s0 =	rddreg [dreg:$0x0]  }
0x2: {  	s1 =	rddreg [dreg:$0x1]  }
0x3: {  	s2 =	simm.s32 $0x0;
	s3 =	srdreg.scid;
	s5 =	stileid.u32  }
0x4: {  	s28 =	simm.s32 $0x14200;
	s29 =	simm.s32 $0x15200;
	s30 =	simm.s32 $0x15A00  }
0x5: {  	s31 =	simm.s32 $0x16200;
	[smem:$0x7FF] =	sst s2;
	s4 =	sand.u32 $0x1, s3  }
0x6: {  	s5 =	sshll.u32 s5, $0x1;
	s6 =	sadd.s32 $0xA3A00, s0;
	s3 =	sadd.s32 $0x3A00, s0  }
0x7: {  	s7 =	sadd.s32 $0x3800, s0;
	s5 =	sor.u32 s4, s5;
	s4 =	ssub.s32 $0x2, s4  }
0x8: {  	_ =	strace $0x8000004D;
	s8 =	sshll.u32 s5, $0x6;
	s9 =	sshrl.u32 s4, $0x1  }
0x9: {  	s10 =	sshll.u32 s5, $0x4;
	s5 =	sshll.u32 s5, $0xD;
	s11 =	sor.u32 $0x10, s8  }
0xa: {  	s4 =	ssub.s32 s4, s9;
	s15 =	sadd.s32 s7, s10;
	s12 =	sor.u32 $0x20, s8  }
0xb: {  	s8 =	sor.u32 $0x30, s8;
	s19 =	sadd.s32 s6, s5;
	s10 =	sadd.s32 $0x3C00, s0  }
0xc: {  	s5 =	sadd.s32 s1, s5;
	[dreg:$0x3] =	wrdreg s15;
	s16 =	sshrl.u32 s11, $0x2  }
0xd: {  	s17 =	sshrl.u32 s12, $0x2;
	s18 =	sshrl.u32 s8, $0x2;
	[dreg:$0x7] =	wrdreg s19  }
0xe: {  	s20 =	sshll.u32 s11, $0x7;
	s11 =	sadd.s32 $0x3D00, s0;
	s22 =	sshll.u32 s12, $0x7  }
0xf: {  	[dreg:$0x9] =	wrdreg s5;
	s24 =	sshll.u32 s8, $0x7;
	s26 =	smax.u32 s4, $0x1  }
0x10: {  	s12 =	simm.s32 $0x4200;
	s9 =	sadd.s32 s7, s16;
	[dreg:$0xf] =	wrdreg s26  }
0x11: {  	s19 =	simm.s32 $0x14A00;
	s21 =	sadd.s32 s6, s20;
	[dreg:$0x4] =	wrdreg s9  }
0x12: {  	s23 =	sadd.s32 s6, s22;
	s6 =	sadd.s32 s6, s24;
	[dreg:$0x8] =	wrdreg s21  }
0x13: {  	s25 =	sadd.s32 s1, s24;
	s24 =	simm.s32 $0x200;
	[dreg:$0xa] =	wrdreg s23  }
0x14: {  	s26 =	simm.s32 $0x13200;
	s9 =	sadd.s32 s7, s17;
	[dreg:$0xc] =	wrdreg s6  }
0x15: {  	s7 =	sadd.s32 s7, s18;
	[dreg:$0xe] =	wrdreg s25;
	s23 =	simm.s32 $0x2  }
0x16: {  	s25 =	simm.s32 $0x8200;
	s17 =	simm.s32 $0x12A00;
	[dreg:$0x5] =	wrdreg s9  }
0x17: {  	s18 =	simm.s32 $0x13A00;
	s21 =	simm.s32 $0x1;
	[dreg:$0x6] =	wrdreg s7  }
0x18: {  	v2 =	vlaneseq.u32;
	s9 =	sadd.s32 $0x3B00, s0;
	s7 =	sadd.s32 s1, s20;
	s0 =	sadd.s32 s1, s22  }
0x19: {  	vm0 =	vmmov $0xffff;
	v1 =	vshrl.u32 v2, $0x3;
	s1 =	simm.s32 $0x17200;
	s20 =	simm.s32 $0x17A00;
	[dreg:$0xb] =	wrdreg s7  }
0x1a: {  	v0 =	vand.u32 $0x7, v2;
	v2 =	vor.u32 $0x8, v2;
	v1 =	vmul.u32 $0x8, v1;
	s22 =	simm.s32 $0x0;
	[dreg:$0xd] =	wrdreg s0;
	s0 =	simm.s32 $0x16A00  }
.LBB2_1:
0x1b: {  	s4 =	rddreg [dreg:$0x3]  }
0x1c: {  	[tilespmem:s2], [sflag:$0x2] =	stream.linear.gather [hbm4b:s4+s2], $0x20, $0x38;
	[tilespmem:$0x18200] =	vst v63  }
0x1d: {  	s14 =	rddreg [dreg:$0x4];
	s5 =	simm.s32 $0x80  }
0x1e: {  	[tilespmem:s5], [sflag:$0x2] =	stream.linear.gather [hbm4b:s14+s2], $0x20, $0x38;
	[tilespmem:$0x18200] =	vst v63  }
0x1f: {  	s15 =	rddreg [dreg:$0x5];
	s16 =	simm.s32 $0x100  }
0x20: {  	[tilespmem:s16], [sflag:$0x2] =	stream.linear.gather [hbm4b:s15+s2], $0x20, $0x38;
	[tilespmem:$0x18200] =	vst v63  }
0x21: {  	s6 =	simm.s32 $0x180;
	s5 =	rddreg [dreg:$0x6]  }
0x22: {  	[tilespmem:s6], [sflag:$0x2] =	stream.linear.gather [hbm4b:s5+s2], $0x20, $0x38;
	[tilespmem:$0x18200] =	vst v63  }
0x23: {  	_ =	swait.ge [sflag:s23], $0x20  }
0x24: {  	[sflag:s23] =	ssyncset.done $0x0  }
0x25: {  	[sflag:s23] =	ssyncadd.s32 $0xFFFFFFE0  }
0x26: {  	_ =	swait.ge [sflag:s23], $0x20  }
0x27: {  	[sflag:s23] =	ssyncset.done $0x0  }
0x28: {  	[sflag:s23] =	ssyncadd.s32 $0xFFFFFFE0  }
0x29: {  	_ =	swait.ge [sflag:s23], $0x20  }
0x2a: {  	[sflag:s23] =	ssyncset.done $0x0  }
0x2b: {  	[sflag:s23] =	ssyncadd.s32 $0xFFFFFFE0  }
0x2c: {  	_ =	swait.ge [sflag:s23], $0x20  }
0x2d: {  	[sflag:s23] =	ssyncset.done $0x0  }
0x2e: {  	s7 =	rddreg [dreg:$0x7];
	[sflag:s23] =	ssyncadd.s32 $0xFFFFFFE0  }
0x2f: {  	[tilespmem:s24], [sflag:$0x1] =	stream.linear.gather [hbm4b:s7+s2], $0x4000, $0x38;
	[tilespmem:$0x18200] =	vst v63  }
0x30: {  	v3 =	vld [tilespmem:$0x0];
	_ =	sdelay $0x4  }
0x31: {  	v4 =	vshll.u32 v3, $0x3  }
0x32: {  	v3 =	vand.u32 $0x7, v3;
	v4 =	vand.u32 $0xFFFFFFC0, v4  }
0x33: {  	v3 =	vor.u32 v3, v4  }
0x34: {  	v4 =	vperm.xlane v3, v0;
	_ =	sdelay $0x1  }
0x35: {  	v4 =	vadd.s32 v1, v4;
	_ =	sdelay $0x4  }
0x36: {  	[tilespmem:s25], [sflag:$0x1] =	stream.indirect_vreg.gather [hbm4b:s3+s2], $0x80, v4, vm0, $0xb8;
	[tilespmem:$0x18200] =	vst v63  }
0x37: {  	s8 =	simm.s32 $0x8A00;
	v3 =	vperm.xlane v3, v2  }
0x38: {  	[tilespmem:s8], [sflag:$0x1] =	stream.indirect_vreg.gather [hbm4b:s9+s2], $0x80, v4, vm0, $0xb8;
	[tilespmem:$0x18200] =	vst v63  }
0x39: {  	s13 =	simm.s32 $0x9200;
	v3 =	vadd.s32 v1, v3  }
0x3a: {  	[tilespmem:s13], [sflag:$0x1] =	stream.indirect_vreg.gather [hbm4b:s10+s2], $0x80, v4, vm0, $0xb8;
	[tilespmem:$0x18200] =	vst v63  }
0x3b: {  	s14 =	simm.s32 $0x9A00  }
0x3c: {  	[tilespmem:s14], [sflag:$0x1] =	stream.indirect_vreg.gather [hbm4b:s11+s2], $0x80, v4, vm0, $0xb8;
	[tilespmem:$0x18200] =	vst v63  }
0x3d: {  	s15 =	simm.s32 $0xA200  }
0x3e: {  	[tilespmem:s15], [sflag:$0x1] =	stream.indirect_vreg.gather [hbm4b:s3+s2], $0x80, v3, vm0, $0xb8;
	[tilespmem:$0x18200] =	vst v63  }
0x3f: {  	s16 =	simm.s32 $0xAA00  }
0x40: {  	[tilespmem:s16], [sflag:$0x1] =	stream.indirect_vreg.gather [hbm4b:s9+s2], $0x80, v3, vm0, $0xb8;
	[tilespmem:$0x18200] =	vst v63  }
0x41: {  	s5 =	simm.s32 $0xB200  }
0x42: {  	[tilespmem:s5], [sflag:$0x1] =	stream.indirect_vreg.gather [hbm4b:s10+s2], $0x80, v3, vm0, $0xb8;
	[tilespmem:$0x18200] =	vst v63  }
0x43: {  	s6 =	simm.s32 $0xBA00  }
0x44: {  	[tilespmem:s6], [sflag:$0x1] =	stream.indirect_vreg.gather [hbm4b:s11+s2], $0x80, v3, vm0, $0xb8;
	[tilespmem:$0x18200] =	vst v63  }
0x45: {  	v3 =	vld [tilespmem:$0x10];
	_ =	sdelay $0x4  }
0x46: {  	v61 =	vshll.u32 v3, $0x3  }
0x47: {  	v3 =	vand.u32 $0x7, v3;
	v4 =	vand.u32 $0xFFFFFFC0, v61  }
0x48: {  	v3 =	vor.u32 v3, v4  }
0x49: {  	v4 =	vperm.xlane v3, v0;
	_ =	sdelay $0x1  }
0x4a: {  	v4 =	vadd.s32 v1, v4;
	_ =	sdelay $0x3  }
0x4b: {  	s7 =	simm.s32 $0xC200  }
0x4c: {  	[tilespmem:s7], [sflag:$0x1] =	stream.indirect_vreg.gather [hbm4b:s3+s2], $0x80, v4, vm0, $0xb8;
	[tilespmem:$0x18200] =	vst v63  }
0x4d: {  	s8 =	simm.s32 $0xCA00;
	v3 =	vperm.xlane v3, v2  }
0x4e: {  	[tilespmem:s8], [sflag:$0x1] =	stream.indirect_vreg.gather [hbm4b:s9+s2], $0x80, v4, vm0, $0xb8;
	[tilespmem:$0x18200] =	vst v63  }
0x4f: {  	s13 =	simm.s32 $0xD200;
	v3 =	vadd.s32 v1, v3  }
0x50: {  	[tilespmem:s13], [sflag:$0x1] =	stream.indirect_vreg.gather [hbm4b:s10+s2], $0x80, v4, vm0, $0xb8;
	[tilespmem:$0x18200] =	vst v63  }
0x51: {  	s14 =	simm.s32 $0xDA00  }
0x52: {  	[tilespmem:s14], [sflag:$0x1] =	stream.indirect_vreg.gather [hbm4b:s11+s2], $0x80, v4, vm0, $0xb8;
	[tilespmem:$0x18200] =	vst v63  }
0x53: {  	s15 =	simm.s32 $0xE200  }
0x54: {  	[tilespmem:s15], [sflag:$0x1] =	stream.indirect_vreg.gather [hbm4b:s3+s2], $0x80, v3, vm0, $0xb8;
	[tilespmem:$0x18200] =	vst v63  }
0x55: {  	s16 =	simm.s32 $0xEA00  }
0x56: {  	[tilespmem:s16], [sflag:$0x1] =	stream.indirect_vreg.gather [hbm4b:s9+s2], $0x80, v3, vm0, $0xb8;
	[tilespmem:$0x18200] =	vst v63  }
0x57: {  	s5 =	simm.s32 $0xF200  }
0x58: {  	[tilespmem:s5], [sflag:$0x1] =	stream.indirect_vreg.gather [hbm4b:s10+s2], $0x80, v3, vm0, $0xb8;
	[tilespmem:$0x18200] =	vst v63  }
0x59: {  	s6 =	simm.s32 $0xFA00  }
0x5a: {  	[tilespmem:s6], [sflag:$0x1] =	stream.indirect_vreg.gather [hbm4b:s11+s2], $0x80, v3, vm0, $0xb8;
	[tilespmem:$0x18200] =	vst v63  }
0x5b: {  	s7 =	rddreg [dreg:$0x8]  }
0x5c: {  	[tilespmem:s12], [sflag:$0x1] =	stream.linear.gather [hbm4b:s7+s2], $0x4000, $0x38;
	[tilespmem:$0x18200] =	vst v63  }
0x5d: {  	v3 =	vld [tilespmem:$0x80];
	_ =	sdelay $0x4  }
0x5e: {  	v62 =	vshll.u32 v3, $0x3  }
0x5f: {  	v3 =	vand.u32 $0x7, v3;
	v4 =	vand.u32 $0xFFFFFFC0, v62  }
0x60: {  	v3 =	vor.u32 v3, v4  }
0x61: {  	v4 =	vperm.xlane v3, v0;
	_ =	sdelay $0x1  }
0x62: {  	v4 =	vadd.s32 v1, v4;
	_ =	sdelay $0x3  }
0x63: {  	s8 =	simm.s32 $0x10200  }
0x64: {  	[tilespmem:s8], [sflag:$0x1] =	stream.indirect_vreg.gather [hbm4b:s3+s2], $0x80, v4, vm0, $0xb8;
	[tilespmem:$0x18200] =	vst v63  }
0x65: {  	s13 =	simm.s32 $0x10A00;
	v3 =	vperm.xlane v3, v2  }
0x66: {  	[tilespmem:s13], [sflag:$0x1] =	stream.indirect_vreg.gather [hbm4b:s9+s2], $0x80, v4, vm0, $0xb8;
	[tilespmem:$0x18200] =	vst v63  }
0x67: {  	s14 =	simm.s32 $0x11200;
	v3 =	vadd.s32 v1, v3  }
0x68: {  	[tilespmem:s14], [sflag:$0x1] =	stream.indirect_vreg.gather [hbm4b:s10+s2], $0x80, v4, vm0, $0xb8;
	[tilespmem:$0x18200] =	vst v63  }
0x69: {  	s15 =	simm.s32 $0x11A00  }
0x6a: {  	[tilespmem:s15], [sflag:$0x1] =	stream.indirect_vreg.gather [hbm4b:s11+s2], $0x80, v4, vm0, $0xb8;
	[tilespmem:$0x18200] =	vst v63  }
0x6b: {  	s16 =	simm.s32 $0x12200  }
0x6c: {  	[tilespmem:s16], [sflag:$0x1] =	stream.indirect_vreg.gather [hbm4b:s3+s2], $0x80, v3, vm0, $0xb8;
	[tilespmem:$0x18200] =	vst v63  }
0x6d: {  	_ = 	snop  }
0x6e: {  	[tilespmem:s17], [sflag:$0x1] =	stream.indirect_vreg.gather [hbm4b:s9+s2], $0x80, v3, vm0, $0xb8;
	[tilespmem:$0x18200] =	vst v63  }
0x6f: {  	_ = 	snop  }
0x70: {  	[tilespmem:s26], [sflag:$0x1] =	stream.indirect_vreg.gather [hbm4b:s10+s2], $0x80, v3, vm0, $0xb8;
	[tilespmem:$0x18200] =	vst v63  }
0x71: {  	_ = 	snop  }
0x72: {  	[tilespmem:s18], [sflag:$0x1] =	stream.indirect_vreg.gather [hbm4b:s11+s2], $0x80, v3, vm0, $0xb8;
	[tilespmem:$0x18200] =	vst v63  }
0x73: {  	v3 =	vld [tilespmem:$0x90];
	_ =	sdelay $0x4  }
0x74: {  	v63 =	vshll.u32 v3, $0x3  }
0x75: {  	v3 =	vand.u32 $0x7, v3;
	v4 =	vand.u32 $0xFFFFFFC0, v63  }
0x76: {  	v3 =	vor.u32 v3, v4  }
0x77: {  	v4 =	vperm.xlane v3, v0;
	_ =	sdelay $0x1  }
0x78: {  	v4 =	vadd.s32 v1, v4;
	_ =	sdelay $0x4  }
0x79: {  	[tilespmem:s28], [sflag:$0x1] =	stream.indirect_vreg.gather [hbm4b:s3+s2], $0x80, v4, vm0, $0xb8;
	[tilespmem:$0x18200] =	vst v63  }
0x7a: {  	v3 =	vperm.xlane v3, v2  }
0x7b: {  	[tilespmem:s19], [sflag:$0x1] =	stream.indirect_vreg.gather [hbm4b:s9+s2], $0x80, v4, vm0, $0xb8;
	[tilespmem:$0x18200] =	vst v63  }
0x7c: {  	v3 =	vadd.s32 v1, v3  }
0x7d: {  	[tilespmem:s29], [sflag:$0x1] =	stream.indirect_vreg.gather [hbm4b:s10+s2], $0x80, v4, vm0, $0xb8;
	[tilespmem:$0x18200] =	vst v63  }
0x7e: {  	_ = 	snop  }
0x7f: {  	[tilespmem:s30], [sflag:$0x1] =	stream.indirect_vreg.gather [hbm4b:s11+s2], $0x80, v4, vm0, $0xb8;
	[tilespmem:$0x18200] =	vst v63  }
0x80: {  	_ = 	snop  }
0x81: {  	[tilespmem:s31], [sflag:$0x1] =	stream.indirect_vreg.gather [hbm4b:s3+s2], $0x80, v3, vm0, $0xb8;
	[tilespmem:$0x18200] =	vst v63  }
0x82: {  	_ = 	snop  }
0x83: {  	[tilespmem:s0], [sflag:$0x1] =	stream.indirect_vreg.gather [hbm4b:s9+s2], $0x80, v3, vm0, $0xb8;
	[tilespmem:$0x18200] =	vst v63  }
0x84: {  	_ = 	snop  }
0x85: {  	[tilespmem:s1], [sflag:$0x1] =	stream.indirect_vreg.gather [hbm4b:s10+s2], $0x80, v3, vm0, $0xb8;
	[tilespmem:$0x18200] =	vst v63  }
0x86: {  	_ = 	snop  }
0x87: {  	[tilespmem:s20], [sflag:$0x1] =	stream.indirect_vreg.gather [hbm4b:s11+s2], $0x80, v3, vm0, $0xb8;
	[tilespmem:$0x18200] =	vst v63  }
0x88: {  	_ =	swait.ge [sflag:s21], $0x4000  }
0x89: {  	[sflag:s21] =	ssyncset.done $0x0  }
0x8a: {  	[sflag:s21] =	ssyncadd.s32 $0xFFFFC000  }
0x8b: {  	_ =	swait.ge [sflag:s21], $0x8000  }
0x8c: {  	[sflag:s21] =	ssyncset.done $0x0  }
0x8d: {  	s4 =	simm.s32 $0x0;
	[sflag:s21] =	ssyncadd.s32 $0xFFFF8000  }
.LBB2_2:
0x8e: {  	s5 =	sshll.u32 s4, $0xA  }
0x8f: {  	s6 =	sshll.u32 s4, $0x8;
	s7 =	sshll.u32 s4, $0xB;
	s8 =	sshll.u32 s4, $0x7  }
0x90: {  	s14 =	simm.s32 $0x0;
	s7 =	sand.u32 $0x6000, s7;
	s6 =	sand.u32 $0x300, s6  }
0x91: {  	s5 =	sand.u32 $0x2000, s5;
	s8 =	sand.u32 $0x380, s8;
	s6 =	sor.u32 s6, s7  }
0x92: {  	s13 =	sand.u32 $0x1C00, s14;
	s8 =	sor.u32 s8, s5;
	s5 =	sadd.s32 $0x8200, s6  }
0x93: {  	s7 =	sand.u32 $0x70, s14;
	s6 =	sadd.s32 $0x200, s8;
	s15 =	sadd.s32 s13, s5  }
0x94: {  	s13 =	sadd.s32 s13, s6;
	s8 =	sadd.s32 s7, s15  }
0x95: {  	s7 =	sadd.s32 s7, s13;
	v3 =	vld [tilespmem:s8+$0x0]  }
0x96: {  	v4 =	vld [tilespmem:s7+$0x0];
	_ =	sdelay $0x1  }
0x97: {  	v5 =	vld [tilespmem:s8+$0x80];
	_ =	sdelay $0x2  }
0x98: {  	v3 =	vadd.f32 v3, v4  }
0x99: {  	s8 =	simm.s32 $0x80  }
0x9a: {  	s16 =	simm.s32 $0x10;
	s15 =	sand.u32 $0x1C00, s8;
	v3 =	vadd.f32 v5, v3  }
0x9b: {  	s14 =	sand.u32 $0x70, s16;
	s13 =	simm.s32 $0x20;
	s16 =	sadd.s32 s15, s5  }
.LBB2_3:
0x9c: {  	p0 =	sne.s32 s13, $0x3F0;
	s15 =	sadd.s32 s15, s6;
	s16 =	sadd.s32 s14, s16;
	[tilespmem:s7+$0x0] =	vst v3  }
0x9d: {  	s7 =	sadd.s32 s14, s15;
	v3 =	vld [tilespmem:s16+$0x0]  }
0x9e: {  	v4 =	vld [tilespmem:s7+$0x0];
	_ =	sdelay $0x1  }
0x9f: {  	v5 =	vld [tilespmem:s16+$0x80];
	_ =	sdelay $0x1  }
.Ltmp0:
0xa0: {  	(pc) =	sbr.rel @p0 .LBB2_3-.Ltmp0, $4  }
0xa1: {  	v3 =	vadd.f32 v3, v4  }
0xa2: {  	s8 =	sadd.s32 $0x80, s8  }
0xa3: {  	s15 =	sand.u32 $0x1C00, s8;
	v3 =	vadd.f32 v5, v3  }
0xa4: {  	s14 =	sand.u32 $0x70, s13;
	s13 =	sadd.s32 $0x10, s13;
	s16 =	sadd.s32 s15, s5  }
0xa5: {  	s5 =	sadd.s32 s15, s6;
	s16 =	sadd.s32 s14, s16;
	[tilespmem:s7+$0x0] =	vst v3  }
0xa6: {  	s5 =	sadd.s32 s14, s5;
	v3 =	vld [tilespmem:s16+$0x0]  }
0xa7: {  	v4 =	vld [tilespmem:s5+$0x0];
	_ =	sdelay $0x1  }
0xa8: {  	v5 =	vld [tilespmem:s16+$0x80]  }
0xa9: {  	s4 =	sadd.s32 $0x1, s4  }
0xaa: {  	p0 =	sne.s32 s4, $0x10  }
.Ltmp1:
0xab: {  	v3 =	vadd.f32 v3, v4;
	(pc) =	sbr.rel @p0 .LBB2_2-.Ltmp1, $3  }
0xac: {  	_ = 	snop  }
0xad: {  	v3 =	vadd.f32 v5, v3;
	_ =	sdelay $0x1  }
0xae: {  	[tilespmem:s5+$0x0] =	vst v3  }
0xaf: {  	s4 =	simm.s32 $0x0;
	s5 =	rddreg [dreg:$0x9]  }
0xb0: {  	[hbm4b:s5+s4] =	stream.linear.scatter [tilespmem:s24], [sflag:$0x2], $0x4000, $0x38;
	[tilespmem:$0x18200] =	vst v63  }
0xb1: {  	_ =	swait.ge [sflag:s23], $0x4000  }
0xb2: {  	[sflag:s23] =	ssyncset.done $0x0  }
0xb3: {  	s6 =	rddreg [dreg:$0xa];
	[sflag:s23] =	ssyncadd.s32 $0xFFFFC000  }
0xb4: {  	[tilespmem:s24], [sflag:$0x1] =	stream.linear.gather [hbm4b:s6+s4], $0x4000, $0x38;
	[tilespmem:$0x18200] =	vst v63  }
0xb5: {  	v3 =	vld [tilespmem:$0x100];
	_ =	sdelay $0x4  }
0xb6: {  	v4 =	vshll.u32 v3, $0x3  }
0xb7: {  	v3 =	vand.u32 $0x7, v3;
	v4 =	vand.u32 $0xFFFFFFC0, v4  }
0xb8: {  	v3 =	vor.u32 v3, v4  }
0xb9: {  	v4 =	vperm.xlane v3, v0;
	_ =	sdelay $0x1  }
0xba: {  	v4 =	vadd.s32 v1, v4;
	_ =	sdelay $0x4  }
0xbb: {  	[tilespmem:s25], [sflag:$0x1] =	stream.indirect_vreg.gather [hbm4b:s3+s4], $0x80, v4, vm0, $0xb8;
	[tilespmem:$0x18200] =	vst v63  }
0xbc: {  	s7 =	simm.s32 $0x8A00;
	v3 =	vperm.xlane v3, v2  }
0xbd: {  	[tilespmem:s7], [sflag:$0x1] =	stream.indirect_vreg.gather [hbm4b:s9+s4], $0x80, v4, vm0, $0xb8;
	[tilespmem:$0x18200] =	vst v63  }
0xbe: {  	s8 =	simm.s32 $0x9200;
	v3 =	vadd.s32 v1, v3  }
0xbf: {  	[tilespmem:s8], [sflag:$0x1] =	stream.indirect_vreg.gather [hbm4b:s10+s4], $0x80, v4, vm0, $0xb8;
	[tilespmem:$0x18200] =	vst v63  }
0xc0: {  	s13 =	simm.s32 $0x9A00  }
0xc1: {  	[tilespmem:s13], [sflag:$0x1] =	stream.indirect_vreg.gather [hbm4b:s11+s4], $0x80, v4, vm0, $0xb8;
	[tilespmem:$0x18200] =	vst v63  }
0xc2: {  	s14 =	simm.s32 $0xA200  }
0xc3: {  	[tilespmem:s14], [sflag:$0x1] =	stream.indirect_vreg.gather [hbm4b:s3+s4], $0x80, v3, vm0, $0xb8;
	[tilespmem:$0x18200] =	vst v63  }
0xc4: {  	s15 =	simm.s32 $0xAA00  }
0xc5: {  	[tilespmem:s15], [sflag:$0x1] =	stream.indirect_vreg.gather [hbm4b:s9+s4], $0x80, v3, vm0, $0xb8;
	[tilespmem:$0x18200] =	vst v63  }
0xc6: {  	s16 =	simm.s32 $0xB200  }
0xc7: {  	[tilespmem:s16], [sflag:$0x1] =	stream.indirect_vreg.gather [hbm4b:s10+s4], $0x80, v3, vm0, $0xb8;
	[tilespmem:$0x18200] =	vst v63  }
0xc8: {  	s25 =	simm.s32 $0xBA00  }
0xc9: {  	[tilespmem:s25], [sflag:$0x1] =	stream.indirect_vreg.gather [hbm4b:s11+s4], $0x80, v3, vm0, $0xb8;
	[tilespmem:$0x18200] =	vst v63  }
0xca: {  	v3 =	vld [tilespmem:$0x110];
	_ =	sdelay $0x4  }
0xcb: {  	v63 =	vshll.u32 v3, $0x3  }
0xcc: {  	v3 =	vand.u32 $0x7, v3;
	v4 =	vand.u32 $0xFFFFFFC0, v63  }
0xcd: {  	v3 =	vor.u32 v3, v4  }
0xce: {  	v4 =	vperm.xlane v3, v0;
	_ =	sdelay $0x1  }
0xcf: {  	v4 =	vadd.s32 v1, v4;
	_ =	sdelay $0x3  }
0xd0: {  	s6 =	simm.s32 $0xC200  }
0xd1: {  	[tilespmem:s6], [sflag:$0x1] =	stream.indirect_vreg.gather [hbm4b:s3+s4], $0x80, v4, vm0, $0xb8;
	[tilespmem:$0x18200] =	vst v63  }
0xd2: {  	s7 =	simm.s32 $0xCA00;
	v3 =	vperm.xlane v3, v2  }
0xd3: {  	[tilespmem:s7], [sflag:$0x1] =	stream.indirect_vreg.gather [hbm4b:s9+s4], $0x80, v4, vm0, $0xb8;
	[tilespmem:$0x18200] =	vst v63  }
0xd4: {  	s8 =	simm.s32 $0xD200;
	v3 =	vadd.s32 v1, v3  }
0xd5: {  	[tilespmem:s8], [sflag:$0x1] =	stream.indirect_vreg.gather [hbm4b:s10+s4], $0x80, v4, vm0, $0xb8;
	[tilespmem:$0x18200] =	vst v63  }
0xd6: {  	s13 =	simm.s32 $0xDA00  }
0xd7: {  	[tilespmem:s13], [sflag:$0x1] =	stream.indirect_vreg.gather [hbm4b:s11+s4], $0x80, v4, vm0, $0xb8;
	[tilespmem:$0x18200] =	vst v63  }
0xd8: {  	s14 =	simm.s32 $0xE200  }
0xd9: {  	[tilespmem:s14], [sflag:$0x1] =	stream.indirect_vreg.gather [hbm4b:s3+s4], $0x80, v3, vm0, $0xb8;
	[tilespmem:$0x18200] =	vst v63  }
0xda: {  	s15 =	simm.s32 $0xEA00  }
0xdb: {  	[tilespmem:s15], [sflag:$0x1] =	stream.indirect_vreg.gather [hbm4b:s9+s4], $0x80, v3, vm0, $0xb8;
	[tilespmem:$0x18200] =	vst v63  }
0xdc: {  	s16 =	simm.s32 $0xF200  }
0xdd: {  	[tilespmem:s16], [sflag:$0x1] =	stream.indirect_vreg.gather [hbm4b:s10+s4], $0x80, v3, vm0, $0xb8;
	[tilespmem:$0x18200] =	vst v63  }
0xde: {  	s25 =	simm.s32 $0xFA00  }
0xdf: {  	[tilespmem:s25], [sflag:$0x1] =	stream.indirect_vreg.gather [hbm4b:s11+s4], $0x80, v3, vm0, $0xb8;
	[tilespmem:$0x18200] =	vst v63  }
0xe0: {  	_ =	swait.ge [sflag:s21], $0x4000  }
0xe1: {  	[sflag:s21] =	ssyncset.done $0x0  }
0xe2: {  	[sflag:s21] =	ssyncadd.s32 $0xFFFFC000  }
0xe3: {  	_ =	swait.ge [sflag:s21], $0x8000  }
0xe4: {  	[sflag:s21] =	ssyncset.done $0x0  }
0xe5: {  	s5 =	simm.s32 $0x0;
	[sflag:s21] =	ssyncadd.s32 $0xFFFF8000  }
.LBB2_6:
0xe6: {  	s6 =	sshll.u32 s5, $0xA;
	s7 =	sshll.u32 s5, $0x8;
	s8 =	sshll.u32 s5, $0xB  }
0xe7: {  	s13 =	sshll.u32 s5, $0x7;
	s8 =	sand.u32 $0x6000, s8;
	s7 =	sand.u32 $0x300, s7  }
0xe8: {  	s6 =	sand.u32 $0x2000, s6;
	s13 =	sand.u32 $0x380, s13;
	s7 =	sor.u32 s7, s8  }
0xe9: {  	s15 =	sand.u32 $0x1C00, s4;
	s14 =	sor.u32 s13, s6;
	s6 =	sadd.s32 $0x10200, s7  }
0xea: {  	s16 =	sand.u32 $0x70, s4;
	s7 =	sadd.s32 $0x4200, s14;
	s14 =	sadd.s32 s15, s6  }
0xeb: {  	s13 =	sadd.s32 s15, s7;
	s14 =	sadd.s32 s16, s14  }
0xec: {  	s8 =	sadd.s32 s16, s13;
	v3 =	vld [tilespmem:s14+$0x0]  }
0xed: {  	v4 =	vld [tilespmem:s8+$0x0];
	_ =	sdelay $0x1  }
0xee: {  	v5 =	vld [tilespmem:s14+$0x80];
	_ =	sdelay $0x2  }
0xef: {  	v3 =	vadd.f32 v3, v4  }
0xf0: {  	s13 =	simm.s32 $0x80  }
0xf1: {  	s25 =	simm.s32 $0x10;
	s16 =	sand.u32 $0x1C00, s13;
	v3 =	vadd.f32 v5, v3  }
0xf2: {  	s15 =	sand.u32 $0x70, s25;
	s14 =	simm.s32 $0x20;
	s25 =	sadd.s32 s16, s6  }
.LBB2_7:
0xf3: {  	p0 =	sne.s32 s14, $0x3F0;
	s16 =	sadd.s32 s16, s7;
	s25 =	sadd.s32 s15, s25;
	[tilespmem:s8+$0x0] =	vst v3  }
0xf4: {  	s8 =	sadd.s32 s15, s16;
	v3 =	vld [tilespmem:s25+$0x0]  }
0xf5: {  	v4 =	vld [tilespmem:s8+$0x0];
	_ =	sdelay $0x1  }
0xf6: {  	v5 =	vld [tilespmem:s25+$0x80];
	_ =	sdelay $0x1  }
.Ltmp2:
0xf7: {  	(pc) =	sbr.rel @p0 .LBB2_7-.Ltmp2, $4  }
0xf8: {  	v3 =	vadd.f32 v3, v4  }
0xf9: {  	s13 =	sadd.s32 $0x80, s13  }
0xfa: {  	s16 =	sand.u32 $0x1C00, s13;
	v3 =	vadd.f32 v5, v3  }
0xfb: {  	s15 =	sand.u32 $0x70, s14;
	s14 =	sadd.s32 $0x10, s14;
	s25 =	sadd.s32 s16, s6  }
0xfc: {  	s6 =	sadd.s32 s16, s7;
	s25 =	sadd.s32 s15, s25;
	[tilespmem:s8+$0x0] =	vst v3  }
0xfd: {  	s6 =	sadd.s32 s15, s6;
	v3 =	vld [tilespmem:s25+$0x0]  }
0xfe: {  	v4 =	vld [tilespmem:s6+$0x0];
	_ =	sdelay $0x1  }
0xff: {  	v5 =	vld [tilespmem:s25+$0x80]  }
0x100: {  	s5 =	sadd.s32 $0x1, s5  }
0x101: {  	p0 =	sne.s32 s5, $0x10  }
.Ltmp3:
0x102: {  	v3 =	vadd.f32 v3, v4;
	(pc) =	sbr.rel @p0 .LBB2_6-.Ltmp3, $3  }
0x103: {  	_ = 	snop  }
0x104: {  	v3 =	vadd.f32 v5, v3;
	_ =	sdelay $0x1  }
0x105: {  	[tilespmem:s6+$0x0] =	vst v3  }
0x106: {  	s4 =	simm.s32 $0x0;
	s5 =	rddreg [dreg:$0xb]  }
0x107: {  	[hbm4b:s5+s4] =	stream.linear.scatter [tilespmem:s12], [sflag:$0x2], $0x4000, $0x38;
	[tilespmem:$0x18200] =	vst v63  }
0x108: {  	_ =	swait.ge [sflag:s23], $0x4000  }
0x109: {  	[sflag:s23] =	ssyncset.done $0x0  }
0x10a: {  	s8 =	rddreg [dreg:$0xc];
	[sflag:s23] =	ssyncadd.s32 $0xFFFFC000  }
0x10b: {  	[tilespmem:s12], [sflag:$0x1] =	stream.linear.gather [hbm4b:s8+s4], $0x4000, $0x38;
	[tilespmem:$0x18200] =	vst v63  }
0x10c: {  	v3 =	vld [tilespmem:$0x180];
	_ =	sdelay $0x4  }
0x10d: {  	v4 =	vshll.u32 v3, $0x3  }
0x10e: {  	v3 =	vand.u32 $0x7, v3;
	v4 =	vand.u32 $0xFFFFFFC0, v4  }
0x10f: {  	v3 =	vor.u32 v3, v4  }
0x110: {  	v4 =	vperm.xlane v3, v0;
	_ =	sdelay $0x1  }
0x111: {  	v4 =	vadd.s32 v1, v4;
	_ =	sdelay $0x3  }
0x112: {  	s13 =	simm.s32 $0x10200  }
0x113: {  	[tilespmem:s13], [sflag:$0x1] =	stream.indirect_vreg.gather [hbm4b:s3+s4], $0x80, v4, vm0, $0xb8;
	[tilespmem:$0x18200] =	vst v63  }
0x114: {  	s14 =	simm.s32 $0x10A00;
	v3 =	vperm.xlane v3, v2  }
0x115: {  	[tilespmem:s14], [sflag:$0x1] =	stream.indirect_vreg.gather [hbm4b:s9+s4], $0x80, v4, vm0, $0xb8;
	[tilespmem:$0x18200] =	vst v63  }
0x116: {  	s15 =	simm.s32 $0x11200;
	v3 =	vadd.s32 v1, v3  }
0x117: {  	[tilespmem:s15], [sflag:$0x1] =	stream.indirect_vreg.gather [hbm4b:s10+s4], $0x80, v4, vm0, $0xb8;
	[tilespmem:$0x18200] =	vst v63  }
0x118: {  	s16 =	simm.s32 $0x11A00  }
0x119: {  	[tilespmem:s16], [sflag:$0x1] =	stream.indirect_vreg.gather [hbm4b:s11+s4], $0x80, v4, vm0, $0xb8;
	[tilespmem:$0x18200] =	vst v63  }
0x11a: {  	s25 =	simm.s32 $0x12200  }
0x11b: {  	[tilespmem:s25], [sflag:$0x1] =	stream.indirect_vreg.gather [hbm4b:s3+s4], $0x80, v3, vm0, $0xb8;
	[tilespmem:$0x18200] =	vst v63  }
0x11c: {  	_ = 	snop  }
0x11d: {  	[tilespmem:s17], [sflag:$0x1] =	stream.indirect_vreg.gather [hbm4b:s9+s4], $0x80, v3, vm0, $0xb8;
	[tilespmem:$0x18200] =	vst v63  }
0x11e: {  	_ = 	snop  }
0x11f: {  	[tilespmem:s26], [sflag:$0x1] =	stream.indirect_vreg.gather [hbm4b:s10+s4], $0x80, v3, vm0, $0xb8;
	[tilespmem:$0x18200] =	vst v63  }
0x120: {  	_ = 	snop  }
0x121: {  	[tilespmem:s18], [sflag:$0x1] =	stream.indirect_vreg.gather [hbm4b:s11+s4], $0x80, v3, vm0, $0xb8;
	[tilespmem:$0x18200] =	vst v63  }
0x122: {  	v3 =	vld [tilespmem:$0x190];
	_ =	sdelay $0x4  }
0x123: {  	v63 =	vshll.u32 v3, $0x3  }
0x124: {  	v3 =	vand.u32 $0x7, v3;
	v4 =	vand.u32 $0xFFFFFFC0, v63  }
0x125: {  	v3 =	vor.u32 v3, v4  }
0x126: {  	v4 =	vperm.xlane v3, v0;
	_ =	sdelay $0x1  }
0x127: {  	v4 =	vadd.s32 v1, v4;
	_ =	sdelay $0x4  }
0x128: {  	[tilespmem:s28], [sflag:$0x1] =	stream.indirect_vreg.gather [hbm4b:s3+s4], $0x80, v4, vm0, $0xb8;
	[tilespmem:$0x18200] =	vst v63  }
0x129: {  	v3 =	vperm.xlane v3, v2  }
0x12a: {  	[tilespmem:s19], [sflag:$0x1] =	stream.indirect_vreg.gather [hbm4b:s9+s4], $0x80, v4, vm0, $0xb8;
	[tilespmem:$0x18200] =	vst v63  }
0x12b: {  	v3 =	vadd.s32 v1, v3  }
0x12c: {  	[tilespmem:s29], [sflag:$0x1] =	stream.indirect_vreg.gather [hbm4b:s10+s4], $0x80, v4, vm0, $0xb8;
	[tilespmem:$0x18200] =	vst v63  }
0x12d: {  	_ = 	snop  }
0x12e: {  	[tilespmem:s30], [sflag:$0x1] =	stream.indirect_vreg.gather [hbm4b:s11+s4], $0x80, v4, vm0, $0xb8;
	[tilespmem:$0x18200] =	vst v63  }
0x12f: {  	_ = 	snop  }
0x130: {  	[tilespmem:s31], [sflag:$0x1] =	stream.indirect_vreg.gather [hbm4b:s3+s4], $0x80, v3, vm0, $0xb8;
	[tilespmem:$0x18200] =	vst v63  }
0x131: {  	_ = 	snop  }
0x132: {  	[tilespmem:s0], [sflag:$0x1] =	stream.indirect_vreg.gather [hbm4b:s9+s4], $0x80, v3, vm0, $0xb8;
	[tilespmem:$0x18200] =	vst v63  }
0x133: {  	_ = 	snop  }
0x134: {  	[tilespmem:s1], [sflag:$0x1] =	stream.indirect_vreg.gather [hbm4b:s10+s4], $0x80, v3, vm0, $0xb8;
	[tilespmem:$0x18200] =	vst v63  }
0x135: {  	_ = 	snop  }
0x136: {  	[tilespmem:s20], [sflag:$0x1] =	stream.indirect_vreg.gather [hbm4b:s11+s4], $0x80, v3, vm0, $0xb8;
	[tilespmem:$0x18200] =	vst v63  }
0x137: {  	_ =	swait.ge [sflag:s21], $0x4000  }
0x138: {  	[sflag:s21] =	ssyncset.done $0x0  }
0x139: {  	[sflag:s21] =	ssyncadd.s32 $0xFFFFC000  }
0x13a: {  	_ =	swait.ge [sflag:s21], $0x8000  }
0x13b: {  	[sflag:s21] =	ssyncset.done $0x0  }
0x13c: {  	s5 =	simm.s32 $0x0;
	[sflag:s21] =	ssyncadd.s32 $0xFFFF8000  }
.LBB2_10:
0x13d: {  	s6 =	sshll.u32 s5, $0xA;
	s7 =	sshll.u32 s5, $0x8;
	s8 =	sshll.u32 s5, $0xB  }
0x13e: {  	s13 =	sshll.u32 s5, $0x7;
	s8 =	sand.u32 $0x6000, s8;
	s7 =	sand.u32 $0x300, s7  }
0x13f: {  	s6 =	sand.u32 $0x2000, s6;
	s13 =	sand.u32 $0x380, s13;
	s7 =	sor.u32 s7, s8  }
0x140: {  	s15 =	sand.u32 $0x1C00, s4;
	s14 =	sor.u32 s13, s6;
	s6 =	sadd.s32 $0x8200, s7  }
0x141: {  	s16 =	sand.u32 $0x70, s4;
	s7 =	sadd.s32 $0x200, s14;
	s14 =	sadd.s32 s15, s6  }
0x142: {  	s13 =	sadd.s32 s15, s7;
	s14 =	sadd.s32 s16, s14  }
0x143: {  	s8 =	sadd.s32 s16, s13;
	v3 =	vld [tilespmem:s14+$0x0]  }
0x144: {  	v4 =	vld [tilespmem:s8+$0x0];
	_ =	sdelay $0x1  }
0x145: {  	v5 =	vld [tilespmem:s14+$0x80];
	_ =	sdelay $0x2  }
0x146: {  	v3 =	vadd.f32 v3, v4  }
0x147: {  	s13 =	simm.s32 $0x80  }
0x148: {  	s25 =	simm.s32 $0x10;
	s16 =	sand.u32 $0x1C00, s13;
	v3 =	vadd.f32 v5, v3  }
0x149: {  	s15 =	sand.u32 $0x70, s25;
	s14 =	simm.s32 $0x20;
	s25 =	sadd.s32 s16, s6  }
.LBB2_11:
0x14a: {  	p0 =	sne.s32 s14, $0x3F0;
	s16 =	sadd.s32 s16, s7;
	s25 =	sadd.s32 s15, s25;
	[tilespmem:s8+$0x0] =	vst v3  }
0x14b: {  	s8 =	sadd.s32 s15, s16;
	v3 =	vld [tilespmem:s25+$0x0]  }
0x14c: {  	v4 =	vld [tilespmem:s8+$0x0];
	_ =	sdelay $0x1  }
0x14d: {  	v5 =	vld [tilespmem:s25+$0x80];
	_ =	sdelay $0x1  }
.Ltmp4:
0x14e: {  	(pc) =	sbr.rel @p0 .LBB2_11-.Ltmp4, $4  }
0x14f: {  	v3 =	vadd.f32 v3, v4  }
0x150: {  	s13 =	sadd.s32 $0x80, s13  }
0x151: {  	s16 =	sand.u32 $0x1C00, s13;
	v3 =	vadd.f32 v5, v3  }
0x152: {  	s15 =	sand.u32 $0x70, s14;
	s14 =	sadd.s32 $0x10, s14;
	s25 =	sadd.s32 s16, s6  }
0x153: {  	s6 =	sadd.s32 s16, s7;
	s25 =	sadd.s32 s15, s25;
	[tilespmem:s8+$0x0] =	vst v3  }
0x154: {  	s6 =	sadd.s32 s15, s6;
	v3 =	vld [tilespmem:s25+$0x0]  }
0x155: {  	v4 =	vld [tilespmem:s6+$0x0];
	_ =	sdelay $0x1  }
0x156: {  	v5 =	vld [tilespmem:s25+$0x80]  }
0x157: {  	s5 =	sadd.s32 $0x1, s5  }
0x158: {  	p0 =	sne.s32 s5, $0x10  }
.Ltmp5:
0x159: {  	v3 =	vadd.f32 v3, v4;
	(pc) =	sbr.rel @p0 .LBB2_10-.Ltmp5, $3  }
0x15a: {  	_ = 	snop  }
0x15b: {  	v3 =	vadd.f32 v5, v3;
	_ =	sdelay $0x1  }
0x15c: {  	[tilespmem:s6+$0x0] =	vst v3  }
0x15d: {  	s4 =	simm.s32 $0x0;
	s5 =	rddreg [dreg:$0xd]  }
0x15e: {  	[hbm4b:s5+s4] =	stream.linear.scatter [tilespmem:s24], [sflag:$0x2], $0x4000, $0x38;
	[tilespmem:$0x18200] =	vst v63  }
0x15f: {  	_ =	swait.ge [sflag:s21], $0x4000  }
0x160: {  	[sflag:s21] =	ssyncset.done $0x0  }
0x161: {  	[sflag:s21] =	ssyncadd.s32 $0xFFFFC000  }
0x162: {  	_ =	swait.ge [sflag:s21], $0x8000  }
0x163: {  	[sflag:s21] =	ssyncset.done $0x0  }
0x164: {  	s5 =	simm.s32 $0x0;
	[sflag:s21] =	ssyncadd.s32 $0xFFFF8000  }
.LBB2_14:
0x165: {  	s6 =	sshll.u32 s5, $0xA;
	s7 =	sshll.u32 s5, $0x8;
	s8 =	sshll.u32 s5, $0xB  }
0x166: {  	s13 =	sshll.u32 s5, $0x7;
	s8 =	sand.u32 $0x6000, s8;
	s7 =	sand.u32 $0x300, s7  }
0x167: {  	s6 =	sand.u32 $0x2000, s6;
	s13 =	sand.u32 $0x380, s13;
	s7 =	sor.u32 s7, s8  }
0x168: {  	s15 =	sand.u32 $0x1C00, s4;
	s14 =	sor.u32 s13, s6;
	s6 =	sadd.s32 $0x10200, s7  }
0x169: {  	s16 =	sand.u32 $0x70, s4;
	s7 =	sadd.s32 $0x4200, s14;
	s14 =	sadd.s32 s15, s6  }
0x16a: {  	s13 =	sadd.s32 s15, s7;
	s14 =	sadd.s32 s16, s14  }
0x16b: {  	s8 =	sadd.s32 s16, s13;
	v3 =	vld [tilespmem:s14+$0x0]  }
0x16c: {  	v4 =	vld [tilespmem:s8+$0x0];
	_ =	sdelay $0x1  }
0x16d: {  	v5 =	vld [tilespmem:s14+$0x80];
	_ =	sdelay $0x2  }
0x16e: {  	v3 =	vadd.f32 v3, v4  }
0x16f: {  	s13 =	simm.s32 $0x80  }
0x170: {  	s25 =	simm.s32 $0x10;
	s16 =	sand.u32 $0x1C00, s13;
	v3 =	vadd.f32 v5, v3  }
0x171: {  	s15 =	sand.u32 $0x70, s25;
	s14 =	simm.s32 $0x20;
	s25 =	sadd.s32 s16, s6  }
.LBB2_15:
0x172: {  	p0 =	sne.s32 s14, $0x3F0;
	s16 =	sadd.s32 s16, s7;
	s25 =	sadd.s32 s15, s25;
	[tilespmem:s8+$0x0] =	vst v3  }
0x173: {  	s8 =	sadd.s32 s15, s16;
	v3 =	vld [tilespmem:s25+$0x0]  }
0x174: {  	v4 =	vld [tilespmem:s8+$0x0];
	_ =	sdelay $0x1  }
0x175: {  	v5 =	vld [tilespmem:s25+$0x80];
	_ =	sdelay $0x1  }
.Ltmp6:
0x176: {  	(pc) =	sbr.rel @p0 .LBB2_15-.Ltmp6, $4  }
0x177: {  	v3 =	vadd.f32 v3, v4  }
0x178: {  	s13 =	sadd.s32 $0x80, s13  }
0x179: {  	s16 =	sand.u32 $0x1C00, s13;
	v3 =	vadd.f32 v5, v3  }
0x17a: {  	s15 =	sand.u32 $0x70, s14;
	s14 =	sadd.s32 $0x10, s14;
	s25 =	sadd.s32 s16, s6  }
0x17b: {  	s6 =	sadd.s32 s16, s7;
	s25 =	sadd.s32 s15, s25;
	[tilespmem:s8+$0x0] =	vst v3  }
0x17c: {  	s6 =	sadd.s32 s15, s6;
	v3 =	vld [tilespmem:s25+$0x0]  }
0x17d: {  	v4 =	vld [tilespmem:s6+$0x0];
	_ =	sdelay $0x1  }
0x17e: {  	v5 =	vld [tilespmem:s25+$0x80]  }
0x17f: {  	s5 =	sadd.s32 $0x1, s5  }
0x180: {  	p0 =	sne.s32 s5, $0x10  }
.Ltmp7:
0x181: {  	v3 =	vadd.f32 v3, v4;
	(pc) =	sbr.rel @p0 .LBB2_14-.Ltmp7, $3  }
0x182: {  	_ = 	snop  }
0x183: {  	v3 =	vadd.f32 v5, v3;
	_ =	sdelay $0x1  }
0x184: {  	[tilespmem:s6+$0x0] =	vst v3  }
0x185: {  	s4 =	rddreg [dreg:$0xe]  }
0x186: {  	[hbm4b:s4+s2] =	stream.linear.scatter [tilespmem:s12], [sflag:$0x2], $0x4000, $0x38;
	[tilespmem:$0x18200] =	vst v63  }
0x187: {  	_ =	swait.ge [sflag:s23], $0x4000  }
0x188: {  	[sflag:s23] =	ssyncset.done $0x0  }
0x189: {  	[sflag:s23] =	ssyncadd.s32 $0xFFFFC000  }
0x18a: {  	_ =	swait.ge [sflag:s23], $0x4000  }
0x18b: {  	s22 =	sadd.s32 $0x1, s22;
	s25 =	rddreg [dreg:$0xf]  }
0x18c: {  	p0 =	sne.s32 s22, s25  }
.Ltmp8:
0x18d: {  	_ = 	snop;
	(pc) =	sbr.rel @p0 .LBB2_1-.Ltmp8, $3  }
0x18e: {  	_ =	sdelay $0x1  }
0x18f: {  	[sflag:s23] =	ssyncset.done $0x0  }
0x190: {  	[sflag:s23] =	ssyncadd.s32 $0xFFFFC000;
	s25 =	simm.s32 $0x8200  }
0x191: {  	_ =	sfence.sel $0x180000  }
0x192: {  	[bflag:$0x0] =	sbarrier.arrive $0xFFFF  }
0x193: {  	_ =	strace $0x9000004D  }
0x194: {  	s0 =	stileid.u32;
	[bflag:$0x2] =	sbarrier.arrive $0xFFFF  }
0x195: {  	p0 =	sne.s32 s0, $0x0;
	s0 =	rddreg [dreg:$0x2]  }
0x196: {  	s0 =	sadd.s32 @!p0 $0x100000, s0  }
0x197: {  	[sflag:s0] =	ssyncadd.tile.s32 @!p0 $0x1;
	_ =	shalt  }
.Lfunc_end2:
_tile_overlayer_lowered:
.L_overlay_start_2:
0x198: {  	(tag) =	ssettag $0x2  }
0x199: {  	s0 =	rddreg [dreg:$0x0];
	s2 =	stileid.u32  }
0x19a: {  	s1 =	rddreg [dreg:$0x1];
	p0 =	sne.s32 s2, $0x0  }
0x19b: {  	s3 =	rddreg [dreg:$0x2];
	[bflag:$0x3] =	sbarrier.arrive $0xFFFF;
	s2 =	simm.s32 @!p0 $0x1C03  }
0x19c: {  	[timem:s3], [sflag:s2] =	dma.local @!p0 [hbm:s0], s1  }
0x19d: {  	s0 =	simm.s32 @!p0 $0x3  }
0x19e: {  	_ =	swait.ge @!p0 [sflag:s0], s1  }
0x19f: {  	s1 =	ssub.s32 @!p0 $0x0, s1;
	[sflag:s0] =	ssyncset.done @!p0 $0x0  }
0x1a0: {  	[sflag:s0] =	ssyncadd.s32 @!p0 s1  }
0x1a1: {  	[bflag:$0x3] =	sbarrier.arrive $0xFFFF  }
0x1a2: {  	_ =	shalt  }

// kernel: kernel.8.cloned.1.call-start
scs
__scs_entry_jumppad:
0x0: {  	(pc) =	sbr.rel $0x88, $3  }
0x1: {  	(tag) =	ssettag $0x0;
	lr =	simm.s32 $0x1  }
0x2: {  	[smem:$0x3F96] =	sst lr;
	_ =	strace $0xD0000000  }
0x3: {  	_ = 	snop  }
0x4: {  	_ = 	snop  }
0x5: {  	_ = 	snop  }
0x6: {  	_ = 	snop  }
0x7: {  	_ = 	snop  }
__scs_overlays_trampoline_lowered:
0x8: {  	[smem:$0x3FA5] =	sst s0  }
0x9: {  	[smem:$0x3FA6] =	sst s1  }
0xa: {  	[smem:$0x3FA7] =	sst s2  }
0xb: {  	[smem:$0x3FA8] =	sst s3  }
0xc: {  	[smem:$0x3FA9] =	sst s4  }
0xd: {  	[smem:$0x3FAA] =	sst s5  }
0xe: {  	[smem:$0x3FAB] =	sst s6  }
0xf: {  	[smem:$0x3FAC] =	sst s7  }
0x10: {  	[smem:$0x3FAD] =	sst s8  }
0x11: {  	[smem:$0x3FAE] =	sst s9;
	s0 =	simm.s32 @!p0 $0x0  }
0x12: {  	s1 =	sld [smem:$0x3F94];
	s0 =	simm.s32 @p0 $0x1  }
0x13: {  	[smem:$0x3FAF] =	sst s0;
	s0 =	simm.s32 @!p1 $0x0  }
0x14: {  	s2 =	sld [smem:$0x3F93];
	s0 =	simm.s32 @p1 $0x1  }
0x15: {  	[smem:$0x3FB0] =	sst s0;
	s0 =	simm.s32 @!p2 $0x0  }
0x16: {  	s3 =	sld [smem:$0x3FDB];
	s0 =	simm.s32 @p2 $0x1  }
0x17: {  	s4 =	simm.s32 $0x1BF5;
	[smem:$0x3FB2] =	sst s0  }
0x18: {  	s0 =	sld [smem:$0x3F95];
	_ =	swait.ge [sflag:s4], $0x0  }
0x19: {  	s7 =	sld [smem:$0x3F96]  }
0x1a: {  	s8 =	sadd.s32 $0xFFFFE003, lr  }
0x1b: {  	s9 =	sadd.s32 $0xFFFFFEF7, lr;
	s5 =	simm.s32 $0xFFFFFFFF;
	p2 =	slt.u32 s8, $0xFFFFF086  }
0x1c: {  	p1 =	slt.u32 s9, $0xF7A;
	s5 =	simm.s32 @!p2 $0x0  }
0x1d: {  	s5 =	simm.s32 @p1 $0x1;
	p0 =	seq.s32 s7, s2  }
0x1e: {  	s7 =	smul.u32 @!p0 $0xF7A, s2;
	p2 =	seq.s32 @!p0 s5, $0x0  }
0x1f: {  	s9 =	smul.u32 $0xF7A, s1;
	s8 =	simm.s32 @!p0 $0x1BF5;
	p2 =	por !p2, p0  }
0x20: {  	[sflag:s8] =	ssyncset.s32 @!p0 $0xFFFFF086;
	s6 =	sadd.s32 @!p0 s3, s7;
	s7 =	simm.s32 @!p0 $0x108  }
0x21: {  	s3 =	sadd.s32 s3, s9;
	s6 =	sadd.s32 @!p0 $0x88, s6;
	s7 =	simm.s32 @p2 $0x1082  }
0x22: {  	[simem:s7], [sflag:s8] =	dma.local @!p0 [hbm:s6], $0xF7A  }
0x23: {  	s9 =	sor.u32 $0xD0000000, s2;
	s6 =	simm.s32 $0x108;
	_ =	swait.ge @!p0 [sflag:s8], $0x0  }
0x24: {  	s3 =	sadd.s32 $0x88, s3;
	s6 =	simm.s32 @!p1 $0x1082;
	[sflag:s4] =	ssyncset.s32 $0xFFFFF086  }
0x25: {  	[simem:s6], [sflag:s4] =	dma.local [hbm:s3], $0xF7A  }
0x26: {  	[smem:$0x3F96] =	sst s1;
	(tag) =	ssettag s2;
	_ =	strace s9  }
0x27: {  	s1 =	sld [smem:$0x3FA6]  }
0x28: {  	s2 =	sld [smem:$0x3FA7]  }
0x29: {  	s4 =	sld [smem:$0x3FA9]  }
0x2a: {  	p0 =	seq.s32 s5, $0x0;
	s5 =	sld [smem:$0x3FAA]  }
0x2b: {  	s6 =	sld [smem:$0x3FAB]  }
0x2c: {  	s7 =	sld [smem:$0x3FAC]  }
0x2d: {  	s3 =	simm.s32 $0x108;
	s8 =	sld [smem:$0x3FAD]  }
0x2e: {  	s3 =	simm.s32 @!p0 $0x1082;
	s9 =	sld [smem:$0x3FAE]  }
0x2f: {  	lr =	sadd.s32 s0, s3;
	s0 =	sld [smem:$0x3FA5]  }
0x30: {  	s3 =	sld [smem:$0x3FA8]  }
0x31: {  	[smem:$0x3FB1] =	sst s10  }
0x32: {  	s10 =	sld [smem:$0x3FAF];
	_ =	sdelay $0x3  }
0x33: {  	p0 =	seq.s32 s10, $0x1;
	s10 =	sld [smem:$0x3FB1];
	_ =	sdelay $0x3  }
0x34: {  	[smem:$0x3FB1] =	sst s10  }
0x35: {  	s10 =	sld [smem:$0x3FB0];
	_ =	sdelay $0x3  }
0x36: {  	p1 =	seq.s32 s10, $0x1;
	s10 =	sld [smem:$0x3FB1];
	_ =	sdelay $0x3  }
0x37: {  	[smem:$0x3FB1] =	sst s10  }
0x38: {  	s10 =	sld [smem:$0x3FB2]  }
0x39: {  	_ = 	snop;
	(pc) =	sbr.ind lr, $3  }
0x3a: {  	_ = 	snop  }
0x3b: {  	_ = 	snop  }
0x3c: {  	p2 =	seq.s32 s10, $0x1;
	s10 =	sld [smem:$0x3FB1]  }
0x3d: {  	_ =	shalt  }
0x3e: {  	_ =	shalt  }
0x3f: {  	_ =	shalt  }
0x40: {  	_ =	shalt  }
0x41: {  	_ =	shalt  }
0x42: {  	_ =	shalt  }
0x43: {  	_ =	shalt  }
0x44: {  	_ =	shalt  }
0x45: {  	_ =	shalt  }
0x46: {  	_ =	shalt  }
0x47: {  	_ =	shalt  }
0x48: {  	_ =	shalt  }
0x49: {  	_ =	shalt  }
0x4a: {  	_ =	shalt  }
0x4b: {  	_ =	shalt  }
0x4c: {  	_ =	shalt  }
0x4d: {  	_ =	shalt  }
0x4e: {  	_ =	shalt  }
0x4f: {  	_ =	shalt  }
0x50: {  	_ =	shalt  }
0x51: {  	_ =	shalt  }
0x52: {  	_ =	shalt  }
0x53: {  	_ =	shalt  }
0x54: {  	_ =	shalt  }
0x55: {  	_ =	shalt  }
0x56: {  	_ =	shalt  }
0x57: {  	_ =	shalt  }
0x58: {  	_ =	shalt  }
0x59: {  	_ =	shalt  }
0x5a: {  	_ =	shalt  }
0x5b: {  	_ =	shalt  }
0x5c: {  	_ =	shalt  }
0x5d: {  	_ =	shalt  }
0x5e: {  	_ =	shalt  }
0x5f: {  	_ =	shalt  }
0x60: {  	_ =	shalt  }
0x61: {  	_ =	shalt  }
0x62: {  	_ =	shalt  }
0x63: {  	_ =	shalt  }
0x64: {  	_ =	shalt  }
0x65: {  	_ =	shalt  }
0x66: {  	_ =	shalt  }
0x67: {  	_ =	shalt  }
0x68: {  	_ =	shalt  }
0x69: {  	_ =	shalt  }
0x6a: {  	_ =	shalt  }
0x6b: {  	_ =	shalt  }
0x6c: {  	_ =	shalt  }
0x6d: {  	_ =	shalt  }
0x6e: {  	_ =	shalt  }
0x6f: {  	_ =	shalt  }
0x70: {  	_ =	shalt  }
0x71: {  	_ =	shalt  }
0x72: {  	_ =	shalt  }
0x73: {  	_ =	shalt  }
0x74: {  	_ =	shalt  }
0x75: {  	_ =	shalt  }
0x76: {  	_ =	shalt  }
0x77: {  	_ =	shalt  }
0x78: {  	_ =	shalt  }
0x79: {  	_ =	shalt  }
0x7a: {  	_ =	shalt  }
0x7b: {  	_ =	shalt  }
0x7c: {  	_ =	shalt  }
0x7d: {  	_ =	shalt  }
0x7e: {  	_ =	shalt  }
0x7f: {  	_ =	shalt  }
0x80: {  	_ =	shalt  }
0x81: {  	_ =	shalt  }
0x82: {  	_ =	shalt  }
0x83: {  	_ =	shalt  }
0x84: {  	_ =	shalt  }
0x85: {  	_ =	shalt  }
0x86: {  	_ =	shalt  }
0x87: {  	_ =	shalt  }
.Lfunc_end0:
.L_simem_size_0:
called_computation_lowered:
.L_overlay_start_0:
0x88: {  	s2 =	sld [smem:$0x3FD9]  }
0x89: {  	s3 =	sld [smem:$0x3FFE];
	_ =	sdelay $0x1  }
0x8a: {  	s1 =	srdreg.scid  }
0x8b: {  	s0 =	sand.u32 $0x1, s1  }
0x8c: {  	s17 =	sshll.u32 s0, $0xA;
	s2 =	sadd.s32 s3, s2  }
0x8d: {  	s2 =	sadd.s32 s2, s17  }
0x8e: {  	[smem:$0x3FBD] =	sst s2  }
0x8f: {  	_ = 	snop  }
0x90: {  	s2 =	sld [smem:$0x3FD0];
	(tm) =	ssettm $0x1  }
0x91: {  	s18 =	sld [smem:$0x3FFB];
	_ =	sdelay $0x3  }
0x92: {  	_ =	strace s18  }
0x93: {  	s3 =	sld [smem:$0x3FFC];
	_ =	sdelay $0x3  }
0x94: {  	_ =	strace s3  }
0x95: {  	s3 =	sld [smem:$0x3FFD];
	_ =	sdelay $0x3  }
0x96: {  	_ =	strace s3  }
0x97: {  	_ =	strace $0x8FFFFFFF  }
0x98: {  	s19 =	sld [smem:$0x3FDB];
	_ =	sdelay $0x1  }
0x99: {  	s4 =	simm.s32 $_scs_section_size  }
0x9a: {  	s5 =	simm.s32 $_size__tile_overlayer_lowered;
	s6 =	simm.s32 $_tile_overlayer_lowered  }
0x9b: {  	s22 =	simm.s32 $0x1BFF;
	s21 =	sshll.u32 s6, $0x1;
	s3 =	sadd.s32 s4, s19  }
0x9c: {  	s7 =	simm.s32 $0x0;
	s20 =	sshll.u32 s5, $0x1;
	s5 =	sadd.s32 s21, s3  }
0x9d: {  	[timem:s7], [sflag:s22] =	dma.local [hbm:s5], s20  }
0x9e: {  	_ =	swait.ge [sflag:s22], s20  }
0x9f: {  	s4 =	ssub.s32 $0x0, s20;
	[sflag:s22] =	ssyncset.done $0x0  }
0xa0: {  	[sflag:s22] =	ssyncadd.s32 s4;
	_ =	sdelay $0x1  }
0xa1: {  	s23 =	simm.s32 $0x1B8B  }
0xa2: {  	_ =	swait.ge [sflag:s23], $0x1  }
0xa3: {  	[sflag:s23] =	ssyncset.done $0x0  }
0xa4: {  	s25 =	simm.s32 $0x1B8E;
	s24 =	sld [smem:$0x3FFE];
	[sflag:s23] =	ssyncadd.s32 $0xFFFFFFFF  }
0xa5: {  	s26 =	simm.s32 $execute0_lowered;
	[smem:$0x3FD2] =	sst s25  }
0xa6: {  	s5 =	sshll.u32 s26, $0x1;
	_ =	strace $0x80000046;
	[dreg:$0x1] =	wrdreg $0xFFFFFFFF  }
0xa7: {  	s28 =	simm.s32 $_size_execute0_lowered;
	s3 =	sadd.s32 s3, s5;
	[dreg:$0x0] =	wrdreg $0x0  }
0xa8: {  	s5 =	sshll.u32 s28, $0x1;
	[dreg:$0x2] =	wrdreg s3  }
0xa9: {  	[dreg:$0x3] =	wrdreg s5  }
0xaa: {  	[dreg:$0x4] =	wrdreg $0xC0  }
0xab: {  	_ =	task [dreg:s7], $0x5FFFF  }
0xac: {  	[dreg:$0x1] =	wrdreg $0xFFFFFFFF  }
0xad: {  	[dreg:$0x0] =	wrdreg $0x60  }
0xae: {  	[dreg:$0x2] =	wrdreg s24  }
0xaf: {  	[dreg:$0x3] =	wrdreg s2  }
0xb0: {  	[dreg:$0x4] =	wrdreg $0x9  }
0xb1: {  	_ =	task.clear_ibuf [dreg:s7], $0x5FFFF;
	_ =	strace $0x90000046  }
0xb2: {  	s29 =	simm.s32 $0x9;
	_ =	strace $0x80000048  }
0xb3: {  	_ =	swait.ge [sflag:s29], $0x1  }
0xb4: {  	[sflag:s29] =	ssyncadd.s32 $0xFFFFFFFF  }
0xb5: {  	_ =	strace $0x90000048  }
0xb6: {  	_ =	sfence  }
0xb7: {  	s30 =	sld [smem:$0x0];
	_ =	sdelay $0x2  }
0xb8: {  	s31 =	sshll.u32 s1, $0xD;
	s1 =	sshrl.u32 s1, $0x2  }
0xb9: {  	s3 =	sand.u32 $0x4000, s31;
	s1 =	sadd.s32 s1, s30  }
0xba: {  	s0 =	sor.u32 s3, s0;
	s1 =	sshll.u32 s1, $0x11  }
0xbb: {  	s0 =	sor.u32 s1, s0  }
0xbc: {  	s0 =	sadd.s32 $0x8F2B, s0  }
0xbd: {  	[sflag:s0] =	ssyncadd.remote.s32 $0x1  }
0xbe: {  	_ =	sfence.sel $0xFFFF  }
0xbf: {  	[dreg:$0x0] =	wrdreg $0xFFFFFFFF;
	(pc) =	sbr.abs _section_cstart, $3  }
0xc0: {  	[dreg:$0x1] =	wrdreg $0xFFFFFFFF  }
0xc1: {  	_ =	task.clear_ibuf [dreg:s7], $0x2FFFF;
	_ =	strace $0x9FFFFFFF  }
0xc2: {  	(tm) =	ssettm $0x7FFFFFFF  }
0xc3: {  	_ =	shalt  }
tec
execute0_lowered:
.L_overlay_start_1:
0x0: {  	(tag) =	ssettag $0x1  }
0x1: {  	s0 =	srdreg.scid  }
0x2: {  	s4 =	sand.u32 $0x1, s0;
	s0 =	stileid.u32  }
0x3: {  	s3 =	sshll.u32 s0, $0x1;
	s5 =	ssub.s32 $0x0, s4  }
0x4: {  	p0 =	sne.s32 s3, s5  }
.Ltmp0:
0x5: {  	_ = 	snop;
	(pc) =	sbr.rel @p0 .LBB2_9-.Ltmp0, $4  }
0x6: {  	_ = 	snop  }
0x7: {  	s7 =	rddreg [dreg:$0x0]  }
0x8: {  	s2 =	rddreg [dreg:$0x1]  }
0x9: {  	s1 =	rddreg [dreg:$0x2];
	_ =	strace $0x80000047  }
0xa: {  	s3 =	sadd.s32 $0x2E00, s7;
	s8 =	ssub.s32 $0x2, s4  }
0xb: {  	v0 =	vimm.s32 $0x0;
	vm0 =	vmmov $0x1;
	vm11 =	vcmask $0x704;
	s4 =	sadd.s32 $0x3000, s7;
	s5 =	sadd.s32 $0x3200, s7;
	s6 =	sadd.s32 $0x3600, s7  }
0xc: {  	vm12 =	vcmask $0xB08;
	vm13 =	vcmask $0xF0C;
	vm2 =	vcmask $0x1310;
	s7 =	sadd.s32 $0x3800, s7;
	s10 =	simm.s32 $0x1;
	s11 =	simm.s32 $0x1000  }
0xd: {  	vm3 =	vcmask $0x1714;
	vm4 =	vcmask $0x1B18;
	v1 =	vlaneseq.u32;
	s12 =	simm.s32 $0x2000;
	s13 =	simm.s32 $0x3400;
	s9 =	sshrl.u32 s8, $0x1  }
0xe: {  	vm5 =	vcmask $0x1F1C;
	v5 =	vimm.f32 $0.0e+00;
	vm14 =	vmmov $0x7fff;
	s14 =	simm.s32 $0x4800;
	s15 =	simm.s32 $0x4880;
	s8 =	ssub.s32 s8, s9  }
0xf: {  	s16 =	simm.s32 $0x0;
	v2 =	vadd.s32 $0x1, v1;
	v3 =	vadd.s32 $0x11, v1;
	v4 =	vadd.s32 $0x21, v1;
	s9 =	simm.s32 $0x0;
	s8 =	smax.u32 s8, $0x1  }
.LBB2_2:
0x10: {  	[tilespmem:s9], [sflag:$0x1] =	stream.linear.gather [hbm4b:s3+s9], $0x1000, $0x38;
	[tilespmem:$0x5880] =	vst v63  }
0x11: {  	_ =	swait.ge [sflag:s10], $0x1000  }
0x12: {  	[sflag:s10] =	ssyncset.done $0x0  }
0x13: {  	[sflag:s10] =	ssyncadd.s32 $0xFFFFF000  }
0x14: {  	[tilespmem:s11], [sflag:$0x1] =	stream.linear.gather [hbm4b:s4+s9], $0x1000, $0x38;
	[tilespmem:$0x5880] =	vst v63  }
0x15: {  	_ =	swait.ge [sflag:s10], $0x1000  }
0x16: {  	[sflag:s10] =	ssyncset.done $0x0  }
0x17: {  	s17 =	simm.s32 $0x0;
	[sflag:s10] =	ssyncadd.s32 $0xFFFFF000  }
0x18: {  	v7 =	vld [tilespmem:s17+$0x0];
	_ =	sdelay $0x4  }
0x19: {  	vm1 =	veq.s32 v7, $0x0  }
0x1a: {  	vm8 =	veq.s32 v7, $0x1;
	v6 =	vsel vm1, $0x1, v0  }
0x1b: {  	s31 =	simm.s32 $0x10;
	vm1 =	veq.s32 v7, $0x2;
	v8 =	vsel vm8, $0x1, v0;
	(xrf0) =	vadd.scan.msk.s32 $0xffff, v6  }
0x1c: {  	vm8 =	veq.s32 v7, $0x3;
	v6 =	vld [tilespmem:s31+$0x0];
	v9 =	vsel vm1, $0x1, v0;
	(xrf0) =	vadd.scan.msk.s32 $0xffff, v8  }
0x1d: {  	vm1 =	veq.s32 v7, $0x4;
	v8 =	vsel vm8, $0x1, v0;
	(xrf0) =	vadd.scan.msk.s32 $0xffff, v9  }
0x1e: {  	v9 =	vsel vm1, $0x1, v0;
	vm1 =	veq.s32 v7, $0x5;
	(xrf0) =	vadd.scan.msk.s32 $0xffff, v8  }
0x1f: {  	v8 =	vsel vm1, $0x1, v0;
	vm1 =	veq.s32 v7, $0x6;
	(xrf0) =	vadd.scan.msk.s32 $0xffff, v9  }
0x20: {  	v10 =	vsel vm1, $0x1, v0;
	vm1 =	veq.s32 v7, $0x7;
	v7 =	vimm.s32 $0x0;
	(xrf0) =	vadd.scan.msk.s32 $0xffff, v8  }
0x21: {  	s17 =	simm.s32 $0x80;
	vm8 =	veq.s32 v6, $0x3;
	vm15 =	veq.s32 v6, $0x4;
	v8 =	vsel vm1, $0x1, v0;
	v9, _, _ =	vpop (xrf0);
	(xrf0) =	vadd.scan.msk.s32 $0xffff, v10  }
.LBB2_3:
0x22: {  	p0 =	sne.s32 s17, $0x3FC0;
	vm1 =	veq.s32 v6, $0x1;
	vm9 =	veq.s32 v6, $0x2;
	v9 =	vbroadcast v9, $0xF;
	v10, _, _ =	vpop (xrf0);
	(xrf0) =	vadd.scan.msk.s32 $0xffff, v8  }
0x23: {  	vm10 =	veq.s32 v6, $0x0;
	v8 =	vsel vm1, $0x1, v0;
	v10 =	vbroadcast v10, $0xF;
	v11, _, _ =	vpop (xrf0)  }
0x24: {  	v12 =	vsel vm10, $0x1, v0;
	v9 =	vnsel vm0, $0x0, v9;
	v11 =	vbroadcast v11, $0xF;
	v13, _, _ =	vpop (xrf0)  }
0x25: {  	v7 =	vadd.s32 v7, v9;
	v9 =	vnsel vm11, $0x0, v10;
	v10 =	vbroadcast v13, $0xF;
	v13, _, _ =	vpop (xrf0)  }
0x26: {  	v7 =	vadd.s32 v9, v7;
	v9 =	vnsel vm12, $0x0, v11;
	v11 =	vbroadcast v13, $0xF;
	v13, _, _ =	vpop (xrf0)  }
0x27: {  	v7 =	vadd.s32 v9, v7;
	v9 =	vnsel vm13, $0x0, v10;
	v10 =	vbroadcast v13, $0xF;
	v13, _, _ =	vpop (xrf0)  }
0x28: {  	v7 =	vadd.s32 v9, v7;
	v9 =	vnsel vm2, $0x0, v11;
	v11 =	vbroadcast v13, $0xF;
	v13, _, _ =	vpop (xrf0)  }
0x29: {  	s18 =	sshra.s32 s17, $0x2;
	(xrf0) =	vadd.scan.msk.s32 $0xffff, v12;
	v7 =	vadd.s32 v9, v7;
	v9 =	vnsel vm3, $0x0, v10;
	v10 =	vbroadcast v13, $0xF;
	v12 =	vmovc v6  }
0x2a: {  	v13 =	vsel vm9, $0x1, v0;
	v6 =	vld [tilespmem:s18+$0x0];
	(xrf0) =	vadd.scan.msk.s32 $0xffff, v8;
	v7 =	vadd.s32 v9, v7;
	v8 =	vnsel vm4, $0x0, v11  }
.Ltmp1:
0x2b: {  	v9 =	vsel vm8, $0x1, v0;
	(xrf0) =	vadd.scan.msk.s32 $0xffff, v13;
	v7 =	vadd.s32 v8, v7;
	v8 =	vnsel vm5, $0x0, v10;
	(pc) =	sbr.rel @p0 .LBB2_3-.Ltmp1, $4  }
0x2c: {  	vm1 =	veq.s32 v12, $0x5;
	v10 =	vsel vm15, $0x1, v0;
	(xrf0) =	vadd.scan.msk.s32 $0xffff, v9;
	v7 =	vadd.s32 v8, v7  }
0x2d: {  	v8 =	vsel vm1, $0x1, v0;
	vm1 =	veq.s32 v12, $0x6;
	(xrf0) =	vadd.scan.msk.s32 $0xffff, v10  }
0x2e: {  	v10 =	vsel vm1, $0x1, v0;
	vm1 =	veq.s32 v12, $0x7;
	(xrf0) =	vadd.scan.msk.s32 $0xffff, v8  }
0x2f: {  	s17 =	sadd.s32 $0x40, s17;
	v8 =	vsel vm1, $0x1, v0;
	vm8 =	veq.s32 v6, $0x3;
	vm15 =	veq.s32 v6, $0x4;
	v9, _, _ =	vpop (xrf0);
	(xrf0) =	vadd.scan.msk.s32 $0xffff, v10  }
0x30: {  	vm1 =	veq.s32 v6, $0x1;
	v9 =	vbroadcast v9, $0xF;
	v10, _, _ =	vpop (xrf0);
	vm9 =	veq.s32 v6, $0x0  }
0x31: {  	v25 =	vsel vm15, $0x1, v0;
	v11 =	vsel vm1, $0x1, v0;
	v10 =	vbroadcast v10, $0xF;
	v12, _, _ =	vpop (xrf0)  }
0x32: {  	v13 =	vsel vm9, $0x1, v0;
	v9 =	vnsel vm0, $0x0, v9;
	v12 =	vbroadcast v12, $0xF;
	v14, _, _ =	vpop (xrf0)  }
0x33: {  	(xrf0) =	vadd.scan.msk.s32 $0xffff, v8;
	v7 =	vadd.s32 v7, v9;
	v8 =	vnsel vm11, $0x0, v10;
	v17 =	vbroadcast v14, $0xF  }
0x34: {  	vm1 =	veq.s32 v6, $0x2;
	v19, _, _ =	vpop (xrf0);
	(xrf0) =	vadd.scan.msk.s32 $0xffff, v13;
	v7 =	vadd.s32 v8, v7;
	v8 =	vnsel vm12, $0x0, v12  }
0x35: {  	v18 =	vsel vm1, $0x1, v0;
	v21, _, _ =	vpop (xrf0);
	(xrf0) =	vadd.scan.msk.s32 $0xffff, v11;
	v7 =	vadd.s32 v8, v7;
	v8 =	vnsel vm13, $0x0, v17  }
0x36: {  	vm1 =	veq.s32 v6, $0x5;
	(xrf0) =	vadd.scan.msk.s32 $0xffff, v18;
	v7 =	vadd.s32 v8, v7;
	v8 =	vsel vm8, $0x1, v0  }
0x37: {  	v26 =	vsel vm1, $0x1, v0;
	vm1 =	veq.s32 v6, $0x6;
	v20 =	vbroadcast v19, $0xF;
	v23, _, _ =	vpop (xrf0);
	(xrf0) =	vadd.scan.msk.s32 $0xffff, v8  }
0x38: {  	v28 =	vsel vm1, $0x1, v0;
	vm1 =	veq.s32 v6, $0x7;
	v22 =	vbroadcast v21, $0xF;
	(xrf0) =	vadd.scan.msk.s32 $0xffff, v25  }
0x39: {  	v30 =	vsel vm1, $0x1, v0;
	v24 =	vnsel vm2, $0x0, v20;
	v8 =	vbroadcast v23, $0xF;
	v27, _, _ =	vpop (xrf0);
	(xrf0) =	vadd.scan.msk.s32 $0xffff, v26  }
0x3a: {  	v7 =	vadd.s32 v24, v7;
	v6 =	vnsel vm3, $0x0, v22;
	v29 =	vbroadcast v27, $0xF;
	v31, _, _ =	vpop (xrf0);
	(xrf0) =	vadd.scan.msk.s32 $0xffff, v28  }
0x3b: {  	v6 =	vadd.s32 v6, v7;
	v7 =	vnsel vm4, $0x0, v8;
	v8 =	vbroadcast v31, $0xF;
	v32, _, _ =	vpop (xrf0);
	(xrf0) =	vadd.scan.msk.s32 $0xffff, v30  }
0x3c: {  	v6 =	vadd.s32 v7, v6;
	v7 =	vnsel vm5, $0x0, v29;
	v33 =	vbroadcast v32, $0xF;
	v34, _, _ =	vpop (xrf0)  }
0x3d: {  	v6 =	vadd.s32 v7, v6;
	v7 =	vnsel vm0, $0x0, v8;
	v8 =	vbroadcast v34, $0xF;
	v35, _, _ =	vpop (xrf0)  }
0x3e: {  	v6 =	vadd.s32 v6, v7;
	v7 =	vnsel vm11, $0x0, v33;
	v36 =	vbroadcast v35, $0xF;
	v37, _, _ =	vpop (xrf0)  }
0x3f: {  	v6 =	vadd.s32 v7, v6;
	v7 =	vnsel vm12, $0x0, v8;
	v8 =	vbroadcast v37, $0xF;
	v38, _, _ =	vpop (xrf0)  }
0x40: {  	v6 =	vadd.s32 v7, v6;
	v7 =	vnsel vm13, $0x0, v36;
	v39 =	vbroadcast v38, $0xF;
	v40, _, _ =	vpop (xrf0)  }
0x41: {  	v6 =	vadd.s32 v7, v6;
	v7 =	vnsel vm2, $0x0, v8;
	v8 =	vbroadcast v40, $0xF;
	v41, _, _ =	vpop (xrf0)  }
0x42: {  	v6 =	vadd.s32 v7, v6;
	v7 =	vnsel vm3, $0x0, v39;
	v42 =	vbroadcast v41, $0xF  }
0x43: {  	v6 =	vadd.s32 v7, v6;
	v7 =	vnsel vm4, $0x0, v8  }
0x44: {  	v6 =	vadd.s32 v7, v6;
	v7 =	vnsel vm5, $0x0, v42  }
0x45: {  	v6 =	vadd.s32 v7, v6  }
0x46: {  	v6 =	vadd.s32 $0x7F, v6  }
0x47: {  	v6 =	vshra.s32 v6, $0x7  }
0x48: {  	(xrf0) =	vadd.scan.msk.s32 $0xffff, v6;
	_ =	sdelay $0x5  }
0x49: {  	v7, _, _ =	vpop (xrf0)  }
0x4a: {  	vm1 =	vcmask $0x308;
	v8 =	vnsel vm0, $0x0, v7  }
0x4b: {  	(xrf0) =	vadd.scan.msk.s32 $0xffff, v8;
	v8 =	vsel vm1, $0x0, v7;
	vm1 =	vcmask $0x70C  }
0x4c: {  	(xrf0) =	vadd.scan.msk.s32 $0xffff, v8;
	v8 =	vsel vm1, $0x0, v7;
	vm1 =	vcmask $0xB10  }
0x4d: {  	(xrf0) =	vadd.scan.msk.s32 $0xffff, v8;
	v8 =	vsel vm1, $0x0, v7;
	vm1 =	vcmask $0xF14  }
0x4e: {  	(xrf0) =	vadd.scan.msk.s32 $0xffff, v8;
	v8 =	vsel vm1, $0x0, v7;
	vm1 =	vcmask $0x1318  }
0x4f: {  	(xrf0) =	vadd.scan.msk.s32 $0xffff, v8;
	v8 =	vsel vm1, $0x0, v7;
	vm1 =	vcmask $0x171C  }
0x50: {  	(xrf0) =	vadd.scan.msk.s32 $0xffff, v8;
	v8 =	vsel vm1, $0x0, v7  }
0x51: {  	v43, _, _ =	vpop (xrf0);
	(xrf0) =	vadd.scan.msk.s32 $0xffff, v8  }
0x52: {  	v8 =	vbroadcast v43, $0xF;
	v44, _, _ =	vpop (xrf0)  }
0x53: {  	v9 =	vbroadcast v44, $0xF;
	v45, _, _ =	vpop (xrf0)  }
0x54: {  	vm1 =	vlt.s32 v8, v2;
	v10 =	vbroadcast v45, $0xF;
	v46, _, _ =	vpop (xrf0)  }
0x55: {  	v47 =	vsel vm1, $0x1, v0;
	vm1 =	vlt.s32 v9, v2;
	v48, _, _ =	vpop (xrf0)  }
0x56: {  	v11 =	vbroadcast v46, $0xF;
	vm8 =	vlt.s32 v10, v2;
	v13 =	vbroadcast v48, $0xF;
	v49, _, _ =	vpop (xrf0)  }
0x57: {  	v15 =	vsel vm1, $0x1, v0;
	v16 =	vsel vm8, $0x1, v0;
	v14 =	vbroadcast v49, $0xF;
	v17, _, _ =	vpop (xrf0)  }
0x58: {  	vm1 =	vlt.s32 v11, v2;
	v12 =	vadd.s32 v15, v47;
	v17 =	vbroadcast v17, $0xF  }
0x59: {  	vm8 =	vlt.s32 v13, v2;
	v18 =	vsel vm1, $0x1, v0;
	vm1 =	vlt.s32 v14, v2  }
0x5a: {  	v12 =	vadd.s32 v16, v12;
	v50 =	vsel vm1, $0x1, v0;
	vm1 =	vlt.s32 v17, v2  }
0x5b: {  	v19 =	vsel vm8, $0x1, v0;
	v51 =	vsel vm1, $0x1, v0;
	vm1 =	vlt.s32 v8, v3  }
0x5c: {  	v12 =	vadd.s32 v18, v12;
	v52 =	vsel vm1, $0x1, v0;
	vm1 =	vlt.s32 v9, v3  }
0x5d: {  	v12 =	vadd.s32 v19, v12;
	v53 =	vsel vm1, $0x1, v0;
	vm1 =	vlt.s32 v10, v3  }
0x5e: {  	v12 =	vadd.s32 v50, v12;
	v54 =	vsel vm1, $0x1, v0;
	vm1 =	vlt.s32 v11, v3  }
0x5f: {  	v12 =	vadd.s32 v51, v12;
	v55 =	vsel vm1, $0x1, v0;
	vm1 =	vlt.s32 v13, v3  }
0x60: {  	v18 =	vadd.s32 v53, v52;
	v56 =	vsel vm1, $0x1, v0;
	vm1 =	vlt.s32 v14, v3  }
0x61: {  	v15 =	vadd.s32 v54, v18;
	v57 =	vsel vm1, $0x1, v0;
	vm1 =	vlt.s32 v17, v3  }
0x62: {  	v15 =	vadd.s32 v55, v15;
	v58 =	vsel vm1, $0x1, v0;
	vm1 =	vlt.s32 v8, v4  }
0x63: {  	v8 =	vadd.s32 v56, v15;
	v59 =	vsel vm1, $0x1, v0;
	vm1 =	vlt.s32 v9, v4  }
0x64: {  	v8 =	vadd.s32 v57, v8;
	v9 =	vsel vm1, $0x1, v0;
	vm1 =	vlt.s32 v10, v4  }
0x65: {  	v9 =	vadd.s32 v9, v59;
	v10 =	vsel vm1, $0x1, v0;
	vm1 =	vlt.s32 v11, v4  }
0x66: {  	v9 =	vadd.s32 v10, v9;
	v60 =	vsel vm1, $0x1, v0;
	vm1 =	vlt.s32 v13, v4  }
0x67: {  	v9 =	vadd.s32 v60, v9;
	v61 =	vsel vm1, $0x1, v0;
	vm1 =	vlt.s32 v14, v4  }
0x68: {  	v9 =	vadd.s32 v61, v9;
	v62 =	vsel vm1, $0x1, v0;
	vm1 =	vlt.s32 v17, v4  }
0x69: {  	[tilespmem:$0x4800] =	vst v12;
	v8 =	vadd.s32 v58, v8;
	v63 =	vsel vm1, $0x1, v0;
	v9 =	vadd.s32 v62, v9  }
0x6a: {  	[tilespmem:$0x4810] =	vst v8;
	v8 =	vadd.s32 v63, v9  }
0x6b: {  	vm6 =	vmmov vm12;
	vm7 =	vmmov vm13;
	s17 =	simm.s32 $0x40;
	s18 =	simm.s32 $0x0;
	[tilespmem:$0x4820] =	vst v8  }
.LBB2_5:
0x6c: {  	p0 =	sne.s32 s17, $0x4FC0;
	[tilespmem:s18+$0x2000] =	vst v0;
	s19 =	smov.u32 s17;
	s17 =	sadd.s32 $0x40, s17  }
.Ltmp2:
0x6d: {  	[tilespmem:s18+$0x3400] =	vst v5;
	(pc) =	sbr.rel @p0 .LBB2_5-.Ltmp2, $2  }
0x6e: {  	_ =	sdelay $0x2  }
0x6f: {  	s18 =	sshra.s32 s19, $0x2  }
0x70: {  	[tilespmem:s18+$0x2000] =	vst v0  }
0x71: {  	[tilespmem:s18+$0x3400] =	vst v5;
	s17 =	simm.s32 $0x0  }
0x72: {  	v8 =	vld [tilespmem:s17+$0x0];
	_ =	sdelay $0x4  }
0x73: {  	vm15 =	veq.s32 v8, $0x0  }
0x74: {  	vm13 =	veq.s32 v8, $0x1;
	v9 =	vsel vm15, $0x1, v0  }
0x75: {  	v10 =	vsel vm13, $0x1, v0;
	(xrf0) =	vadd.scan.msk.s32 $0xffff, v9  }
0x76: {  	(xrf0) =	vadd.scan.msk.s32 $0xffff, v10;
	_ =	sdelay $0x1  }
0x77: {  	vm12 =	veq.s32 v8, $0x2  }
0x78: {  	v11 =	vsel vm12, $0x1, v0  }
0x79: {  	(xrf0) =	vadd.scan.msk.s32 $0xffff, v11  }
0x7a: {  	vm1 =	veq.s32 v8, $0x3;
	v15, _, _ =	vpop (xrf0)  }
0x7b: {  	v6 =	vsub.s32 v7, v6;
	vm11 =	veq.s32 v8, $0x4;
	v12 =	vsel vm1, $0x1, v0;
	v18, _, _ =	vpop (xrf0)  }
0x7c: {  	vm10 =	veq.s32 v8, $0x5;
	v13 =	vsel vm11, $0x1, v0;
	(xrf0) =	vadd.scan.msk.s32 $0xffff, v12;
	v10 =	vsub.s32 v18, v10  }
0x7d: {  	vm9 =	veq.s32 v8, $0x6;
	v7 =	vsel vm10, $0x1, v0;
	(xrf0) =	vadd.scan.msk.s32 $0xffff, v13;
	v9 =	vsub.s32 v15, v9  }
0x7e: {  	vm8 =	veq.s32 v8, $0x7;
	v14 =	vsel vm9, $0x1, v0;
	(xrf0) =	vadd.scan.msk.s32 $0xffff, v7;
	v9 =	vnsel vm15, $0x0, v9  }
0x7f: {  	v17 =	vsel vm8, $0x1, v0;
	(xrf0) =	vadd.scan.msk.s32 $0xffff, v14;
	v9 =	vsel vm13, v10, v9;
	v10, _, _ =	vpop (xrf0)  }
0x80: {  	v15 =	vsel vm14, $0x0, v15;
	(xrf0) =	vadd.scan.msk.s32 $0xffff, v17;
	v11 =	vsub.s32 v10, v11;
	v10 =	vsel vm14, $0x0, v10  }
0x81: {  	(xrf0) =	vadd.scan.msk.s32 $0xffff, v15;
	v18 =	vsel vm14, $0x0, v18  }
0x82: {  	(xrf0) =	vadd.scan.msk.s32 $0xffff, v18;
	v55, _, _ =	vpop (xrf0)  }
0x83: {  	v9 =	vsel vm12, v11, v9;
	v11 =	vsub.s32 v55, v12;
	(xrf0) =	vadd.scan.msk.s32 $0xffff, v10;
	v10, _, _ =	vpop (xrf0)  }
0x84: {  	v9 =	vsel vm1, v11, v9;
	v11 =	vsub.s32 v10, v13  }
0x85: {  	v10 =	vsel vm14, $0x0, v10  }
0x86: {  	v56 =	vsel vm14, $0x0, v55;
	v57, _, _ =	vpop (xrf0)  }
0x87: {  	v16 =	vimm.s32 $0x0;
	v6 =	vshll.u32 v6, $0x7;
	(xrf0) =	vadd.scan.msk.s32 $0xffff, v56;
	v9 =	vsel vm11, v11, v9;
	v11, _, _ =	vpop (xrf0)  }
0x88: {  	v54 =	vadd.s32 v6, v16;
	v8 =	vadd.s32 $0x10, v8;
	v7 =	vsub.s32 v57, v7;
	(xrf0) =	vadd.scan.msk.s32 $0xffff, v10;
	v10, _, _ =	vpop (xrf0)  }
0x89: {  	v8 =	vperm.xlane v54, v8;
	v7 =	vsel vm10, v7, v9;
	v9 =	vsel vm14, $0x0, v57;
	v60, _, _ =	vpop (xrf0)  }
0x8a: {  	v58 =	vsub.s32 v11, v14;
	v11 =	vsel vm14, $0x0, v11;
	(xrf0) =	vadd.scan.msk.s32 $0xffff, v9;
	v61, _, _ =	vpop (xrf0)  }
0x8b: {  	v7 =	vsel vm9, v58, v7;
	v59 =	vsub.s32 v10, v17;
	(xrf0) =	vadd.scan.msk.s32 $0xffff, v11;
	v11 =	vbroadcast v61, $0xF  }
0x8c: {  	vm1 =	vcmask $0x704;
	v9 =	vbroadcast v60, $0xF;
	v7 =	vsel vm8, v59, v7  }
0x8d: {  	v7 =	vadd.s32 v8, v7;
	v8, _, _ =	vpop (xrf0);
	v11 =	vnsel vm1, $0x0, v11  }
0x8e: {  	v9 =	vnsel vm0, $0x0, v9;
	v8 =	vbroadcast v8, $0xF  }
0x8f: {  	v10 =	vsel vm14, $0x0, v10;
	v63, _, _ =	vpop (xrf0);
	v9 =	vadd.s32 v16, v9  }
0x90: {  	v9 =	vadd.s32 v11, v9;
	v8 =	vnsel vm6, $0x0, v8;
	v11, _, _ =	vpop (xrf0);
	(xrf0) =	vadd.scan.msk.s32 $0xffff, v10  }
0x91: {  	vm2 =	vcmask $0x1310;
	v13 =	vbroadcast v63, $0xF;
	v8 =	vadd.s32 v8, v9  }
0x92: {  	vm3 =	vcmask $0x1714;
	vm4 =	vcmask $0x1B18;
	v62 =	vor.u32 s17, v1  }
0x93: {  	s18 =	simm.s32 $0x1000;
	v12 =	vshrl.u32 v62, $0x1;
	v9 =	vnsel vm7, $0x0, v13;
	v10, _, _ =	vpop (xrf0);
	v11 =	vbroadcast v11, $0xF  }
0x94: {  	s19 =	simm.s32 $0x4880;
	s20 =	simm.s32 $0x10;
	s21 =	simm.s32 $0x4880;
	vm5 =	vcmask $0x1F1C;
	v9 =	vadd.s32 v9, v8;
	[tilespmem:v7+s12+$0x0] =	vst.idx.msk $0xffff, v12;
	v10 =	vbroadcast v10, $0xF;
	v8, _, _ =	vpop (xrf0)  }
.LBB2_7:
0x95: {  	v13 =	vnsel vm2, $0x0, v11;
	v12 =	vld [tilespmem:s18+$0x0];
	s17 =	sadd.s32 $0x10, s17;
	s18 =	sadd.s32 $0x10, s18;
	s19 =	sadd.s32 $0x10, s19  }
0x96: {  	p0 =	sne.s32 s20, $0xFF0;
	s22 =	smov.u32 s20;
	s20 =	sadd.s32 $0x10, s20;
	v9 =	vadd.s32 v13, v9;
	v10 =	vnsel vm3, $0x0, v10;
	v11, _, _ =	vpop (xrf0)  }
0x97: {  	v8 =	vbroadcast v8, $0xF;
	v9 =	vadd.s32 v10, v9;
	v10 =	vbroadcast v11, $0xF;
	_ =	sdelay $0x1  }
0x98: {  	v8 =	vnsel vm4, $0x0, v8  }
0x99: {  	v8 =	vadd.s32 v8, v9;
	v9 =	vnsel vm5, $0x0, v10;
	[tilespmem:v7+s13+$0x0] =	vst.idx.msk $0xffff, v12  }
0x9a: {  	v8 =	vadd.s32 v9, v8;
	[tilespmem:s21+$0x0] =	vst v7;
	s21 =	smov.u32 s19  }
0x9b: {  	v7 =	vld [tilespmem:s17+$0x0];
	_ =	sdelay $0x4  }
0x9c: {  	vm1 =	veq.s32 v7, $0x0;
	vm9 =	veq.s32 v7, $0x2;
	vm15 =	veq.s32 v7, $0x6  }
0x9d: {  	vm13 =	veq.s32 v7, $0x1;
	vm8 =	veq.s32 v7, $0x7;
	v9 =	vsel vm1, $0x1, v0  }
0x9e: {  	v12 =	vadd.s32 v6, v8;
	v10 =	vsel vm13, $0x1, v0;
	v11 =	vsel vm9, $0x1, v0;
	(xrf0) =	vadd.scan.msk.s32 $0xffff, v9  }
0x9f: {  	vm11 =	veq.s32 v7, $0x3;
	v13 =	vsel vm15, $0x1, v0;
	v14 =	vsel vm8, $0x1, v0;
	(xrf0) =	vadd.scan.msk.s32 $0xffff, v10  }
0xa0: {  	vm12 =	veq.s32 v7, $0x4;
	v15 =	vsel vm11, $0x1, v0;
	(xrf0) =	vadd.scan.msk.s32 $0xffff, v11  }
0xa1: {  	vm10 =	veq.s32 v7, $0x5;
	v16 =	vsel vm12, $0x1, v0;
	(xrf0) =	vadd.scan.msk.s32 $0xffff, v15  }
0xa2: {  	v17 =	vsel vm10, $0x1, v0;
	(xrf0) =	vadd.scan.msk.s32 $0xffff, v16  }
0xa3: {  	(xrf0) =	vadd.scan.msk.s32 $0xffff, v17  }
0xa4: {  	v7 =	vadd.s32 $0x10, v7;
	v18, _, _ =	vpop (xrf0);
	(xrf0) =	vadd.scan.msk.s32 $0xffff, v13  }
0xa5: {  	v7 =	vperm.xlane v12, v7;
	v9 =	vsub.s32 v18, v9;
	v19 =	vsel vm14, $0x0, v18;
	v12, _, _ =	vpop (xrf0);
	(xrf0) =	vadd.scan.msk.s32 $0xffff, v14  }
0xa6: {  	v9 =	vnsel vm1, $0x0, v9;
	v10 =	vsub.s32 v12, v10;
	v18, _, _ =	vpop (xrf0)  }
0xa7: {  	v20 =	vsel vm14, $0x0, v12;
	(xrf0) =	vadd.scan.msk.s32 $0xffff, v19;
	v9 =	vsel vm13, v10, v9;
	v10 =	vsub.s32 v18, v11  }
0xa8: {  	v18 =	vsel vm14, $0x0, v18;
	(xrf0) =	vadd.scan.msk.s32 $0xffff, v20;
	v12, _, _ =	vpop (xrf0);
	v9 =	vsel vm9, v10, v9  }
0xa9: {  	v10 =	vsub.s32 v12, v15;
	v19 =	vsel vm14, $0x0, v12;
	(xrf0) =	vadd.scan.msk.s32 $0xffff, v18;
	v11, _, _ =	vpop (xrf0);
	v15 =	vor.u32 s22, v1  }
0xaa: {  	v9 =	vsel vm11, v10, v9;
	vm11 =	vcmask $0x704;
	v20 =	vsub.s32 v11, v16;
	(xrf0) =	vadd.scan.msk.s32 $0xffff, v19;
	v12, _, _ =	vpop (xrf0)  }
0xab: {  	v18 =	vsel vm14, $0x0, v11;
	v9 =	vsel vm12, v20, v9;
	v11 =	vsub.s32 v12, v17;
	v16, _, _ =	vpop (xrf0)  }
0xac: {  	v9 =	vsel vm10, v11, v9;
	v11 =	vsel vm14, $0x0, v12;
	v12 =	vsub.s32 v16, v13;
	(xrf0) =	vadd.scan.msk.s32 $0xffff, v18;
	v10, _, _ =	vpop (xrf0)  }
0xad: {  	v17 =	vsel vm15, v12, v9;
	v12 =	vsel vm14, $0x0, v16;
	v13 =	vsub.s32 v10, v14;
	v14, _, _ =	vpop (xrf0);
	(xrf0) =	vadd.scan.msk.s32 $0xffff, v11  }
0xae: {  	v11 =	vbroadcast v14, $0xF;
	v16 =	vsel vm8, v13, v17;
	v13 =	vshrl.u32 v15, $0x1;
	v14, _, _ =	vpop (xrf0);
	(xrf0) =	vadd.scan.msk.s32 $0xffff, v12  }
0xaf: {  	v10 =	vsel vm14, $0x0, v10;
	v12 =	vbroadcast v14, $0xF;
	v7 =	vadd.s32 v7, v16;
	v9, _, _ =	vpop (xrf0)  }
.Ltmp3:
0xb0: {  	v11 =	vnsel vm0, $0x0, v11;
	v9 =	vbroadcast v9, $0xF;
	v14, _, _ =	vpop (xrf0);
	(xrf0) =	vadd.scan.msk.s32 $0xffff, v10;
	(pc) =	sbr.rel @p0 .LBB2_7-.Ltmp3, $4  }
0xb1: {  	v8 =	vadd.s32 v8, v11;
	v12 =	vnsel vm11, $0x0, v12;
	v11 =	vbroadcast v14, $0xF  }
0xb2: {  	v14 =	vadd.s32 v12, v8;
	v9 =	vnsel vm6, $0x0, v9;
	v10, _, _ =	vpop (xrf0)  }
0xb3: {  	v12 =	vadd.s32 v9, v14;
	v9 =	vnsel vm7, $0x0, v11;
	v11 =	vbroadcast v10, $0xF;
	v10, _, _ =	vpop (xrf0)  }
0xb4: {  	v9 =	vadd.s32 v9, v12;
	v10 =	vbroadcast v10, $0xF;
	[tilespmem:v7+s12+$0x0] =	vst.idx.msk $0xffff, v13;
	v8, _, _ =	vpop (xrf0)  }
0xb5: {  	v6 =	vld [tilespmem:s18+$0x0];
	_ =	sdelay $0x4  }
0xb6: {  	[tilespmem:v7+s13+$0x0] =	vst.idx.msk $0xffff, v6  }
0xb7: {  	[tilespmem:s21+$0x0] =	vst v7  }
0xb8: {  	v6, _, _ =	vpop (xrf0);
	[hbm4b:s2+s9] =	stream.linear.scatter [tilespmem:s12], [sflag:$0x1], $0x1400, $0x38;
	[tilespmem:$0x5880] =	vst v63  }
0xb9: {  	_ =	swait.ge [sflag:s10], $0x1400  }
0xba: {  	[sflag:s10] =	ssyncset.done $0x0  }
0xbb: {  	[sflag:s10] =	ssyncadd.s32 $0xFFFFEC00  }
0xbc: {  	[hbm4b:s5+s9] =	stream.linear.scatter [tilespmem:s13], [sflag:$0x1], $0x1400, $0x38;
	[tilespmem:$0x5880] =	vst v63  }
0xbd: {  	_ =	swait.ge [sflag:s10], $0x1400  }
0xbe: {  	[sflag:s10] =	ssyncset.done $0x0  }
0xbf: {  	[sflag:s10] =	ssyncadd.s32 $0xFFFFEC00  }
0xc0: {  	[hbm4b:s6+s9] =	stream.linear.scatter [tilespmem:s14], [sflag:$0x1], $0x80, $0x38;
	[tilespmem:$0x5880] =	vst v63  }
0xc1: {  	s16 =	sadd.s32 $0x1, s16;
	_ =	swait.ge [sflag:s10], $0x80  }
0xc2: {  	p0 =	sne.s32 s16, s8;
	[sflag:s10] =	ssyncset.done $0x0  }
.Ltmp4:
0xc3: {  	[sflag:s10] =	ssyncadd.s32 $0xFFFFFF80;
	(pc) =	sbr.rel @p0 .LBB2_2-.Ltmp4, $4  }
0xc4: {  	[hbm4b:s7+s9] =	stream.linear.scatter [tilespmem:s15], [sflag:$0x1], $0x1000, $0x38;
	[tilespmem:$0x5880] =	vst v63  }
0xc5: {  	_ =	swait.ge [sflag:s10], $0x1000  }
0xc6: {  	[sflag:s10] =	ssyncset.done $0x0  }
0xc7: {  	vm13 =	vmmov vm7;
	vm12 =	vmmov vm6;
	[sflag:s10] =	ssyncadd.s32 $0xFFFFF000  }
.LBB2_9:
0xc8: {  	_ =	sfence.sel $0x180000  }
0xc9: {  	[bflag:$0x0] =	sbarrier.arrive $0xFFFF  }
0xca: {  	p0 =	sne.s32 s0, $0x0;
	_ =	strace $0x90000047  }
0xcb: {  	s0 =	sadd.s32 @!p0 $0x100000, s1;
	[bflag:$0x2] =	sbarrier.arrive $0xFFFF  }
0xcc: {  	[sflag:s0] =	ssyncadd.tile.s32 @!p0 $0x1;
	_ =	shalt  }
.Lfunc_end2:
_tile_overlayer_lowered:
.L_overlay_start_2:
0xcd: {  	(tag) =	ssettag $0x2  }
0xce: {  	s0 =	rddreg [dreg:$0x0];
	s2 =	stileid.u32  }
0xcf: {  	s1 =	rddreg [dreg:$0x1];
	p0 =	sne.s32 s2, $0x0  }
0xd0: {  	s3 =	rddreg [dreg:$0x2];
	[bflag:$0x3] =	sbarrier.arrive $0xFFFF;
	s2 =	simm.s32 @!p0 $0x1C01  }
0xd1: {  	[timem:s3], [sflag:s2] =	dma.local @!p0 [hbm:s0], s1  }
0xd2: {  	s0 =	simm.s32 @!p0 $0x1  }
0xd3: {  	_ =	swait.ge @!p0 [sflag:s0], s1  }
0xd4: {  	s1 =	ssub.s32 @!p0 $0x0, s1;
	[sflag:s0] =	ssyncset.done @!p0 $0x0  }
0xd5: {  	[sflag:s0] =	ssyncadd.s32 @!p0 s1  }
0xd6: {  	[bflag:$0x3] =	sbarrier.arrive $0xFFFF  }
0xd7: {  	_ =	shalt  }

</sc_bundles>
